<compile_context>
chip_gen: v7x
topology: tpu7x:2x2x1
jax: 0.10.2.dev20260603
libtpu: 0.0.44.dev20260713+nightly
codegen_flags: <defaults>
</compile_context>

<pallas_src>
import functools

import jax
import jax.numpy as jnp
from jax import lax
from jax.experimental import pallas as pl
from jax.experimental.pallas import tpu as pltpu
from jax.experimental.pallas import tpu_sc as plsc

F32 = jnp.float32

ROW = 192
MROW = 176
CROW = 16
CH = 80
NB = 1000
EB = 2000
NC = 2
NS = 16


def _table_body(sf_ref, wgh_ref, p_ref, stats_ref):
    sf = sf_ref[...]
    p_ref[...] = jnp.dot(sf, wgh_ref[...], preferred_element_type=F32)
    stats_ref[:, 0:1] = jnp.sum(sf, axis=1, keepdims=True)
    stats_ref[:, 1:2] = jnp.sum(sf * sf, axis=1, keepdims=True)


def _edge_body(a_ref, b_ref, whD_ref, wh0D_ref, gsum_ref, wgs1_ref,
               ones17_ref, rs_ref, c1_ref, g1w3_ref, g1b3_ref, wu1D_ref,
               out_ref):
    a = a_ref[...]
    b = b_ref[...]
    p = a[:, 0:128]
    s1 = a[:, 179:180]
    s2 = a[:, 180:181]

    vall = a[:, 128:176]
    d3 = a[:, 176:179] - b[:, 0:3]
    vh = (jnp.dot(vall, whD_ref[...], preferred_element_type=F32)
          + jnp.dot(d3, wh0D_ref[...], preferred_element_type=F32))
    sq = vh * vh
    sh_sq = jnp.dot(sq, gsum_ref[...], preferred_element_type=F32) + 1e-8
    sh = jnp.sqrt(sh_sq)

    inv_d = 1.0 / 145.0
    t_ext = jnp.dot(sh, wgs1_ref[...], preferred_element_type=F32)
    sqsum = jnp.dot(sh_sq, ones17_ref[...], preferred_element_type=F32)
    m = (s1 + t_ext[:, 128:129]) * inv_d
    var = (s2 + sqsum) * inv_d - m * m
    inv_std = lax.rsqrt(var + 1e-5)

    y = (p + t_ext[:, 0:128] - m * rs_ref[...]) * inv_std + c1_ref[...]
    feats = y * jax.nn.sigmoid(y)

    gates3 = jnp.dot(feats, g1w3_ref[...],
                     preferred_element_type=F32) + g1b3_ref[...]
    gv3 = gates3 * jax.nn.sigmoid(gates3)
    vu = jnp.dot(vh, wu1D_ref[...], preferred_element_type=F32)

    out_ref[:, 0:128] = feats
    out_ref[:, 128:176] = gv3 * vu


def _node_body(s0_ref, vf_ref, acc_ref, lng_ref, lnb_ref, wh2_ref, wu2_ref,
               wg2h_ref, wg2s_ref, rs2_ref, c2_ref, g2w_ref, g2b_ref,
               s_out_ref, v_out_ref):
    acc = acc_ref[...]
    p0 = acc[0]
    p1 = acc[1]
    msg_s = jnp.concatenate([p0[:, 0:96], p1[:, 16:48]], axis=1)
    s = s0_ref[...] + msg_s
    vf = vf_ref[...]
    v = [vf[:, 16 * c:16 * c + 16] + p1[:, 48 + 16 * c:64 + 16 * c]
         for c in range(3)]

    lng = lng_ref[...]
    lnb = lnb_ref[...]
    mu = jnp.mean(s, axis=1, keepdims=True)
    var = jnp.mean(s * s, axis=1, keepdims=True) - mu * mu
    s_ln = (s - mu) * lax.rsqrt(var + 1e-5) * lng + lnb
    vq = v[0] * v[0] + v[1] * v[1] + v[2] * v[2]
    vn = jnp.sqrt(jnp.mean(vq, axis=1, keepdims=True) + 1e-8)
    inv_vn = 1.0 / vn
    vhat = [vc * inv_vn for vc in v]

    wh2 = wh2_ref[...]
    vh2 = [jnp.dot(vc, wh2, preferred_element_type=F32) for vc in vhat]
    sh_sq = vh2[0] * vh2[0] + vh2[1] * vh2[1] + vh2[2] * vh2[2] + 1e-8
    sh = jnp.sqrt(sh_sq)
    inv_d = 1.0 / 145.0
    m2 = (jnp.sum(s_ln, axis=1, keepdims=True)
          + jnp.sum(sh, axis=1, keepdims=True)) * inv_d
    var2 = (jnp.sum(s_ln * s_ln, axis=1, keepdims=True)
            + jnp.sum(sh_sq, axis=1, keepdims=True)) * inv_d - m2 * m2
    inv_std2 = lax.rsqrt(var2 + 1e-5)
    t2 = (jnp.dot(s_ln, wg2h_ref[...], preferred_element_type=F32)
          + jnp.dot(sh, wg2s_ref[...], preferred_element_type=F32))
    y2 = (t2 - m2 * rs2_ref[...]) * inv_std2 + c2_ref[...]
    feats2 = y2 * jax.nn.sigmoid(y2)
    gates2 = jnp.dot(feats2, g2w_ref[...], preferred_element_type=F32) + g2b_ref[...]
    gv2 = gates2 * jax.nn.sigmoid(gates2)

    wu2 = wu2_ref[...]
    s_new = s_ln + feats2
    v_new = []
    for c in range(3):
        vu2 = jnp.dot(vh2[c], wu2, preferred_element_type=F32)
        vres = gv2 * vu2
        v_new.append(vhat[c] + vres[:, 0:16])

    mu3 = jnp.mean(s_new, axis=1, keepdims=True)
    var3 = jnp.mean(s_new * s_new, axis=1, keepdims=True) - mu3 * mu3
    s_out_ref[...] = (s_new - mu3) * lax.rsqrt(var3 + 1e-5) * lng + lnb
    vq3 = v_new[0] * v_new[0] + v_new[1] * v_new[1] + v_new[2] * v_new[2]
    inv_vn3 = 1.0 / jnp.sqrt(jnp.mean(vq3, axis=1, keepdims=True) + 1e-8)
    for c in range(3):
        v_out_ref[:, 16 * c:16 * c + 16] = v_new[c] * inv_vn3


NBUF = 5


def _make_gather(n_edges):
    mesh = plsc.VectorSubcoreMesh(core_axis_name="c", subcore_axis_name="s",
                                  num_cores=NC, num_subcores=NS)
    per_w = n_edges // (NC * NS)
    n_ch = per_w // CH
    assert n_ch % NBUF == 0

    @functools.partial(
        pl.kernel,
        out_type=(jax.ShapeDtypeStruct((n_edges, ROW), F32),
                  jax.ShapeDtypeStruct((n_edges, CROW), F32)),
        mesh=mesh,
        scratch_types=(
            [pltpu.VMEM((CH,), jnp.int32) for _ in range(NBUF)]
            + [pltpu.VMEM((CH,), jnp.int32) for _ in range(NBUF)]
            + [pltpu.VMEM((CH, ROW), F32) for _ in range(NBUF)]
            + [pltpu.VMEM((CH, CROW), F32) for _ in range(NBUF)]
            + [pltpu.SemaphoreType.DMA for _ in range(4 * NBUF)]
        ),
        compiler_params=pltpu.CompilerParams(use_tc_tiling_on_sc=False),
    )
    def gather_k(tbl, ctbl, src, dst, a_out, b_out, *scr):
        idx_s = scr[0:NBUF]
        idx_d = scr[NBUF:2 * NBUF]
        rows = scr[2 * NBUF:3 * NBUF]
        crows = scr[3 * NBUF:4 * NBUF]
        gsa = scr[4 * NBUF:5 * NBUF]
        gsb = scr[5 * NBUF:6 * NBUF]
        wsa = scr[6 * NBUF:7 * NBUF]
        wsb = scr[7 * NBUF:8 * NBUF]
        wid = lax.axis_index("s") * NC + lax.axis_index("c")
        base0 = pl.multiple_of(wid * per_w, 8)

        for b in range(NBUF):
            base = pl.multiple_of(base0 + b * CH, 8)
            pltpu.sync_copy(src.at[pl.ds(base, CH)], idx_s[b])
            pltpu.sync_copy(dst.at[pl.ds(base, CH)], idx_d[b])
            pltpu.async_copy(tbl.at[idx_s[b]], rows[b], gsa[b])
            pltpu.async_copy(ctbl.at[idx_d[b]], crows[b], gsb[b])

        def body(g, carry):
            for b in range(NBUF):
                base = pl.multiple_of(base0 + (g * NBUF + b) * CH, 8)
                pltpu.make_async_copy(tbl.at[idx_s[b]], rows[b], gsa[b]).wait()
                pltpu.make_async_copy(ctbl.at[idx_d[b]], crows[b], gsb[b]).wait()
                pltpu.async_copy(rows[b], a_out.at[pl.ds(base, CH)], wsa[b])
                pltpu.async_copy(crows[b], b_out.at[pl.ds(base, CH)], wsb[b])

                @pl.when(g < (n_ch // NBUF) - 1)
                def _():
                    nbase = pl.multiple_of(base + NBUF * CH, 8)
                    pltpu.sync_copy(src.at[pl.ds(nbase, CH)], idx_s[b])
                    pltpu.sync_copy(dst.at[pl.ds(nbase, CH)], idx_d[b])
                    pltpu.make_async_copy(
                        rows[b], a_out.at[pl.ds(base, CH)], wsa[b]).wait()
                    pltpu.make_async_copy(
                        crows[b], b_out.at[pl.ds(base, CH)], wsb[b]).wait()
                    pltpu.async_copy(tbl.at[idx_s[b]], rows[b], gsa[b])
                    pltpu.async_copy(ctbl.at[idx_d[b]], crows[b], gsb[b])
            return carry

        lax.fori_loop(0, n_ch // NBUF, body, 0)
        last0 = pl.multiple_of(base0 + (n_ch - NBUF) * CH, 8)
        for b in range(NBUF):
            base = pl.multiple_of(last0 + b * CH, 8)
            pltpu.make_async_copy(rows[b], a_out.at[pl.ds(base, CH)], wsa[b]).wait()
            pltpu.make_async_copy(crows[b], b_out.at[pl.ds(base, CH)], wsb[b]).wait()

    return gather_k


SCW = 96


def _make_scatter(n_nodes, n_edges):
    mesh = plsc.VectorSubcoreMesh(core_axis_name="c", subcore_axis_name="s",
                                  num_cores=NC, num_subcores=NS)
    rows_pt = n_nodes // NS
    per_tile = n_edges // NS
    n_ch = per_tile // CH
    assert n_ch % NBUF == 0

    @functools.partial(
        pl.kernel,
        out_type=jax.ShapeDtypeStruct((NC, n_nodes, SCW), F32),
        mesh=mesh,
        scratch_types=(
            [pltpu.VMEM_SHARED((n_nodes, SCW), F32)]
            + [pltpu.VMEM((CH, SCW), F32) for _ in range(NBUF)]
            + [pltpu.VMEM((CH,), jnp.int32) for _ in range(NBUF)]
            + [pltpu.SemaphoreType.DMA for _ in range(2 * NBUF)]
        ),
        compiler_params=pltpu.CompilerParams(use_tc_tiling_on_sc=False),
    )
    def scatter_k(m, dstv, zeros, out, accum, *scr):
        mbuf = scr[0:NBUF]
        idxb = scr[NBUF:2 * NBUF]
        msem = scr[2 * NBUF:3 * NBUF]
        ssem = scr[3 * NBUF:4 * NBUF]
        cid = lax.axis_index("c")
        sid = lax.axis_index("s")
        col0 = cid * (MROW - SCW)
        pltpu.sync_copy(zeros, accum.at[pl.ds(sid * rows_pt, rows_pt)])
        plsc.subcore_barrier()

        base0 = pl.multiple_of(sid * per_tile, 8)

        for b in range(NBUF):
            base = pl.multiple_of(base0 + b * CH, 8)
            pltpu.sync_copy(dstv.at[pl.ds(base, CH)], idxb[b])
            pltpu.async_copy(m.at[pl.ds(base, CH), pl.ds(col0, SCW)],
                             mbuf[b], msem[b])

        def body(g, carry):
            for b in range(NBUF):
                base = pl.multiple_of(base0 + (g * NBUF + b) * CH, 8)
                pltpu.make_async_copy(m.at[pl.ds(base, CH), pl.ds(col0, SCW)],
                                      mbuf[b], msem[b]).wait()
                pltpu.async_copy(mbuf[b], accum.at[idxb[b]], ssem[b], add=True)

                @pl.when(g < (n_ch // NBUF) - 1)
                def _():
                    nbase = pl.multiple_of(base + NBUF * CH, 8)
                    pltpu.make_async_copy(mbuf[b], accum.at[idxb[b]],
                                          ssem[b]).wait()
                    pltpu.sync_copy(dstv.at[pl.ds(nbase, CH)], idxb[b])
                    pltpu.async_copy(m.at[pl.ds(nbase, CH), pl.ds(col0, SCW)],
                                     mbuf[b], msem[b])
            return carry

        lax.fori_loop(0, n_ch // NBUF, body, 0)
        for b in range(NBUF):
            pltpu.make_async_copy(mbuf[b], accum.at[idxb[b]], ssem[b]).wait()
        plsc.subcore_barrier()
        pltpu.sync_copy(accum.at[pl.ds(sid * rows_pt, rows_pt)],
                        out.at[cid, pl.ds(sid * rows_pt, rows_pt)])

    return scatter_k


def kernel(scalar_feat, coord_feat, vec_feat, edge_index,
           Wh1, Wu1, ln1_g, ln1_b, lin1_w, lin1_b, gate1_w, gate1_b,
           Wh2, Wu2, ln2_g, ln2_b, lin2_w, lin2_b, gate2_w, gate2_b,
           lnorm_g, lnorm_b):
    n, s_dim = scalar_feat.shape
    e = edge_index.shape[1]
    v_dim = vec_feat.shape[1]
    assert s_dim == 128 and v_dim == 16
    assert n % NB == 0 and e % EB == 0 and e % (NC * NS * CH) == 0
    assert n % NS == 0

    wg1 = lin1_w * ln1_g[None, :]
    wg1h = wg1[:, :s_dim].T
    wg1s = wg1[:, s_dim:].T
    rs1 = jnp.sum(wg1, axis=1)[None, :]
    c1 = (ln1_b @ lin1_w.T + lin1_b)[None, :]
    wh10 = Wh1[0:1, :]
    wh1v = Wh1[1:, :]
    h1 = Wh1.shape[1]
    zeros_b = jnp.zeros((v_dim, h1), F32)
    whD = jnp.block([[wh1v, zeros_b, zeros_b],
                     [zeros_b, wh1v, zeros_b],
                     [zeros_b, zeros_b, wh1v]])
    z1h = jnp.zeros((1, h1), F32)
    wh0D = jnp.block([[wh10, z1h, z1h],
                      [z1h, wh10, z1h],
                      [z1h, z1h, wh10]])
    eye_h = jnp.eye(h1, dtype=F32)
    gsum = jnp.concatenate([eye_h, eye_h, eye_h], axis=0)
    wgs1 = jnp.concatenate([wg1s, jnp.ones((h1, 1), F32)], axis=1)
    ones17 = jnp.ones((h1, 1), F32)
    g1w3 = jnp.tile(gate1_w.T, (1, 3))
    g1b3 = jnp.tile(gate1_b[None, :], (1, 3))
    zu = jnp.zeros((h1, v_dim), F32)
    wu1D = jnp.block([[Wu1, zu, zu],
                      [zu, Wu1, zu],
                      [zu, zu, Wu1]])

    wg2 = lin2_w * ln2_g[None, :]
    wg2h = wg2[:, :s_dim].T
    wg2s = wg2[:, s_dim:].T
    rs2 = jnp.sum(wg2, axis=1)[None, :]
    c2 = (ln2_b @ lin2_w.T + lin2_b)[None, :]
    g2w = gate2_w.T
    g2b = gate2_b[None, :]
    lng = lnorm_g[None, :]
    lnb = lnorm_b[None, :]

    vflat = vec_feat.transpose(0, 2, 1).reshape(n, 3 * v_dim)
    src = edge_index[0]
    dst = edge_index[1]

    grid_n = n // NB
    p, stats = pl.pallas_call(
        _table_body,
        grid=(grid_n,),
        in_specs=[
            pl.BlockSpec((NB, s_dim), lambda i: (i, 0)),
            pl.BlockSpec((s_dim, s_dim), lambda i: (0, 0)),
        ],
        out_specs=[
            pl.BlockSpec((NB, s_dim), lambda i: (i, 0)),
            pl.BlockSpec((NB, 16), lambda i: (i, 0)),
        ],
        out_shape=[
            jax.ShapeDtypeStruct((n, s_dim), F32),
            jax.ShapeDtypeStruct((n, 16), F32),
        ],
    )(scalar_feat, wg1h)

    tail = jnp.concatenate(
        [coord_feat, stats[:, 0:1], stats[:, 1:2],
         jnp.zeros((n, ROW - 128 - 48 - 5), F32)], axis=1)
    tbl = jnp.concatenate([p, vflat, tail], axis=1)
    ctbl = jnp.concatenate(
        [coord_feat, jnp.zeros((n, CROW - 3), F32)], axis=1)

    a_edges, b_edges = _make_gather(e)(tbl, ctbl, src, dst)

    grid_e = e // EB
    wspec = lambda shape: pl.BlockSpec(shape, lambda i: tuple(0 for _ in shape))
    m_edges = pl.pallas_call(
        _edge_body,
        grid=(grid_e,),
        in_specs=[
            pl.BlockSpec((EB, ROW), lambda i: (i, 0)),
            pl.BlockSpec((EB, CROW), lambda i: (i, 0)),
            wspec((48, 51)), wspec((3, 51)), wspec((51, 17)),
            wspec((17, 129)), wspec((17, 1)), wspec((1, 128)),
            wspec((1, 128)), wspec((128, 48)), wspec((1, 48)),
            wspec((51, 48)),
        ],
        out_specs=pl.BlockSpec((EB, MROW), lambda i: (i, 0)),
        out_shape=jax.ShapeDtypeStruct((e, MROW), F32),
    )(a_edges, b_edges, whD, wh0D, gsum, wgs1, ones17, rs1, c1, g1w3,
      g1b3, wu1D)

    zeros = jnp.zeros((n // NS, SCW), F32)
    partials = _make_scatter(n, e)(m_edges, dst, zeros)

    s_out, vflat_out = pl.pallas_call(
        _node_body,
        grid=(grid_n,),
        in_specs=[
            pl.BlockSpec((NB, s_dim), lambda i: (i, 0)),
            pl.BlockSpec((NB, 48), lambda i: (i, 0)),
            pl.BlockSpec((NC, NB, SCW), lambda i: (0, i, 0)),
            wspec((1, 128)), wspec((1, 128)),
            wspec((16, 17)), wspec((17, 17)),
            wspec((128, 128)), wspec((17, 128)),
            wspec((1, 128)), wspec((1, 128)),
            wspec((128, 17)), wspec((1, 17)),
        ],
        out_specs=[
            pl.BlockSpec((NB, s_dim), lambda i: (i, 0)),
            pl.BlockSpec((NB, 48), lambda i: (i, 0)),
        ],
        out_shape=[
            jax.ShapeDtypeStruct((n, s_dim), F32),
            jax.ShapeDtypeStruct((n, 48), F32),
        ],
    )(scalar_feat, vflat, partials, lng, lnb, Wh2, Wu2,
      wg2h, wg2s, rs2, c2, g2w, g2b)

    v_out = vflat_out.reshape(n, 3, v_dim).transpose(0, 2, 1)
    return s_out, v_out

# --- scband reference (transcript-rebuilt; emitter-appended) ---
"""Pipeline reference for scband-receptor-conv-66898410602531 (READ-ONLY COPY).

The authoritative reference and input builder live on the scoring server;
editing this copy changes nothing except your own understanding.
"""

import jax, jax.numpy as jnp
import numpy as np

N_NODES = 10000
N_EDGES = 320000
S = 128
V = 16


def _p(key, i, shape, scale):
    return jax.random.normal(jax.random.fold_in(key, i), shape, dtype=jnp.float32) * scale


def silu(x):
    return x * jax.nn.sigmoid(x)


def layer_norm(x, g, b, eps=1e-5):
    m = jnp.mean(x, axis=-1, keepdims=True)
    v = jnp.var(x, axis=-1, keepdims=True)
    return (x - m) / jnp.sqrt(v + eps) * g + b


def gvp(feats, vectors, Wh, Wu, ln_g, ln_b, lw, lb, gw, gb):
    # Geometric Vector Perceptron with vector gating + scalar layer norm
    Vh = jnp.einsum('nvc,vh->nhc', vectors, Wh)
    Vu = jnp.einsum('nhc,hu->nuc', Vh, Wu)
    sh = jnp.sqrt(jnp.sum(Vh * Vh, axis=-1) + 1e-8)
    s = jnp.concatenate([feats, sh], axis=-1)
    s = layer_norm(s, ln_g, ln_b)
    feats_out = silu(s @ lw.T + lb)
    gates = feats_out @ gw.T + gb
    vectors_out = silu(gates)[..., None] * Vu
    return feats_out, vectors_out


def gvp_layer_norm(s, v, g, b):
    s_out = layer_norm(s, g, b)
    vn = jnp.sum(v * v, axis=-1, keepdims=True)
    vn = jnp.sqrt(jnp.mean(vn, axis=-2, keepdims=True) + 1e-8)
    return s_out, v / vn


def setup_inputs(seed: int = 0):
    key = jax.random.key(seed)
    inp = {}
    inp['scalar_feat'] = jax.random.normal(jax.random.fold_in(key, 0), (N_NODES, S), dtype=jnp.float32)
    inp['coord_feat'] = jax.random.normal(jax.random.fold_in(key, 1), (N_NODES, 3), dtype=jnp.float32)
    inp['vec_feat'] = jax.random.normal(jax.random.fold_in(key, 2), (N_NODES, V, 3), dtype=jnp.float32)
    inp['edge_index'] = jax.random.randint(jax.random.fold_in(key, 3), (2, N_EDGES), 0, N_NODES, dtype=jnp.int32)
    h1 = max(V + 1, V)
    inp['Wh1'] = _p(key, 10, (V + 1, h1), (V + 1) ** -0.5)
    inp['Wu1'] = _p(key, 11, (h1, V), h1 ** -0.5)
    inp['ln1_g'] = jnp.ones((S + h1,), jnp.float32)
    inp['ln1_b'] = jnp.zeros((S + h1,), jnp.float32)
    inp['lin1_w'] = _p(key, 12, (S, S + h1), (S + h1) ** -0.5)
    inp['lin1_b'] = jnp.zeros((S,), jnp.float32)
    inp['gate1_w'] = _p(key, 13, (V, S), S ** -0.5)
    inp['gate1_b'] = jnp.zeros((V,), jnp.float32)
    h2 = max(V, V + 1)
    inp['Wh2'] = _p(key, 14, (V, h2), V ** -0.5)
    inp['Wu2'] = _p(key, 15, (h2, V + 1), h2 ** -0.5)
    inp['ln2_g'] = jnp.ones((S + h2,), jnp.float32)
    inp['ln2_b'] = jnp.zeros((S + h2,), jnp.float32)
    inp['lin2_w'] = _p(key, 16, (S, S + h2), (S + h2) ** -0.5)
    inp['lin2_b'] = jnp.zeros((S,), jnp.float32)
    inp['gate2_w'] = _p(key, 17, (V + 1, S), S ** -0.5)
    inp['gate2_b'] = jnp.zeros((V + 1,), jnp.float32)
    inp['lnorm_g'] = jnp.ones((S,), jnp.float32)
    inp['lnorm_b'] = jnp.zeros((S,), jnp.float32)
    return inp


def reference(scalar_feat, coord_feat, vec_feat, edge_index,
              Wh1, Wu1, ln1_g, ln1_b, lin1_w, lin1_b, gate1_w, gate1_b,
              Wh2, Wu2, ln2_g, ln2_b, lin2_w, lin2_b, gate2_w, gate2_b,
              lnorm_g, lnorm_b):
    N = scalar_feat.shape[0]
    src = edge_index[0]
    dst = edge_index[1]
    # apply_edges: u_sub_v('x','x'), copy_u('h'), copy_u('v')  (gathers)
    x_diff = coord_feat[src] - coord_feat[dst]
    h_e = scalar_feat[src]
    v_e = vec_feat[src]
    vec_feats = jnp.concatenate([x_diff[:, None, :], v_e], axis=1)  # [E, V+1, 3]
    scalar_msg_e, vec_msg_e = gvp(h_e, vec_feats, Wh1, Wu1, ln1_g, ln1_b, lin1_w, lin1_b, gate1_w, gate1_b)
    # update_all: copy_e + sum aggregation to dst (scatter-add)
    scalar_msg = jax.ops.segment_sum(scalar_msg_e, dst, num_segments=N)
    vec_msg = jax.ops.segment_sum(vec_msg_e, dst, num_segments=N)
    z = 1.0
    scalar_msg = scalar_msg / z
    vec_msg = vec_msg / z
    s = scalar_feat + scalar_msg
    v = vec_feat + vec_msg
    s, v = gvp_layer_norm(s, v, lnorm_g, lnorm_b)
    s_res, v_res = gvp(s, v, Wh2, Wu2, ln2_g, ln2_b, lin2_w, lin2_b, gate2_w, gate2_b)
    s = s + s_res
    v = v + v_res[:, :v.shape[1], :]
    s, v = gvp_layer_norm(s, v, lnorm_g, lnorm_b)
    return (s, v)

if __name__ == "__main__":
    import jax
    _d = setup_inputs()
    print(jax.jit(kernel)(*tuple(_d.values())))

</pallas_src>

<mosaic_0001>
#map = affine_map<(d0, d1) -> (0, 0)>
#map1 = affine_map<(d0, d1) -> (0)>
#map2 = affine_map<(d0, d1) -> (0, 0, 0)>
module attributes {stable_mosaic.version = 14 : i64} {
  func.func @scatter_k(%arg0: i32, %arg1: i32, %arg2: memref<320000x176xf32, #tpu.memory_space<hbm>>, %arg3: memref<320000xi32, #tpu.memory_space<hbm>>, %arg4: memref<625x96xf32, #tpu.memory_space<hbm>>, %arg5: memref<2x10000x96xf32, #tpu.memory_space<hbm>>, %arg6: memref<10000x96xf32, #tpu.memory_space<vmem_shared>>, %arg7: memref<80x96xf32, #tpu.memory_space<vmem>>, %arg8: memref<80x96xf32, #tpu.memory_space<vmem>>, %arg9: memref<80x96xf32, #tpu.memory_space<vmem>>, %arg10: memref<80x96xf32, #tpu.memory_space<vmem>>, %arg11: memref<80x96xf32, #tpu.memory_space<vmem>>, %arg12: memref<80xi32, #tpu.memory_space<vmem>>, %arg13: memref<80xi32, #tpu.memory_space<vmem>>, %arg14: memref<80xi32, #tpu.memory_space<vmem>>, %arg15: memref<80xi32, #tpu.memory_space<vmem>>, %arg16: memref<80xi32, #tpu.memory_space<vmem>>, %arg17: memref<!tpu.dma_semaphore, #tpu.memory_space<semaphore_mem>>, %arg18: memref<!tpu.dma_semaphore, #tpu.memory_space<semaphore_mem>>, %arg19: memref<!tpu.dma_semaphore, #tpu.memory_space<semaphore_mem>>, %arg20: memref<!tpu.dma_semaphore, #tpu.memory_space<semaphore_mem>>, %arg21: memref<!tpu.dma_semaphore, #tpu.memory_space<semaphore_mem>>, %arg22: memref<!tpu.dma_semaphore, #tpu.memory_space<semaphore_mem>>, %arg23: memref<!tpu.dma_semaphore, #tpu.memory_space<semaphore_mem>>, %arg24: memref<!tpu.dma_semaphore, #tpu.memory_space<semaphore_mem>>, %arg25: memref<!tpu.dma_semaphore, #tpu.memory_space<semaphore_mem>>, %arg26: memref<!tpu.dma_semaphore, #tpu.memory_space<semaphore_mem>>) attributes {dimension_semantics = [#tpu.dimension_semantics<core_parallel>, #tpu.dimension_semantics<subcore_parallel>], iteration_bounds = array<i64: 2, 16>, scalar_prefetch = 0 : i64, scratch_operands = 21 : i64, tpu.core_type = #tpu.core_type<sc_vector_subcore>, window_params = [{transform_indices = #map}, {transform_indices = #map1}, {transform_indices = #map}, {transform_indices = #map2}]} {
    %mul3A = arith.constant 80 : i32
    %mul3A_0 = arith.muli %arg0, %mul3A : i32
    %mul3A_1 = arith.constant 625 : i32
    %mul3A_2 = arith.muli %arg1, %mul3A_1 : i32
    "tpu.region"() ({
      %run_scoped3A = tpu.sem_alloc : memref<!tpu.dma_semaphore, #tpu.memory_space<semaphore_mem>>
      %dma_start3A_52 = arith.constant 0 : i32
      %dma_start3A_53 = tpu.memref_slice %arg6[%mul3A_2, %dma_start3A_52] : memref<10000x96xf32, #tpu.memory_space<vmem_shared>> -> memref<625x96xf32, #tpu.memory_space<vmem_shared>>
      tpu.enqueue_dma source(%arg4 : memref<625x96xf32, #tpu.memory_space<hbm>>) target(%dma_start3A_53 : memref<625x96xf32, #tpu.memory_space<vmem_shared>>) target_semaphore(%run_scoped3A : memref<!tpu.dma_semaphore, #tpu.memory_space<semaphore_mem>>)
      %dma_wait3A_54 = arith.constant 0 : i32
      %dma_wait3A_55 = tpu.memref_slice %arg6[%mul3A_2, %dma_wait3A_54] : memref<10000x96xf32, #tpu.memory_space<vmem_shared>> -> memref<625x96xf32, #tpu.memory_space<vmem_shared>>
      tpu.wait_dma2 semaphore(%run_scoped3A : memref<!tpu.dma_semaphore, #tpu.memory_space<semaphore_mem>>) src(%arg4 : memref<625x96xf32, #tpu.memory_space<hbm>>) dst(%dma_wait3A_55 : memref<625x96xf32, #tpu.memory_space<vmem_shared>>)
      tpu.yield
    }) : () -> ()
    %barrier3A = arith.constant 0 : index
    tpu.barrier barrier_id(%barrier3A)
    %mul3A_3 = arith.constant 20000 : i32
    %mul3A_4 = arith.muli %arg1, %mul3A_3 : i32
    %multiple_of3A = tpu.assume_multiple %mul3A_4, 8 : i32
    %add3A = arith.constant 0 : i32
    %add3A_5 = arith.addi %multiple_of3A, %add3A : i32
    %multiple_of3A_6 = tpu.assume_multiple %add3A_5, 8 : i32
    "tpu.region"() ({
      %run_scoped3A = tpu.sem_alloc : memref<!tpu.dma_semaphore, #tpu.memory_space<semaphore_mem>>
      %dma_start3A_52 = tpu.memref_slice %arg3[%multiple_of3A_6] : memref<320000xi32, #tpu.memory_space<hbm>> -> memref<80xi32, #tpu.memory_space<hbm>>
      %dma_start3A_53 = tpu.memref_slice %arg3[%multiple_of3A_6] : memref<320000xi32, #tpu.memory_space<hbm>> -> memref<80xi32, #tpu.memory_space<hbm>>
      tpu.enqueue_dma source(%dma_start3A_53 : memref<80xi32, #tpu.memory_space<hbm>>) target(%arg12 : memref<80xi32, #tpu.memory_space<vmem>>) target_semaphore(%run_scoped3A : memref<!tpu.dma_semaphore, #tpu.memory_space<semaphore_mem>>)
      %dma_wait3A_54 = tpu.memref_slice %arg3[%multiple_of3A_6] : memref<320000xi32, #tpu.memory_space<hbm>> -> memref<80xi32, #tpu.memory_space<hbm>>
      %dma_wait3A_55 = tpu.memref_slice %arg3[%multiple_of3A_6] : memref<320000xi32, #tpu.memory_space<hbm>> -> memref<80xi32, #tpu.memory_space<hbm>>
      tpu.wait_dma2 semaphore(%run_scoped3A : memref<!tpu.dma_semaphore, #tpu.memory_space<semaphore_mem>>) src(%dma_wait3A_55 : memref<80xi32, #tpu.memory_space<hbm>>) dst(%arg12 : memref<80xi32, #tpu.memory_space<vmem>>)
      tpu.yield
    }) : () -> ()
    %dma_start3A = tpu.memref_slice %arg2[%multiple_of3A_6, %mul3A_0] : memref<320000x176xf32, #tpu.memory_space<hbm>> -> memref<80x96xf32, #tpu.memory_space<hbm>>
    %dma_start3A_7 = tpu.memref_slice %arg2[%multiple_of3A_6, %mul3A_0] : memref<320000x176xf32, #tpu.memory_space<hbm>> -> memref<80x96xf32, #tpu.memory_space<hbm>>
    tpu.enqueue_dma source(%dma_start3A_7 : memref<80x96xf32, #tpu.memory_space<hbm>>) target(%arg7 : memref<80x96xf32, #tpu.memory_space<vmem>>) target_semaphore(%arg17 : memref<!tpu.dma_semaphore, #tpu.memory_space<semaphore_mem>>)
    %add3A_8 = arith.constant 80 : i32
    %add3A_9 = arith.addi %multiple_of3A, %add3A_8 : i32
    %multiple_of3A_10 = tpu.assume_multiple %add3A_9, 8 : i32
    "tpu.region"() ({
      %run_scoped3A = tpu.sem_alloc : memref<!tpu.dma_semaphore, #tpu.memory_space<semaphore_mem>>
      %dma_start3A_52 = tpu.memref_slice %arg3[%multiple_of3A_10] : memref<320000xi32, #tpu.memory_space<hbm>> -> memref<80xi32, #tpu.memory_space<hbm>>
      %dma_start3A_53 = tpu.memref_slice %arg3[%multiple_of3A_10] : memref<320000xi32, #tpu.memory_space<hbm>> -> memref<80xi32, #tpu.memory_space<hbm>>
      tpu.enqueue_dma source(%dma_start3A_53 : memref<80xi32, #tpu.memory_space<hbm>>) target(%arg13 : memref<80xi32, #tpu.memory_space<vmem>>) target_semaphore(%run_scoped3A : memref<!tpu.dma_semaphore, #tpu.memory_space<semaphore_mem>>)
      %dma_wait3A_54 = tpu.memref_slice %arg3[%multiple_of3A_10] : memref<320000xi32, #tpu.memory_space<hbm>> -> memref<80xi32, #tpu.memory_space<hbm>>
      %dma_wait3A_55 = tpu.memref_slice %arg3[%multiple_of3A_10] : memref<320000xi32, #tpu.memory_space<hbm>> -> memref<80xi32, #tpu.memory_space<hbm>>
      tpu.wait_dma2 semaphore(%run_scoped3A : memref<!tpu.dma_semaphore, #tpu.memory_space<semaphore_mem>>) src(%dma_wait3A_55 : memref<80xi32, #tpu.memory_space<hbm>>) dst(%arg13 : memref<80xi32, #tpu.memory_space<vmem>>)
      tpu.yield
    }) : () -> ()
    %dma_start3A_11 = tpu.memref_slice %arg2[%multiple_of3A_10, %mul3A_0] : memref<320000x176xf32, #tpu.memory_space<hbm>> -> memref<80x96xf32, #tpu.memory_space<hbm>>
    %dma_start3A_12 = tpu.memref_slice %arg2[%multiple_of3A_10, %mul3A_0] : memref<320000x176xf32, #tpu.memory_space<hbm>> -> memref<80x96xf32, #tpu.memory_space<hbm>>
    tpu.enqueue_dma source(%dma_start3A_12 : memref<80x96xf32, #tpu.memory_space<hbm>>) target(%arg8 : memref<80x96xf32, #tpu.memory_space<vmem>>) target_semaphore(%arg18 : memref<!tpu.dma_semaphore, #tpu.memory_space<semaphore_mem>>)
    %add3A_13 = arith.constant 160 : i32
    %add3A_14 = arith.addi %multiple_of3A, %add3A_13 : i32
    %multiple_of3A_15 = tpu.assume_multiple %add3A_14, 8 : i32
    "tpu.region"() ({
      %run_scoped3A = tpu.sem_alloc : memref<!tpu.dma_semaphore, #tpu.memory_space<semaphore_mem>>
      %dma_start3A_52 = tpu.memref_slice %arg3[%multiple_of3A_15] : memref<320000xi32, #tpu.memory_space<hbm>> -> memref<80xi32, #tpu.memory_space<hbm>>
      %dma_start3A_53 = tpu.memref_slice %arg3[%multiple_of3A_15] : memref<320000xi32, #tpu.memory_space<hbm>> -> memref<80xi32, #tpu.memory_space<hbm>>
      tpu.enqueue_dma source(%dma_start3A_53 : memref<80xi32, #tpu.memory_space<hbm>>) target(%arg14 : memref<80xi32, #tpu.memory_space<vmem>>) target_semaphore(%run_scoped3A : memref<!tpu.dma_semaphore, #tpu.memory_space<semaphore_mem>>)
      %dma_wait3A_54 = tpu.memref_slice %arg3[%multiple_of3A_15] : memref<320000xi32, #tpu.memory_space<hbm>> -> memref<80xi32, #tpu.memory_space<hbm>>
      %dma_wait3A_55 = tpu.memref_slice %arg3[%multiple_of3A_15] : memref<320000xi32, #tpu.memory_space<hbm>> -> memref<80xi32, #tpu.memory_space<hbm>>
      tpu.wait_dma2 semaphore(%run_scoped3A : memref<!tpu.dma_semaphore, #tpu.memory_space<semaphore_mem>>) src(%dma_wait3A_55 : memref<80xi32, #tpu.memory_space<hbm>>) dst(%arg14 : memref<80xi32, #tpu.memory_space<vmem>>)
      tpu.yield
    }) : () -> ()
    %dma_start3A_16 = tpu.memref_slice %arg2[%multiple_of3A_15, %mul3A_0] : memref<320000x176xf32, #tpu.memory_space<hbm>> -> memref<80x96xf32, #tpu.memory_space<hbm>>
    %dma_start3A_17 = tpu.memref_slice %arg2[%multiple_of3A_15, %mul3A_0] : memref<320000x176xf32, #tpu.memory_space<hbm>> -> memref<80x96xf32, #tpu.memory_space<hbm>>
    tpu.enqueue_dma source(%dma_start3A_17 : memref<80x96xf32, #tpu.memory_space<hbm>>) target(%arg9 : memref<80x96xf32, #tpu.memory_space<vmem>>) target_semaphore(%arg19 : memref<!tpu.dma_semaphore, #tpu.memory_space<semaphore_mem>>)
    %add3A_18 = arith.constant 240 : i32
    %add3A_19 = arith.addi %multiple_of3A, %add3A_18 : i32
    %multiple_of3A_20 = tpu.assume_multiple %add3A_19, 8 : i32
    "tpu.region"() ({
      %run_scoped3A = tpu.sem_alloc : memref<!tpu.dma_semaphore, #tpu.memory_space<semaphore_mem>>
      %dma_start3A_52 = tpu.memref_slice %arg3[%multiple_of3A_20] : memref<320000xi32, #tpu.memory_space<hbm>> -> memref<80xi32, #tpu.memory_space<hbm>>
      %dma_start3A_53 = tpu.memref_slice %arg3[%multiple_of3A_20] : memref<320000xi32, #tpu.memory_space<hbm>> -> memref<80xi32, #tpu.memory_space<hbm>>
      tpu.enqueue_dma source(%dma_start3A_53 : memref<80xi32, #tpu.memory_space<hbm>>) target(%arg15 : memref<80xi32, #tpu.memory_space<vmem>>) target_semaphore(%run_scoped3A : memref<!tpu.dma_semaphore, #tpu.memory_space<semaphore_mem>>)
      %dma_wait3A_54 = tpu.memref_slice %arg3[%multiple_of3A_20] : memref<320000xi32, #tpu.memory_space<hbm>> -> memref<80xi32, #tpu.memory_space<hbm>>
      %dma_wait3A_55 = tpu.memref_slice %arg3[%multiple_of3A_20] : memref<320000xi32, #tpu.memory_space<hbm>> -> memref<80xi32, #tpu.memory_space<hbm>>
      tpu.wait_dma2 semaphore(%run_scoped3A : memref<!tpu.dma_semaphore, #tpu.memory_space<semaphore_mem>>) src(%dma_wait3A_55 : memref<80xi32, #tpu.memory_space<hbm>>) dst(%arg15 : memref<80xi32, #tpu.memory_space<vmem>>)
      tpu.yield
    }) : () -> ()
    %dma_start3A_21 = tpu.memref_slice %arg2[%multiple_of3A_20, %mul3A_0] : memref<320000x176xf32, #tpu.memory_space<hbm>> -> memref<80x96xf32, #tpu.memory_space<hbm>>
    %dma_start3A_22 = tpu.memref_slice %arg2[%multiple_of3A_20, %mul3A_0] : memref<320000x176xf32, #tpu.memory_space<hbm>> -> memref<80x96xf32, #tpu.memory_space<hbm>>
    tpu.enqueue_dma source(%dma_start3A_22 : memref<80x96xf32, #tpu.memory_space<hbm>>) target(%arg10 : memref<80x96xf32, #tpu.memory_space<vmem>>) target_semaphore(%arg20 : memref<!tpu.dma_semaphore, #tpu.memory_space<semaphore_mem>>)
    %add3A_23 = arith.constant 320 : i32
    %add3A_24 = arith.addi %multiple_of3A, %add3A_23 : i32
    %multiple_of3A_25 = tpu.assume_multiple %add3A_24, 8 : i32
    "tpu.region"() ({
      %run_scoped3A = tpu.sem_alloc : memref<!tpu.dma_semaphore, #tpu.memory_space<semaphore_mem>>
      %dma_start3A_52 = tpu.memref_slice %arg3[%multiple_of3A_25] : memref<320000xi32, #tpu.memory_space<hbm>> -> memref<80xi32, #tpu.memory_space<hbm>>
      %dma_start3A_53 = tpu.memref_slice %arg3[%multiple_of3A_25] : memref<320000xi32, #tpu.memory_space<hbm>> -> memref<80xi32, #tpu.memory_space<hbm>>
      tpu.enqueue_dma source(%dma_start3A_53 : memref<80xi32, #tpu.memory_space<hbm>>) target(%arg16 : memref<80xi32, #tpu.memory_space<vmem>>) target_semaphore(%run_scoped3A : memref<!tpu.dma_semaphore, #tpu.memory_space<semaphore_mem>>)
      %dma_wait3A_54 = tpu.memref_slice %arg3[%multiple_of3A_25] : memref<320000xi32, #tpu.memory_space<hbm>> -> memref<80xi32, #tpu.memory_space<hbm>>
      %dma_wait3A_55 = tpu.memref_slice %arg3[%multiple_of3A_25] : memref<320000xi32, #tpu.memory_space<hbm>> -> memref<80xi32, #tpu.memory_space<hbm>>
      tpu.wait_dma2 semaphore(%run_scoped3A : memref<!tpu.dma_semaphore, #tpu.memory_space<semaphore_mem>>) src(%dma_wait3A_55 : memref<80xi32, #tpu.memory_space<hbm>>) dst(%arg16 : memref<80xi32, #tpu.memory_space<vmem>>)
      tpu.yield
    }) : () -> ()
    %dma_start3A_26 = tpu.memref_slice %arg2[%multiple_of3A_25, %mul3A_0] : memref<320000x176xf32, #tpu.memory_space<hbm>> -> memref<80x96xf32, #tpu.memory_space<hbm>>
    %dma_start3A_27 = tpu.memref_slice %arg2[%multiple_of3A_25, %mul3A_0] : memref<320000x176xf32, #tpu.memory_space<hbm>> -> memref<80x96xf32, #tpu.memory_space<hbm>>
    tpu.enqueue_dma source(%dma_start3A_27 : memref<80x96xf32, #tpu.memory_space<hbm>>) target(%arg11 : memref<80x96xf32, #tpu.memory_space<vmem>>) target_semaphore(%arg21 : memref<!tpu.dma_semaphore, #tpu.memory_space<semaphore_mem>>)
    %scan3A = arith.constant 0 : i32
    %scan3A_28 = arith.constant 0 : i32
    %scan3A_29 = arith.constant 50 : i32
    %scan3A_30 = arith.addi %scan3A_28, %scan3A_29 : i32
    %scan3A_31 = arith.constant 1 : i32
    scf.for %scan3A_52 = %scan3A_28 to %scan3A_30 step %scan3A_31  : i32 {
      %mul3A_53 = arith.constant 5 : i32
      %mul3A_54 = arith.muli %scan3A_52, %mul3A_53 : i32
      %add3A_55 = arith.constant 0 : i32
      %add3A_56 = arith.addi %mul3A_54, %add3A_55 : i32
      %mul3A_57 = arith.constant 80 : i32
      %mul3A_58 = arith.muli %add3A_56, %mul3A_57 : i32
      %add3A_59 = arith.addi %multiple_of3A, %mul3A_58 : i32
      %multiple_of3A_60 = tpu.assume_multiple %add3A_59, 8 : i32
      %dma_wait3A_61 = tpu.memref_slice %arg2[%multiple_of3A_60, %mul3A_0] : memref<320000x176xf32, #tpu.memory_space<hbm>> -> memref<80x96xf32, #tpu.memory_space<hbm>>
      %dma_wait3A_62 = tpu.memref_slice %arg2[%multiple_of3A_60, %mul3A_0] : memref<320000x176xf32, #tpu.memory_space<hbm>> -> memref<80x96xf32, #tpu.memory_space<hbm>>
      tpu.wait_dma2 semaphore(%arg17 : memref<!tpu.dma_semaphore, #tpu.memory_space<semaphore_mem>>) src(%dma_wait3A_62 : memref<80x96xf32, #tpu.memory_space<hbm>>) dst(%arg7 : memref<80x96xf32, #tpu.memory_space<vmem>>)
      %dma_start3A_63 = arith.constant 0 : i32
      %dma_start3A_64 = arith.constant 0 : i32
      %dma_start3A_65 = tpu.memref_slice %arg6[%dma_start3A_63, %dma_start3A_64] : memref<10000x96xf32, #tpu.memory_space<vmem_shared>> -> memref<10000x96xf32, #tpu.memory_space<vmem_shared>>
      tpu.enqueue_indirect_dma source(%arg7 : memref<80x96xf32, #tpu.memory_space<vmem>>) target(%dma_start3A_65 : memref<10000x96xf32, #tpu.memory_space<vmem_shared>>) offsets(%arg12 : memref<80xi32, #tpu.memory_space<vmem>>) semaphore(%arg22 : memref<!tpu.dma_semaphore, #tpu.memory_space<semaphore_mem>>) {add = true}
      %lt3A = arith.constant 49 : i32
      %lt3A_66 = arith.cmpi slt, %scan3A_52, %lt3A : i32
      %convert_element_type3A = arith.extui %lt3A_66 : i1 to i32
      %cond3A = arith.constant 0 : i32
      %cond3A_67 = arith.cmpi ne, %convert_element_type3A, %cond3A : i32
      scf.if %cond3A_67 {
        %add3A_140 = arith.constant 400 : i32
        %add3A_141 = arith.addi %multiple_of3A_60, %add3A_140 : i32
        %multiple_of3A_142 = tpu.assume_multiple %add3A_141, 8 : i32
        %dma_wait3A_143 = arith.constant 0 : i32
        %dma_wait3A_144 = arith.constant 0 : i32
        %dma_wait3A_145 = tpu.memref_slice %arg6[%dma_wait3A_143, %dma_wait3A_144] : memref<10000x96xf32, #tpu.memory_space<vmem_shared>> -> memref<10000x96xf32, #tpu.memory_space<vmem_shared>>
        tpu.wait_indirect_dma semaphore(%arg22 : memref<!tpu.dma_semaphore, #tpu.memory_space<semaphore_mem>>) src(%arg7 : memref<80x96xf32, #tpu.memory_space<vmem>>) dst(%dma_wait3A_145 : memref<10000x96xf32, #tpu.memory_space<vmem_shared>>)
        "tpu.region"() ({
          %run_scoped3A = tpu.sem_alloc : memref<!tpu.dma_semaphore, #tpu.memory_space<semaphore_mem>>
          %dma_start3A_148 = tpu.memref_slice %arg3[%multiple_of3A_142] : memref<320000xi32, #tpu.memory_space<hbm>> -> memref<80xi32, #tpu.memory_space<hbm>>
          %dma_start3A_149 = tpu.memref_slice %arg3[%multiple_of3A_142] : memref<320000xi32, #tpu.memory_space<hbm>> -> memref<80xi32, #tpu.memory_space<hbm>>
          tpu.enqueue_dma source(%dma_start3A_149 : memref<80xi32, #tpu.memory_space<hbm>>) target(%arg12 : memref<80xi32, #tpu.memory_space<vmem>>) target_semaphore(%run_scoped3A : memref<!tpu.dma_semaphore, #tpu.memory_space<semaphore_mem>>)
          %dma_wait3A_150 = tpu.memref_slice %arg3[%multiple_of3A_142] : memref<320000xi32, #tpu.memory_space<hbm>> -> memref<80xi32, #tpu.memory_space<hbm>>
          %dma_wait3A_151 = tpu.memref_slice %arg3[%multiple_of3A_142] : memref<320000xi32, #tpu.memory_space<hbm>> -> memref<80xi32, #tpu.memory_space<hbm>>
          tpu.wait_dma2 semaphore(%run_scoped3A : memref<!tpu.dma_semaphore, #tpu.memory_space<semaphore_mem>>) src(%dma_wait3A_151 : memref<80xi32, #tpu.memory_space<hbm>>) dst(%arg12 : memref<80xi32, #tpu.memory_space<vmem>>)
          tpu.yield
        }) : () -> ()
        %dma_start3A_146 = tpu.memref_slice %arg2[%multiple_of3A_142, %mul3A_0] : memref<320000x176xf32, #tpu.memory_space<hbm>> -> memref<80x96xf32, #tpu.memory_space<hbm>>
        %dma_start3A_147 = tpu.memref_slice %arg2[%multiple_of3A_142, %mul3A_0] : memref<320000x176xf32, #tpu.memory_space<hbm>> -> memref<80x96xf32, #tpu.memory_space<hbm>>
        tpu.enqueue_dma source(%dma_start3A_147 : memref<80x96xf32, #tpu.memory_space<hbm>>) target(%arg7 : memref<80x96xf32, #tpu.memory_space<vmem>>) target_semaphore(%arg17 : memref<!tpu.dma_semaphore, #tpu.memory_space<semaphore_mem>>)
      } else {
      }
      %mul3A_68 = arith.constant 5 : i32
      %mul3A_69 = arith.muli %scan3A_52, %mul3A_68 : i32
      %add3A_70 = arith.constant 1 : i32
      %add3A_71 = arith.addi %mul3A_69, %add3A_70 : i32
      %mul3A_72 = arith.constant 80 : i32
      %mul3A_73 = arith.muli %add3A_71, %mul3A_72 : i32
      %add3A_74 = arith.addi %multiple_of3A, %mul3A_73 : i32
      %multiple_of3A_75 = tpu.assume_multiple %add3A_74, 8 : i32
      %dma_wait3A_76 = tpu.memref_slice %arg2[%multiple_of3A_75, %mul3A_0] : memref<320000x176xf32, #tpu.memory_space<hbm>> -> memref<80x96xf32, #tpu.memory_space<hbm>>
      %dma_wait3A_77 = tpu.memref_slice %arg2[%multiple_of3A_75, %mul3A_0] : memref<320000x176xf32, #tpu.memory_space<hbm>> -> memref<80x96xf32, #tpu.memory_space<hbm>>
      tpu.wait_dma2 semaphore(%arg18 : memref<!tpu.dma_semaphore, #tpu.memory_space<semaphore_mem>>) src(%dma_wait3A_77 : memref<80x96xf32, #tpu.memory_space<hbm>>) dst(%arg8 : memref<80x96xf32, #tpu.memory_space<vmem>>)
      %dma_start3A_78 = arith.constant 0 : i32
      %dma_start3A_79 = arith.constant 0 : i32
      %dma_start3A_80 = tpu.memref_slice %arg6[%dma_start3A_78, %dma_start3A_79] : memref<10000x96xf32, #tpu.memory_space<vmem_shared>> -> memref<10000x96xf32, #tpu.memory_space<vmem_shared>>
      tpu.enqueue_indirect_dma source(%arg8 : memref<80x96xf32, #tpu.memory_space<vmem>>) target(%dma_start3A_80 : memref<10000x96xf32, #tpu.memory_space<vmem_shared>>) offsets(%arg13 : memref<80xi32, #tpu.memory_space<vmem>>) semaphore(%arg23 : memref<!tpu.dma_semaphore, #tpu.memory_space<semaphore_mem>>) {add = true}
      %lt3A_81 = arith.constant 49 : i32
      %lt3A_82 = arith.cmpi slt, %scan3A_52, %lt3A_81 : i32
      %convert_element_type3A_83 = arith.extui %lt3A_82 : i1 to i32
      %cond3A_84 = arith.constant 0 : i32
      %cond3A_85 = arith.cmpi ne, %convert_element_type3A_83, %cond3A_84 : i32
      scf.if %cond3A_85 {
        %add3A_140 = arith.constant 400 : i32
        %add3A_141 = arith.addi %multiple_of3A_75, %add3A_140 : i32
        %multiple_of3A_142 = tpu.assume_multiple %add3A_141, 8 : i32
        %dma_wait3A_143 = arith.constant 0 : i32
        %dma_wait3A_144 = arith.constant 0 : i32
        %dma_wait3A_145 = tpu.memref_slice %arg6[%dma_wait3A_143, %dma_wait3A_144] : memref<10000x96xf32, #tpu.memory_space<vmem_shared>> -> memref<10000x96xf32, #tpu.memory_space<vmem_shared>>
        tpu.wait_indirect_dma semaphore(%arg23 : memref<!tpu.dma_semaphore, #tpu.memory_space<semaphore_mem>>) src(%arg8 : memref<80x96xf32, #tpu.memory_space<vmem>>) dst(%dma_wait3A_145 : memref<10000x96xf32, #tpu.memory_space<vmem_shared>>)
        "tpu.region"() ({
          %run_scoped3A = tpu.sem_alloc : memref<!tpu.dma_semaphore, #tpu.memory_space<semaphore_mem>>
          %dma_start3A_148 = tpu.memref_slice %arg3[%multiple_of3A_142] : memref<320000xi32, #tpu.memory_space<hbm>> -> memref<80xi32, #tpu.memory_space<hbm>>
          %dma_start3A_149 = tpu.memref_slice %arg3[%multiple_of3A_142] : memref<320000xi32, #tpu.memory_space<hbm>> -> memref<80xi32, #tpu.memory_space<hbm>>
          tpu.enqueue_dma source(%dma_start3A_149 : memref<80xi32, #tpu.memory_space<hbm>>) target(%arg13 : memref<80xi32, #tpu.memory_space<vmem>>) target_semaphore(%run_scoped3A : memref<!tpu.dma_semaphore, #tpu.memory_space<semaphore_mem>>)
          %dma_wait3A_150 = tpu.memref_slice %arg3[%multiple_of3A_142] : memref<320000xi32, #tpu.memory_space<hbm>> -> memref<80xi32, #tpu.memory_space<hbm>>
          %dma_wait3A_151 = tpu.memref_slice %arg3[%multiple_of3A_142] : memref<320000xi32, #tpu.memory_space<hbm>> -> memref<80xi32, #tpu.memory_space<hbm>>
          tpu.wait_dma2 semaphore(%run_scoped3A : memref<!tpu.dma_semaphore, #tpu.memory_space<semaphore_mem>>) src(%dma_wait3A_151 : memref<80xi32, #tpu.memory_space<hbm>>) dst(%arg13 : memref<80xi32, #tpu.memory_space<vmem>>)
          tpu.yield
        }) : () -> ()
        %dma_start3A_146 = tpu.memref_slice %arg2[%multiple_of3A_142, %mul3A_0] : memref<320000x176xf32, #tpu.memory_space<hbm>> -> memref<80x96xf32, #tpu.memory_space<hbm>>
        %dma_start3A_147 = tpu.memref_slice %arg2[%multiple_of3A_142, %mul3A_0] : memref<320000x176xf32, #tpu.memory_space<hbm>> -> memref<80x96xf32, #tpu.memory_space<hbm>>
        tpu.enqueue_dma source(%dma_start3A_147 : memref<80x96xf32, #tpu.memory_space<hbm>>) target(%arg8 : memref<80x96xf32, #tpu.memory_space<vmem>>) target_semaphore(%arg18 : memref<!tpu.dma_semaphore, #tpu.memory_space<semaphore_mem>>)
      } else {
      }
      %mul3A_86 = arith.constant 5 : i32
      %mul3A_87 = arith.muli %scan3A_52, %mul3A_86 : i32
      %add3A_88 = arith.constant 2 : i32
      %add3A_89 = arith.addi %mul3A_87, %add3A_88 : i32
      %mul3A_90 = arith.constant 80 : i32
      %mul3A_91 = arith.muli %add3A_89, %mul3A_90 : i32
      %add3A_92 = arith.addi %multiple_of3A, %mul3A_91 : i32
      %multiple_of3A_93 = tpu.assume_multiple %add3A_92, 8 : i32
      %dma_wait3A_94 = tpu.memref_slice %arg2[%multiple_of3A_93, %mul3A_0] : memref<320000x176xf32, #tpu.memory_space<hbm>> -> memref<80x96xf32, #tpu.memory_space<hbm>>
      %dma_wait3A_95 = tpu.memref_slice %arg2[%multiple_of3A_93, %mul3A_0] : memref<320000x176xf32, #tpu.memory_space<hbm>> -> memref<80x96xf32, #tpu.memory_space<hbm>>
      tpu.wait_dma2 semaphore(%arg19 : memref<!tpu.dma_semaphore, #tpu.memory_space<semaphore_mem>>) src(%dma_wait3A_95 : memref<80x96xf32, #tpu.memory_space<hbm>>) dst(%arg9 : memref<80x96xf32, #tpu.memory_space<vmem>>)
      %dma_start3A_96 = arith.constant 0 : i32
      %dma_start3A_97 = arith.constant 0 : i32
      %dma_start3A_98 = tpu.memref_slice %arg6[%dma_start3A_96, %dma_start3A_97] : memref<10000x96xf32, #tpu.memory_space<vmem_shared>> -> memref<10000x96xf32, #tpu.memory_space<vmem_shared>>
      tpu.enqueue_indirect_dma source(%arg9 : memref<80x96xf32, #tpu.memory_space<vmem>>) target(%dma_start3A_98 : memref<10000x96xf32, #tpu.memory_space<vmem_shared>>) offsets(%arg14 : memref<80xi32, #tpu.memory_space<vmem>>) semaphore(%arg24 : memref<!tpu.dma_semaphore, #tpu.memory_space<semaphore_mem>>) {add = true}
      %lt3A_99 = arith.constant 49 : i32
      %lt3A_100 = arith.cmpi slt, %scan3A_52, %lt3A_99 : i32
      %convert_element_type3A_101 = arith.extui %lt3A_100 : i1 to i32
      %cond3A_102 = arith.constant 0 : i32
      %cond3A_103 = arith.cmpi ne, %convert_element_type3A_101, %cond3A_102 : i32
      scf.if %cond3A_103 {
        %add3A_140 = arith.constant 400 : i32
        %add3A_141 = arith.addi %multiple_of3A_93, %add3A_140 : i32
        %multiple_of3A_142 = tpu.assume_multiple %add3A_141, 8 : i32
        %dma_wait3A_143 = arith.constant 0 : i32
        %dma_wait3A_144 = arith.constant 0 : i32
        %dma_wait3A_145 = tpu.memref_slice %arg6[%dma_wait3A_143, %dma_wait3A_144] : memref<10000x96xf32, #tpu.memory_space<vmem_shared>> -> memref<10000x96xf32, #tpu.memory_space<vmem_shared>>
        tpu.wait_indirect_dma semaphore(%arg24 : memref<!tpu.dma_semaphore, #tpu.memory_space<semaphore_mem>>) src(%arg9 : memref<80x96xf32, #tpu.memory_space<vmem>>) dst(%dma_wait3A_145 : memref<10000x96xf32, #tpu.memory_space<vmem_shared>>)
        "tpu.region"() ({
          %run_scoped3A = tpu.sem_alloc : memref<!tpu.dma_semaphore, #tpu.memory_space<semaphore_mem>>
          %dma_start3A_148 = tpu.memref_slice %arg3[%multiple_of3A_142] : memref<320000xi32, #tpu.memory_space<hbm>> -> memref<80xi32, #tpu.memory_space<hbm>>
          %dma_start3A_149 = tpu.memref_slice %arg3[%multiple_of3A_142] : memref<320000xi32, #tpu.memory_space<hbm>> -> memref<80xi32, #tpu.memory_space<hbm>>
          tpu.enqueue_dma source(%dma_start3A_149 : memref<80xi32, #tpu.memory_space<hbm>>) target(%arg14 : memref<80xi32, #tpu.memory_space<vmem>>) target_semaphore(%run_scoped3A : memref<!tpu.dma_semaphore, #tpu.memory_space<semaphore_mem>>)
          %dma_wait3A_150 = tpu.memref_slice %arg3[%multiple_of3A_142] : memref<320000xi32, #tpu.memory_space<hbm>> -> memref<80xi32, #tpu.memory_space<hbm>>
          %dma_wait3A_151 = tpu.memref_slice %arg3[%multiple_of3A_142] : memref<320000xi32, #tpu.memory_space<hbm>> -> memref<80xi32, #tpu.memory_space<hbm>>
          tpu.wait_dma2 semaphore(%run_scoped3A : memref<!tpu.dma_semaphore, #tpu.memory_space<semaphore_mem>>) src(%dma_wait3A_151 : memref<80xi32, #tpu.memory_space<hbm>>) dst(%arg14 : memref<80xi32, #tpu.memory_space<vmem>>)
          tpu.yield
        }) : () -> ()
        %dma_start3A_146 = tpu.memref_slice %arg2[%multiple_of3A_142, %mul3A_0] : memref<320000x176xf32, #tpu.memory_space<hbm>> -> memref<80x96xf32, #tpu.memory_space<hbm>>
        %dma_start3A_147 = tpu.memref_slice %arg2[%multiple_of3A_142, %mul3A_0] : memref<320000x176xf32, #tpu.memory_space<hbm>> -> memref<80x96xf32, #tpu.memory_space<hbm>>
        tpu.enqueue_dma source(%dma_start3A_147 : memref<80x96xf32, #tpu.memory_space<hbm>>) target(%arg9 : memref<80x96xf32, #tpu.memory_space<vmem>>) target_semaphore(%arg19 : memref<!tpu.dma_semaphore, #tpu.memory_space<semaphore_mem>>)
      } else {
      }
      %mul3A_104 = arith.constant 5 : i32
      %mul3A_105 = arith.muli %scan3A_52, %mul3A_104 : i32
      %add3A_106 = arith.constant 3 : i32
      %add3A_107 = arith.addi %mul3A_105, %add3A_106 : i32
      %mul3A_108 = arith.constant 80 : i32
      %mul3A_109 = arith.muli %add3A_107, %mul3A_108 : i32
      %add3A_110 = arith.addi %multiple_of3A, %mul3A_109 : i32
      %multiple_of3A_111 = tpu.assume_multiple %add3A_110, 8 : i32
      %dma_wait3A_112 = tpu.memref_slice %arg2[%multiple_of3A_111, %mul3A_0] : memref<320000x176xf32, #tpu.memory_space<hbm>> -> memref<80x96xf32, #tpu.memory_space<hbm>>
      %dma_wait3A_113 = tpu.memref_slice %arg2[%multiple_of3A_111, %mul3A_0] : memref<320000x176xf32, #tpu.memory_space<hbm>> -> memref<80x96xf32, #tpu.memory_space<hbm>>
      tpu.wait_dma2 semaphore(%arg20 : memref<!tpu.dma_semaphore, #tpu.memory_space<semaphore_mem>>) src(%dma_wait3A_113 : memref<80x96xf32, #tpu.memory_space<hbm>>) dst(%arg10 : memref<80x96xf32, #tpu.memory_space<vmem>>)
      %dma_start3A_114 = arith.constant 0 : i32
      %dma_start3A_115 = arith.constant 0 : i32
      %dma_start3A_116 = tpu.memref_slice %arg6[%dma_start3A_114, %dma_start3A_115] : memref<10000x96xf32, #tpu.memory_space<vmem_shared>> -> memref<10000x96xf32, #tpu.memory_space<vmem_shared>>
      tpu.enqueue_indirect_dma source(%arg10 : memref<80x96xf32, #tpu.memory_space<vmem>>) target(%dma_start3A_116 : memref<10000x96xf32, #tpu.memory_space<vmem_shared>>) offsets(%arg15 : memref<80xi32, #tpu.memory_space<vmem>>) semaphore(%arg25 : memref<!tpu.dma_semaphore, #tpu.memory_space<semaphore_mem>>) {add = true}
      %lt3A_117 = arith.constant 49 : i32
      %lt3A_118 = arith.cmpi slt, %scan3A_52, %lt3A_117 : i32
      %convert_element_type3A_119 = arith.extui %lt3A_118 : i1 to i32
      %cond3A_120 = arith.constant 0 : i32
      %cond3A_121 = arith.cmpi ne, %convert_element_type3A_119, %cond3A_120 : i32
      scf.if %cond3A_121 {
        %add3A_140 = arith.constant 400 : i32
        %add3A_141 = arith.addi %multiple_of3A_111, %add3A_140 : i32
        %multiple_of3A_142 = tpu.assume_multiple %add3A_141, 8 : i32
        %dma_wait3A_143 = arith.constant 0 : i32
        %dma_wait3A_144 = arith.constant 0 : i32
        %dma_wait3A_145 = tpu.memref_slice %arg6[%dma_wait3A_143, %dma_wait3A_144] : memref<10000x96xf32, #tpu.memory_space<vmem_shared>> -> memref<10000x96xf32, #tpu.memory_space<vmem_shared>>
        tpu.wait_indirect_dma semaphore(%arg25 : memref<!tpu.dma_semaphore, #tpu.memory_space<semaphore_mem>>) src(%arg10 : memref<80x96xf32, #tpu.memory_space<vmem>>) dst(%dma_wait3A_145 : memref<10000x96xf32, #tpu.memory_space<vmem_shared>>)
        "tpu.region"() ({
          %run_scoped3A = tpu.sem_alloc : memref<!tpu.dma_semaphore, #tpu.memory_space<semaphore_mem>>
          %dma_start3A_148 = tpu.memref_slice %arg3[%multiple_of3A_142] : memref<320000xi32, #tpu.memory_space<hbm>> -> memref<80xi32, #tpu.memory_space<hbm>>
          %dma_start3A_149 = tpu.memref_slice %arg3[%multiple_of3A_142] : memref<320000xi32, #tpu.memory_space<hbm>> -> memref<80xi32, #tpu.memory_space<hbm>>
          tpu.enqueue_dma source(%dma_start3A_149 : memref<80xi32, #tpu.memory_space<hbm>>) target(%arg15 : memref<80xi32, #tpu.memory_space<vmem>>) target_semaphore(%run_scoped3A : memref<!tpu.dma_semaphore, #tpu.memory_space<semaphore_mem>>)
          %dma_wait3A_150 = tpu.memref_slice %arg3[%multiple_of3A_142] : memref<320000xi32, #tpu.memory_space<hbm>> -> memref<80xi32, #tpu.memory_space<hbm>>
          %dma_wait3A_151 = tpu.memref_slice %arg3[%multiple_of3A_142] : memref<320000xi32, #tpu.memory_space<hbm>> -> memref<80xi32, #tpu.memory_space<hbm>>
          tpu.wait_dma2 semaphore(%run_scoped3A : memref<!tpu.dma_semaphore, #tpu.memory_space<semaphore_mem>>) src(%dma_wait3A_151 : memref<80xi32, #tpu.memory_space<hbm>>) dst(%arg15 : memref<80xi32, #tpu.memory_space<vmem>>)
          tpu.yield
        }) : () -> ()
        %dma_start3A_146 = tpu.memref_slice %arg2[%multiple_of3A_142, %mul3A_0] : memref<320000x176xf32, #tpu.memory_space<hbm>> -> memref<80x96xf32, #tpu.memory_space<hbm>>
        %dma_start3A_147 = tpu.memref_slice %arg2[%multiple_of3A_142, %mul3A_0] : memref<320000x176xf32, #tpu.memory_space<hbm>> -> memref<80x96xf32, #tpu.memory_space<hbm>>
        tpu.enqueue_dma source(%dma_start3A_147 : memref<80x96xf32, #tpu.memory_space<hbm>>) target(%arg10 : memref<80x96xf32, #tpu.memory_space<vmem>>) target_semaphore(%arg20 : memref<!tpu.dma_semaphore, #tpu.memory_space<semaphore_mem>>)
      } else {
      }
      %mul3A_122 = arith.constant 5 : i32
      %mul3A_123 = arith.muli %scan3A_52, %mul3A_122 : i32
      %add3A_124 = arith.constant 4 : i32
      %add3A_125 = arith.addi %mul3A_123, %add3A_124 : i32
      %mul3A_126 = arith.constant 80 : i32
      %mul3A_127 = arith.muli %add3A_125, %mul3A_126 : i32
      %add3A_128 = arith.addi %multiple_of3A, %mul3A_127 : i32
      %multiple_of3A_129 = tpu.assume_multiple %add3A_128, 8 : i32
      %dma_wait3A_130 = tpu.memref_slice %arg2[%multiple_of3A_129, %mul3A_0] : memref<320000x176xf32, #tpu.memory_space<hbm>> -> memref<80x96xf32, #tpu.memory_space<hbm>>
      %dma_wait3A_131 = tpu.memref_slice %arg2[%multiple_of3A_129, %mul3A_0] : memref<320000x176xf32, #tpu.memory_space<hbm>> -> memref<80x96xf32, #tpu.memory_space<hbm>>
      tpu.wait_dma2 semaphore(%arg21 : memref<!tpu.dma_semaphore, #tpu.memory_space<semaphore_mem>>) src(%dma_wait3A_131 : memref<80x96xf32, #tpu.memory_space<hbm>>) dst(%arg11 : memref<80x96xf32, #tpu.memory_space<vmem>>)
      %dma_start3A_132 = arith.constant 0 : i32
      %dma_start3A_133 = arith.constant 0 : i32
      %dma_start3A_134 = tpu.memref_slice %arg6[%dma_start3A_132, %dma_start3A_133] : memref<10000x96xf32, #tpu.memory_space<vmem_shared>> -> memref<10000x96xf32, #tpu.memory_space<vmem_shared>>
      tpu.enqueue_indirect_dma source(%arg11 : memref<80x96xf32, #tpu.memory_space<vmem>>) target(%dma_start3A_134 : memref<10000x96xf32, #tpu.memory_space<vmem_shared>>) offsets(%arg16 : memref<80xi32, #tpu.memory_space<vmem>>) semaphore(%arg26 : memref<!tpu.dma_semaphore, #tpu.memory_space<semaphore_mem>>) {add = true}
      %lt3A_135 = arith.constant 49 : i32
      %lt3A_136 = arith.cmpi slt, %scan3A_52, %lt3A_135 : i32
      %convert_element_type3A_137 = arith.extui %lt3A_136 : i1 to i32
      %cond3A_138 = arith.constant 0 : i32
      %cond3A_139 = arith.cmpi ne, %convert_element_type3A_137, %cond3A_138 : i32
      scf.if %cond3A_139 {
        %add3A_140 = arith.constant 400 : i32
        %add3A_141 = arith.addi %multiple_of3A_129, %add3A_140 : i32
        %multiple_of3A_142 = tpu.assume_multiple %add3A_141, 8 : i32
        %dma_wait3A_143 = arith.constant 0 : i32
        %dma_wait3A_144 = arith.constant 0 : i32
        %dma_wait3A_145 = tpu.memref_slice %arg6[%dma_wait3A_143, %dma_wait3A_144] : memref<10000x96xf32, #tpu.memory_space<vmem_shared>> -> memref<10000x96xf32, #tpu.memory_space<vmem_shared>>
        tpu.wait_indirect_dma semaphore(%arg26 : memref<!tpu.dma_semaphore, #tpu.memory_space<semaphore_mem>>) src(%arg11 : memref<80x96xf32, #tpu.memory_space<vmem>>) dst(%dma_wait3A_145 : memref<10000x96xf32, #tpu.memory_space<vmem_shared>>)
        "tpu.region"() ({
          %run_scoped3A = tpu.sem_alloc : memref<!tpu.dma_semaphore, #tpu.memory_space<semaphore_mem>>
          %dma_start3A_148 = tpu.memref_slice %arg3[%multiple_of3A_142] : memref<320000xi32, #tpu.memory_space<hbm>> -> memref<80xi32, #tpu.memory_space<hbm>>
          %dma_start3A_149 = tpu.memref_slice %arg3[%multiple_of3A_142] : memref<320000xi32, #tpu.memory_space<hbm>> -> memref<80xi32, #tpu.memory_space<hbm>>
          tpu.enqueue_dma source(%dma_start3A_149 : memref<80xi32, #tpu.memory_space<hbm>>) target(%arg16 : memref<80xi32, #tpu.memory_space<vmem>>) target_semaphore(%run_scoped3A : memref<!tpu.dma_semaphore, #tpu.memory_space<semaphore_mem>>)
          %dma_wait3A_150 = tpu.memref_slice %arg3[%multiple_of3A_142] : memref<320000xi32, #tpu.memory_space<hbm>> -> memref<80xi32, #tpu.memory_space<hbm>>
          %dma_wait3A_151 = tpu.memref_slice %arg3[%multiple_of3A_142] : memref<320000xi32, #tpu.memory_space<hbm>> -> memref<80xi32, #tpu.memory_space<hbm>>
          tpu.wait_dma2 semaphore(%run_scoped3A : memref<!tpu.dma_semaphore, #tpu.memory_space<semaphore_mem>>) src(%dma_wait3A_151 : memref<80xi32, #tpu.memory_space<hbm>>) dst(%arg16 : memref<80xi32, #tpu.memory_space<vmem>>)
          tpu.yield
        }) : () -> ()
        %dma_start3A_146 = tpu.memref_slice %arg2[%multiple_of3A_142, %mul3A_0] : memref<320000x176xf32, #tpu.memory_space<hbm>> -> memref<80x96xf32, #tpu.memory_space<hbm>>
        %dma_start3A_147 = tpu.memref_slice %arg2[%multiple_of3A_142, %mul3A_0] : memref<320000x176xf32, #tpu.memory_space<hbm>> -> memref<80x96xf32, #tpu.memory_space<hbm>>
        tpu.enqueue_dma source(%dma_start3A_147 : memref<80x96xf32, #tpu.memory_space<hbm>>) target(%arg11 : memref<80x96xf32, #tpu.memory_space<vmem>>) target_semaphore(%arg21 : memref<!tpu.dma_semaphore, #tpu.memory_space<semaphore_mem>>)
      } else {
      }
    }
    %scan3A_32 = arith.constant 50 : i32
    %dma_wait3A = arith.constant 0 : i32
    %dma_wait3A_33 = arith.constant 0 : i32
    %dma_wait3A_34 = tpu.memref_slice %arg6[%dma_wait3A, %dma_wait3A_33] : memref<10000x96xf32, #tpu.memory_space<vmem_shared>> -> memref<10000x96xf32, #tpu.memory_space<vmem_shared>>
    tpu.wait_indirect_dma semaphore(%arg22 : memref<!tpu.dma_semaphore, #tpu.memory_space<semaphore_mem>>) src(%arg7 : memref<80x96xf32, #tpu.memory_space<vmem>>) dst(%dma_wait3A_34 : memref<10000x96xf32, #tpu.memory_space<vmem_shared>>)
    %dma_wait3A_35 = arith.constant 0 : i32
    %dma_wait3A_36 = arith.constant 0 : i32
    %dma_wait3A_37 = tpu.memref_slice %arg6[%dma_wait3A_35, %dma_wait3A_36] : memref<10000x96xf32, #tpu.memory_space<vmem_shared>> -> memref<10000x96xf32, #tpu.memory_space<vmem_shared>>
    tpu.wait_indirect_dma semaphore(%arg23 : memref<!tpu.dma_semaphore, #tpu.memory_space<semaphore_mem>>) src(%arg8 : memref<80x96xf32, #tpu.memory_space<vmem>>) dst(%dma_wait3A_37 : memref<10000x96xf32, #tpu.memory_space<vmem_shared>>)
    %dma_wait3A_38 = arith.constant 0 : i32
    %dma_wait3A_39 = arith.constant 0 : i32
    %dma_wait3A_40 = tpu.memref_slice %arg6[%dma_wait3A_38, %dma_wait3A_39] : memref<10000x96xf32, #tpu.memory_space<vmem_shared>> -> memref<10000x96xf32, #tpu.memory_space<vmem_shared>>
    tpu.wait_indirect_dma semaphore(%arg24 : memref<!tpu.dma_semaphore, #tpu.memory_space<semaphore_mem>>) src(%arg9 : memref<80x96xf32, #tpu.memory_space<vmem>>) dst(%dma_wait3A_40 : memref<10000x96xf32, #tpu.memory_space<vmem_shared>>)
    %dma_wait3A_41 = arith.constant 0 : i32
    %dma_wait3A_42 = arith.constant 0 : i32
    %dma_wait3A_43 = tpu.memref_slice %arg6[%dma_wait3A_41, %dma_wait3A_42] : memref<10000x96xf32, #tpu.memory_space<vmem_shared>> -> memref<10000x96xf32, #tpu.memory_space<vmem_shared>>
    tpu.wait_indirect_dma semaphore(%arg25 : memref<!tpu.dma_semaphore, #tpu.memory_space<semaphore_mem>>) src(%arg10 : memref<80x96xf32, #tpu.memory_space<vmem>>) dst(%dma_wait3A_43 : memref<10000x96xf32, #tpu.memory_space<vmem_shared>>)
    %dma_wait3A_44 = arith.constant 0 : i32
    %dma_wait3A_45 = arith.constant 0 : i32
    %dma_wait3A_46 = tpu.memref_slice %arg6[%dma_wait3A_44, %dma_wait3A_45] : memref<10000x96xf32, #tpu.memory_space<vmem_shared>> -> memref<10000x96xf32, #tpu.memory_space<vmem_shared>>
    tpu.wait_indirect_dma semaphore(%arg26 : memref<!tpu.dma_semaphore, #tpu.memory_space<semaphore_mem>>) src(%arg11 : memref<80x96xf32, #tpu.memory_space<vmem>>) dst(%dma_wait3A_46 : memref<10000x96xf32, #tpu.memory_space<vmem_shared>>)
    %barrier3A_47 = arith.constant 0 : index
    tpu.barrier barrier_id(%barrier3A_47)
    %mul3A_48 = arith.constant 625 : i32
    %mul3A_49 = arith.muli %arg1, %mul3A_48 : i32
    %mul3A_50 = arith.constant 625 : i32
    %mul3A_51 = arith.muli %arg1, %mul3A_50 : i32
    "tpu.region"() ({
      %run_scoped3A = tpu.sem_alloc : memref<!tpu.dma_semaphore, #tpu.memory_space<semaphore_mem>>
      %dma_start3A_52 = arith.constant 0 : i32
      %dma_start3A_53 = tpu.memref_slice %arg5[%arg0, %mul3A_51, %dma_start3A_52] : memref<2x10000x96xf32, #tpu.memory_space<hbm>> -> memref<1x625x96xf32, #tpu.memory_space<hbm>>
      %dma_start3A_54 = tpu.memref_squeeze %dma_start3A_53 : memref<1x625x96xf32, #tpu.memory_space<hbm>> -> memref<625x96xf32, #tpu.memory_space<hbm>>
      %dma_start3A_55 = arith.constant 0 : i32
      %dma_start3A_56 = tpu.memref_slice %arg6[%mul3A_49, %dma_start3A_55] : memref<10000x96xf32, #tpu.memory_space<vmem_shared>> -> memref<625x96xf32, #tpu.memory_space<vmem_shared>>
      tpu.enqueue_dma source(%dma_start3A_56 : memref<625x96xf32, #tpu.memory_space<vmem_shared>>) target(%dma_start3A_54 : memref<625x96xf32, #tpu.memory_space<hbm>>) target_semaphore(%run_scoped3A : memref<!tpu.dma_semaphore, #tpu.memory_space<semaphore_mem>>)
      %dma_wait3A_57 = arith.constant 0 : i32
      %dma_wait3A_58 = tpu.memref_slice %arg5[%arg0, %mul3A_51, %dma_wait3A_57] : memref<2x10000x96xf32, #tpu.memory_space<hbm>> -> memref<1x625x96xf32, #tpu.memory_space<hbm>>
      %dma_wait3A_59 = tpu.memref_squeeze %dma_wait3A_58 : memref<1x625x96xf32, #tpu.memory_space<hbm>> -> memref<625x96xf32, #tpu.memory_space<hbm>>
      %dma_wait3A_60 = arith.constant 0 : i32
      %dma_wait3A_61 = tpu.memref_slice %arg6[%mul3A_49, %dma_wait3A_60] : memref<10000x96xf32, #tpu.memory_space<vmem_shared>> -> memref<625x96xf32, #tpu.memory_space<vmem_shared>>
      tpu.wait_dma2 semaphore(%run_scoped3A : memref<!tpu.dma_semaphore, #tpu.memory_space<semaphore_mem>>) src(%dma_wait3A_61 : memref<625x96xf32, #tpu.memory_space<vmem_shared>>) dst(%dma_wait3A_59 : memref<625x96xf32, #tpu.memory_space<hbm>>)
      tpu.yield
    }) : () -> ()
    return
  }
}

#map = affine_map<(d0, d1) -> (0, 0)>
#map1 = affine_map<(d0, d1) -> (0)>
module attributes {stable_mosaic.version = 14 : i64} {
  func.func @gather_k(%arg0: i32, %arg1: i32, %arg2: memref<10000x192xf32, #tpu.memory_space<hbm>>, %arg3: memref<10000x16xf32, #tpu.memory_space<hbm>>, %arg4: memref<320000xi32, #tpu.memory_space<hbm>>, %arg5: memref<320000xi32, #tpu.memory_space<hbm>>, %arg6: memref<320000x192xf32, #tpu.memory_space<hbm>>, %arg7: memref<320000x16xf32, #tpu.memory_space<hbm>>, %arg8: memref<80xi32, #tpu.memory_space<vmem>>, %arg9: memref<80xi32, #tpu.memory_space<vmem>>, %arg10: memref<80xi32, #tpu.memory_space<vmem>>, %arg11: memref<80xi32, #tpu.memory_space<vmem>>, %arg12: memref<80xi32, #tpu.memory_space<vmem>>, %arg13: memref<80xi32, #tpu.memory_space<vmem>>, %arg14: memref<80xi32, #tpu.memory_space<vmem>>, %arg15: memref<80xi32, #tpu.memory_space<vmem>>, %arg16: memref<80xi32, #tpu.memory_space<vmem>>, %arg17: memref<80xi32, #tpu.memory_space<vmem>>, %arg18: memref<80x192xf32, #tpu.memory_space<vmem>>, %arg19: memref<80x192xf32, #tpu.memory_space<vmem>>, %arg20: memref<80x192xf32, #tpu.memory_space<vmem>>, %arg21: memref<80x192xf32, #tpu.memory_space<vmem>>, %arg22: memref<80x192xf32, #tpu.memory_space<vmem>>, %arg23: memref<80x16xf32, #tpu.memory_space<vmem>>, %arg24: memref<80x16xf32, #tpu.memory_space<vmem>>, %arg25: memref<80x16xf32, #tpu.memory_space<vmem>>, %arg26: memref<80x16xf32, #tpu.memory_space<vmem>>, %arg27: memref<80x16xf32, #tpu.memory_space<vmem>>, %arg28: memref<!tpu.dma_semaphore, #tpu.memory_space<semaphore_mem>>, %arg29: memref<!tpu.dma_semaphore, #tpu.memory_space<semaphore_mem>>, %arg30: memref<!tpu.dma_semaphore, #tpu.memory_space<semaphore_mem>>, %arg31: memref<!tpu.dma_semaphore, #tpu.memory_space<semaphore_mem>>, %arg32: memref<!tpu.dma_semaphore, #tpu.memory_space<semaphore_mem>>, %arg33: memref<!tpu.dma_semaphore, #tpu.memory_space<semaphore_mem>>, %arg34: memref<!tpu.dma_semaphore, #tpu.memory_space<semaphore_mem>>, %arg35: memref<!tpu.dma_semaphore, #tpu.memory_space<semaphore_mem>>, %arg36: memref<!tpu.dma_semaphore, #tpu.memory_space<semaphore_mem>>, %arg37: memref<!tpu.dma_semaphore, #tpu.memory_space<semaphore_mem>>, %arg38: memref<!tpu.dma_semaphore, #tpu.memory_space<semaphore_mem>>, %arg39: memref<!tpu.dma_semaphore, #tpu.memory_space<semaphore_mem>>, %arg40: memref<!tpu.dma_semaphore, #tpu.memory_space<semaphore_mem>>, %arg41: memref<!tpu.dma_semaphore, #tpu.memory_space<semaphore_mem>>, %arg42: memref<!tpu.dma_semaphore, #tpu.memory_space<semaphore_mem>>, %arg43: memref<!tpu.dma_semaphore, #tpu.memory_space<semaphore_mem>>, %arg44: memref<!tpu.dma_semaphore, #tpu.memory_space<semaphore_mem>>, %arg45: memref<!tpu.dma_semaphore, #tpu.memory_space<semaphore_mem>>, %arg46: memref<!tpu.dma_semaphore, #tpu.memory_space<semaphore_mem>>, %arg47: memref<!tpu.dma_semaphore, #tpu.memory_space<semaphore_mem>>) attributes {dimension_semantics = [#tpu.dimension_semantics<core_parallel>, #tpu.dimension_semantics<subcore_parallel>], iteration_bounds = array<i64: 2, 16>, scalar_prefetch = 0 : i64, scratch_operands = 40 : i64, tpu.core_type = #tpu.core_type<sc_vector_subcore>, window_params = [{transform_indices = #map}, {transform_indices = #map}, {transform_indices = #map1}, {transform_indices = #map1}, {transform_indices = #map}, {transform_indices = #map}]} {
    %mul3A = arith.constant 2 : i32
    %mul3A_0 = arith.muli %arg1, %mul3A : i32
    %add3A = arith.addi %mul3A_0, %arg0 : i32
    %mul3A_1 = arith.constant 10000 : i32
    %mul3A_2 = arith.muli %add3A, %mul3A_1 : i32
    %multiple_of3A = tpu.assume_multiple %mul3A_2, 8 : i32
    %add3A_3 = arith.constant 0 : i32
    %add3A_4 = arith.addi %multiple_of3A, %add3A_3 : i32
    %multiple_of3A_5 = tpu.assume_multiple %add3A_4, 8 : i32
    "tpu.region"() ({
      %run_scoped3A = tpu.sem_alloc : memref<!tpu.dma_semaphore, #tpu.memory_space<semaphore_mem>>
      %dma_start3A_109 = tpu.memref_slice %arg4[%multiple_of3A_5] : memref<320000xi32, #tpu.memory_space<hbm>> -> memref<80xi32, #tpu.memory_space<hbm>>
      %dma_start3A_110 = tpu.memref_slice %arg4[%multiple_of3A_5] : memref<320000xi32, #tpu.memory_space<hbm>> -> memref<80xi32, #tpu.memory_space<hbm>>
      tpu.enqueue_dma source(%dma_start3A_110 : memref<80xi32, #tpu.memory_space<hbm>>) target(%arg8 : memref<80xi32, #tpu.memory_space<vmem>>) target_semaphore(%run_scoped3A : memref<!tpu.dma_semaphore, #tpu.memory_space<semaphore_mem>>)
      %dma_wait3A_111 = tpu.memref_slice %arg4[%multiple_of3A_5] : memref<320000xi32, #tpu.memory_space<hbm>> -> memref<80xi32, #tpu.memory_space<hbm>>
      %dma_wait3A_112 = tpu.memref_slice %arg4[%multiple_of3A_5] : memref<320000xi32, #tpu.memory_space<hbm>> -> memref<80xi32, #tpu.memory_space<hbm>>
      tpu.wait_dma2 semaphore(%run_scoped3A : memref<!tpu.dma_semaphore, #tpu.memory_space<semaphore_mem>>) src(%dma_wait3A_112 : memref<80xi32, #tpu.memory_space<hbm>>) dst(%arg8 : memref<80xi32, #tpu.memory_space<vmem>>)
      tpu.yield
    }) : () -> ()
    "tpu.region"() ({
      %run_scoped3A = tpu.sem_alloc : memref<!tpu.dma_semaphore, #tpu.memory_space<semaphore_mem>>
      %dma_start3A_109 = tpu.memref_slice %arg5[%multiple_of3A_5] : memref<320000xi32, #tpu.memory_space<hbm>> -> memref<80xi32, #tpu.memory_space<hbm>>
      %dma_start3A_110 = tpu.memref_slice %arg5[%multiple_of3A_5] : memref<320000xi32, #tpu.memory_space<hbm>> -> memref<80xi32, #tpu.memory_space<hbm>>
      tpu.enqueue_dma source(%dma_start3A_110 : memref<80xi32, #tpu.memory_space<hbm>>) target(%arg13 : memref<80xi32, #tpu.memory_space<vmem>>) target_semaphore(%run_scoped3A : memref<!tpu.dma_semaphore, #tpu.memory_space<semaphore_mem>>)
      %dma_wait3A_111 = tpu.memref_slice %arg5[%multiple_of3A_5] : memref<320000xi32, #tpu.memory_space<hbm>> -> memref<80xi32, #tpu.memory_space<hbm>>
      %dma_wait3A_112 = tpu.memref_slice %arg5[%multiple_of3A_5] : memref<320000xi32, #tpu.memory_space<hbm>> -> memref<80xi32, #tpu.memory_space<hbm>>
      tpu.wait_dma2 semaphore(%run_scoped3A : memref<!tpu.dma_semaphore, #tpu.memory_space<semaphore_mem>>) src(%dma_wait3A_112 : memref<80xi32, #tpu.memory_space<hbm>>) dst(%arg13 : memref<80xi32, #tpu.memory_space<vmem>>)
      tpu.yield
    }) : () -> ()
    %dma_start3A = arith.constant 0 : i32
    %dma_start3A_6 = arith.constant 0 : i32
    %dma_start3A_7 = tpu.memref_slice %arg2[%dma_start3A, %dma_start3A_6] : memref<10000x192xf32, #tpu.memory_space<hbm>> -> memref<10000x192xf32, #tpu.memory_space<hbm>>
    tpu.enqueue_indirect_dma source(%dma_start3A_7 : memref<10000x192xf32, #tpu.memory_space<hbm>>) target(%arg18 : memref<80x192xf32, #tpu.memory_space<vmem>>) offsets(%arg8 : memref<80xi32, #tpu.memory_space<vmem>>) semaphore(%arg28 : memref<!tpu.dma_semaphore, #tpu.memory_space<semaphore_mem>>)
    %dma_start3A_8 = arith.constant 0 : i32
    %dma_start3A_9 = arith.constant 0 : i32
    %dma_start3A_10 = tpu.memref_slice %arg3[%dma_start3A_8, %dma_start3A_9] : memref<10000x16xf32, #tpu.memory_space<hbm>> -> memref<10000x16xf32, #tpu.memory_space<hbm>>
    tpu.enqueue_indirect_dma source(%dma_start3A_10 : memref<10000x16xf32, #tpu.memory_space<hbm>>) target(%arg23 : memref<80x16xf32, #tpu.memory_space<vmem>>) offsets(%arg13 : memref<80xi32, #tpu.memory_space<vmem>>) semaphore(%arg33 : memref<!tpu.dma_semaphore, #tpu.memory_space<semaphore_mem>>)
    %add3A_11 = arith.constant 80 : i32
    %add3A_12 = arith.addi %multiple_of3A, %add3A_11 : i32
    %multiple_of3A_13 = tpu.assume_multiple %add3A_12, 8 : i32
    "tpu.region"() ({
      %run_scoped3A = tpu.sem_alloc : memref<!tpu.dma_semaphore, #tpu.memory_space<semaphore_mem>>
      %dma_start3A_109 = tpu.memref_slice %arg4[%multiple_of3A_13] : memref<320000xi32, #tpu.memory_space<hbm>> -> memref<80xi32, #tpu.memory_space<hbm>>
      %dma_start3A_110 = tpu.memref_slice %arg4[%multiple_of3A_13] : memref<320000xi32, #tpu.memory_space<hbm>> -> memref<80xi32, #tpu.memory_space<hbm>>
      tpu.enqueue_dma source(%dma_start3A_110 : memref<80xi32, #tpu.memory_space<hbm>>) target(%arg9 : memref<80xi32, #tpu.memory_space<vmem>>) target_semaphore(%run_scoped3A : memref<!tpu.dma_semaphore, #tpu.memory_space<semaphore_mem>>)
      %dma_wait3A_111 = tpu.memref_slice %arg4[%multiple_of3A_13] : memref<320000xi32, #tpu.memory_space<hbm>> -> memref<80xi32, #tpu.memory_space<hbm>>
      %dma_wait3A_112 = tpu.memref_slice %arg4[%multiple_of3A_13] : memref<320000xi32, #tpu.memory_space<hbm>> -> memref<80xi32, #tpu.memory_space<hbm>>
      tpu.wait_dma2 semaphore(%run_scoped3A : memref<!tpu.dma_semaphore, #tpu.memory_space<semaphore_mem>>) src(%dma_wait3A_112 : memref<80xi32, #tpu.memory_space<hbm>>) dst(%arg9 : memref<80xi32, #tpu.memory_space<vmem>>)
      tpu.yield
    }) : () -> ()
    "tpu.region"() ({
      %run_scoped3A = tpu.sem_alloc : memref<!tpu.dma_semaphore, #tpu.memory_space<semaphore_mem>>
      %dma_start3A_109 = tpu.memref_slice %arg5[%multiple_of3A_13] : memref<320000xi32, #tpu.memory_space<hbm>> -> memref<80xi32, #tpu.memory_space<hbm>>
      %dma_start3A_110 = tpu.memref_slice %arg5[%multiple_of3A_13] : memref<320000xi32, #tpu.memory_space<hbm>> -> memref<80xi32, #tpu.memory_space<hbm>>
      tpu.enqueue_dma source(%dma_start3A_110 : memref<80xi32, #tpu.memory_space<hbm>>) target(%arg14 : memref<80xi32, #tpu.memory_space<vmem>>) target_semaphore(%run_scoped3A : memref<!tpu.dma_semaphore, #tpu.memory_space<semaphore_mem>>)
      %dma_wait3A_111 = tpu.memref_slice %arg5[%multiple_of3A_13] : memref<320000xi32, #tpu.memory_space<hbm>> -> memref<80xi32, #tpu.memory_space<hbm>>
      %dma_wait3A_112 = tpu.memref_slice %arg5[%multiple_of3A_13] : memref<320000xi32, #tpu.memory_space<hbm>> -> memref<80xi32, #tpu.memory_space<hbm>>
      tpu.wait_dma2 semaphore(%run_scoped3A : memref<!tpu.dma_semaphore, #tpu.memory_space<semaphore_mem>>) src(%dma_wait3A_112 : memref<80xi32, #tpu.memory_space<hbm>>) dst(%arg14 : memref<80xi32, #tpu.memory_space<vmem>>)
      tpu.yield
    }) : () -> ()
    %dma_start3A_14 = arith.constant 0 : i32
    %dma_start3A_15 = arith.constant 0 : i32
    %dma_start3A_16 = tpu.memref_slice %arg2[%dma_start3A_14, %dma_start3A_15] : memref<10000x192xf32, #tpu.memory_space<hbm>> -> memref<10000x192xf32, #tpu.memory_space<hbm>>
    tpu.enqueue_indirect_dma source(%dma_start3A_16 : memref<10000x192xf32, #tpu.memory_space<hbm>>) target(%arg19 : memref<80x192xf32, #tpu.memory_space<vmem>>) offsets(%arg9 : memref<80xi32, #tpu.memory_space<vmem>>) semaphore(%arg29 : memref<!tpu.dma_semaphore, #tpu.memory_space<semaphore_mem>>)
    %dma_start3A_17 = arith.constant 0 : i32
    %dma_start3A_18 = arith.constant 0 : i32
    %dma_start3A_19 = tpu.memref_slice %arg3[%dma_start3A_17, %dma_start3A_18] : memref<10000x16xf32, #tpu.memory_space<hbm>> -> memref<10000x16xf32, #tpu.memory_space<hbm>>
    tpu.enqueue_indirect_dma source(%dma_start3A_19 : memref<10000x16xf32, #tpu.memory_space<hbm>>) target(%arg24 : memref<80x16xf32, #tpu.memory_space<vmem>>) offsets(%arg14 : memref<80xi32, #tpu.memory_space<vmem>>) semaphore(%arg34 : memref<!tpu.dma_semaphore, #tpu.memory_space<semaphore_mem>>)
    %add3A_20 = arith.constant 160 : i32
    %add3A_21 = arith.addi %multiple_of3A, %add3A_20 : i32
    %multiple_of3A_22 = tpu.assume_multiple %add3A_21, 8 : i32
    "tpu.region"() ({
      %run_scoped3A = tpu.sem_alloc : memref<!tpu.dma_semaphore, #tpu.memory_space<semaphore_mem>>
      %dma_start3A_109 = tpu.memref_slice %arg4[%multiple_of3A_22] : memref<320000xi32, #tpu.memory_space<hbm>> -> memref<80xi32, #tpu.memory_space<hbm>>
      %dma_start3A_110 = tpu.memref_slice %arg4[%multiple_of3A_22] : memref<320000xi32, #tpu.memory_space<hbm>> -> memref<80xi32, #tpu.memory_space<hbm>>
      tpu.enqueue_dma source(%dma_start3A_110 : memref<80xi32, #tpu.memory_space<hbm>>) target(%arg10 : memref<80xi32, #tpu.memory_space<vmem>>) target_semaphore(%run_scoped3A : memref<!tpu.dma_semaphore, #tpu.memory_space<semaphore_mem>>)
      %dma_wait3A_111 = tpu.memref_slice %arg4[%multiple_of3A_22] : memref<320000xi32, #tpu.memory_space<hbm>> -> memref<80xi32, #tpu.memory_space<hbm>>
      %dma_wait3A_112 = tpu.memref_slice %arg4[%multiple_of3A_22] : memref<320000xi32, #tpu.memory_space<hbm>> -> memref<80xi32, #tpu.memory_space<hbm>>
      tpu.wait_dma2 semaphore(%run_scoped3A : memref<!tpu.dma_semaphore, #tpu.memory_space<semaphore_mem>>) src(%dma_wait3A_112 : memref<80xi32, #tpu.memory_space<hbm>>) dst(%arg10 : memref<80xi32, #tpu.memory_space<vmem>>)
      tpu.yield
    }) : () -> ()
    "tpu.region"() ({
      %run_scoped3A = tpu.sem_alloc : memref<!tpu.dma_semaphore, #tpu.memory_space<semaphore_mem>>
      %dma_start3A_109 = tpu.memref_slice %arg5[%multiple_of3A_22] : memref<320000xi32, #tpu.memory_space<hbm>> -> memref<80xi32, #tpu.memory_space<hbm>>
      %dma_start3A_110 = tpu.memref_slice %arg5[%multiple_of3A_22] : memref<320000xi32, #tpu.memory_space<hbm>> -> memref<80xi32, #tpu.memory_space<hbm>>
      tpu.enqueue_dma source(%dma_start3A_110 : memref<80xi32, #tpu.memory_space<hbm>>) target(%arg15 : memref<80xi32, #tpu.memory_space<vmem>>) target_semaphore(%run_scoped3A : memref<!tpu.dma_semaphore, #tpu.memory_space<semaphore_mem>>)
      %dma_wait3A_111 = tpu.memref_slice %arg5[%multiple_of3A_22] : memref<320000xi32, #tpu.memory_space<hbm>> -> memref<80xi32, #tpu.memory_space<hbm>>
      %dma_wait3A_112 = tpu.memref_slice %arg5[%multiple_of3A_22] : memref<320000xi32, #tpu.memory_space<hbm>> -> memref<80xi32, #tpu.memory_space<hbm>>
      tpu.wait_dma2 semaphore(%run_scoped3A : memref<!tpu.dma_semaphore, #tpu.memory_space<semaphore_mem>>) src(%dma_wait3A_112 : memref<80xi32, #tpu.memory_space<hbm>>) dst(%arg15 : memref<80xi32, #tpu.memory_space<vmem>>)
      tpu.yield
    }) : () -> ()
    %dma_start3A_23 = arith.constant 0 : i32
    %dma_start3A_24 = arith.constant 0 : i32
    %dma_start3A_25 = tpu.memref_slice %arg2[%dma_start3A_23, %dma_start3A_24] : memref<10000x192xf32, #tpu.memory_space<hbm>> -> memref<10000x192xf32, #tpu.memory_space<hbm>>
    tpu.enqueue_indirect_dma source(%dma_start3A_25 : memref<10000x192xf32, #tpu.memory_space<hbm>>) target(%arg20 : memref<80x192xf32, #tpu.memory_space<vmem>>) offsets(%arg10 : memref<80xi32, #tpu.memory_space<vmem>>) semaphore(%arg30 : memref<!tpu.dma_semaphore, #tpu.memory_space<semaphore_mem>>)
    %dma_start3A_26 = arith.constant 0 : i32
    %dma_start3A_27 = arith.constant 0 : i32
    %dma_start3A_28 = tpu.memref_slice %arg3[%dma_start3A_26, %dma_start3A_27] : memref<10000x16xf32, #tpu.memory_space<hbm>> -> memref<10000x16xf32, #tpu.memory_space<hbm>>
    tpu.enqueue_indirect_dma source(%dma_start3A_28 : memref<10000x16xf32, #tpu.memory_space<hbm>>) target(%arg25 : memref<80x16xf32, #tpu.memory_space<vmem>>) offsets(%arg15 : memref<80xi32, #tpu.memory_space<vmem>>) semaphore(%arg35 : memref<!tpu.dma_semaphore, #tpu.memory_space<semaphore_mem>>)
    %add3A_29 = arith.constant 240 : i32
    %add3A_30 = arith.addi %multiple_of3A, %add3A_29 : i32
    %multiple_of3A_31 = tpu.assume_multiple %add3A_30, 8 : i32
    "tpu.region"() ({
      %run_scoped3A = tpu.sem_alloc : memref<!tpu.dma_semaphore, #tpu.memory_space<semaphore_mem>>
      %dma_start3A_109 = tpu.memref_slice %arg4[%multiple_of3A_31] : memref<320000xi32, #tpu.memory_space<hbm>> -> memref<80xi32, #tpu.memory_space<hbm>>
      %dma_start3A_110 = tpu.memref_slice %arg4[%multiple_of3A_31] : memref<320000xi32, #tpu.memory_space<hbm>> -> memref<80xi32, #tpu.memory_space<hbm>>
      tpu.enqueue_dma source(%dma_start3A_110 : memref<80xi32, #tpu.memory_space<hbm>>) target(%arg11 : memref<80xi32, #tpu.memory_space<vmem>>) target_semaphore(%run_scoped3A : memref<!tpu.dma_semaphore, #tpu.memory_space<semaphore_mem>>)
      %dma_wait3A_111 = tpu.memref_slice %arg4[%multiple_of3A_31] : memref<320000xi32, #tpu.memory_space<hbm>> -> memref<80xi32, #tpu.memory_space<hbm>>
      %dma_wait3A_112 = tpu.memref_slice %arg4[%multiple_of3A_31] : memref<320000xi32, #tpu.memory_space<hbm>> -> memref<80xi32, #tpu.memory_space<hbm>>
      tpu.wait_dma2 semaphore(%run_scoped3A : memref<!tpu.dma_semaphore, #tpu.memory_space<semaphore_mem>>) src(%dma_wait3A_112 : memref<80xi32, #tpu.memory_space<hbm>>) dst(%arg11 : memref<80xi32, #tpu.memory_space<vmem>>)
      tpu.yield
    }) : () -> ()
    "tpu.region"() ({
      %run_scoped3A = tpu.sem_alloc : memref<!tpu.dma_semaphore, #tpu.memory_space<semaphore_mem>>
      %dma_start3A_109 = tpu.memref_slice %arg5[%multiple_of3A_31] : memref<320000xi32, #tpu.memory_space<hbm>> -> memref<80xi32, #tpu.memory_space<hbm>>
      %dma_start3A_110 = tpu.memref_slice %arg5[%multiple_of3A_31] : memref<320000xi32, #tpu.memory_space<hbm>> -> memref<80xi32, #tpu.memory_space<hbm>>
      tpu.enqueue_dma source(%dma_start3A_110 : memref<80xi32, #tpu.memory_space<hbm>>) target(%arg16 : memref<80xi32, #tpu.memory_space<vmem>>) target_semaphore(%run_scoped3A : memref<!tpu.dma_semaphore, #tpu.memory_space<semaphore_mem>>)
      %dma_wait3A_111 = tpu.memref_slice %arg5[%multiple_of3A_31] : memref<320000xi32, #tpu.memory_space<hbm>> -> memref<80xi32, #tpu.memory_space<hbm>>
      %dma_wait3A_112 = tpu.memref_slice %arg5[%multiple_of3A_31] : memref<320000xi32, #tpu.memory_space<hbm>> -> memref<80xi32, #tpu.memory_space<hbm>>
      tpu.wait_dma2 semaphore(%run_scoped3A : memref<!tpu.dma_semaphore, #tpu.memory_space<semaphore_mem>>) src(%dma_wait3A_112 : memref<80xi32, #tpu.memory_space<hbm>>) dst(%arg16 : memref<80xi32, #tpu.memory_space<vmem>>)
      tpu.yield
    }) : () -> ()
    %dma_start3A_32 = arith.constant 0 : i32
    %dma_start3A_33 = arith.constant 0 : i32
    %dma_start3A_34 = tpu.memref_slice %arg2[%dma_start3A_32, %dma_start3A_33] : memref<10000x192xf32, #tpu.memory_space<hbm>> -> memref<10000x192xf32, #tpu.memory_space<hbm>>
    tpu.enqueue_indirect_dma source(%dma_start3A_34 : memref<10000x192xf32, #tpu.memory_space<hbm>>) target(%arg21 : memref<80x192xf32, #tpu.memory_space<vmem>>) offsets(%arg11 : memref<80xi32, #tpu.memory_space<vmem>>) semaphore(%arg31 : memref<!tpu.dma_semaphore, #tpu.memory_space<semaphore_mem>>)
    %dma_start3A_35 = arith.constant 0 : i32
    %dma_start3A_36 = arith.constant 0 : i32
    %dma_start3A_37 = tpu.memref_slice %arg3[%dma_start3A_35, %dma_start3A_36] : memref<10000x16xf32, #tpu.memory_space<hbm>> -> memref<10000x16xf32, #tpu.memory_space<hbm>>
    tpu.enqueue_indirect_dma source(%dma_start3A_37 : memref<10000x16xf32, #tpu.memory_space<hbm>>) target(%arg26 : memref<80x16xf32, #tpu.memory_space<vmem>>) offsets(%arg16 : memref<80xi32, #tpu.memory_space<vmem>>) semaphore(%arg36 : memref<!tpu.dma_semaphore, #tpu.memory_space<semaphore_mem>>)
    %add3A_38 = arith.constant 320 : i32
    %add3A_39 = arith.addi %multiple_of3A, %add3A_38 : i32
    %multiple_of3A_40 = tpu.assume_multiple %add3A_39, 8 : i32
    "tpu.region"() ({
      %run_scoped3A = tpu.sem_alloc : memref<!tpu.dma_semaphore, #tpu.memory_space<semaphore_mem>>
      %dma_start3A_109 = tpu.memref_slice %arg4[%multiple_of3A_40] : memref<320000xi32, #tpu.memory_space<hbm>> -> memref<80xi32, #tpu.memory_space<hbm>>
      %dma_start3A_110 = tpu.memref_slice %arg4[%multiple_of3A_40] : memref<320000xi32, #tpu.memory_space<hbm>> -> memref<80xi32, #tpu.memory_space<hbm>>
      tpu.enqueue_dma source(%dma_start3A_110 : memref<80xi32, #tpu.memory_space<hbm>>) target(%arg12 : memref<80xi32, #tpu.memory_space<vmem>>) target_semaphore(%run_scoped3A : memref<!tpu.dma_semaphore, #tpu.memory_space<semaphore_mem>>)
      %dma_wait3A_111 = tpu.memref_slice %arg4[%multiple_of3A_40] : memref<320000xi32, #tpu.memory_space<hbm>> -> memref<80xi32, #tpu.memory_space<hbm>>
      %dma_wait3A_112 = tpu.memref_slice %arg4[%multiple_of3A_40] : memref<320000xi32, #tpu.memory_space<hbm>> -> memref<80xi32, #tpu.memory_space<hbm>>
      tpu.wait_dma2 semaphore(%run_scoped3A : memref<!tpu.dma_semaphore, #tpu.memory_space<semaphore_mem>>) src(%dma_wait3A_112 : memref<80xi32, #tpu.memory_space<hbm>>) dst(%arg12 : memref<80xi32, #tpu.memory_space<vmem>>)
      tpu.yield
    }) : () -> ()
    "tpu.region"() ({
      %run_scoped3A = tpu.sem_alloc : memref<!tpu.dma_semaphore, #tpu.memory_space<semaphore_mem>>
      %dma_start3A_109 = tpu.memref_slice %arg5[%multiple_of3A_40] : memref<320000xi32, #tpu.memory_space<hbm>> -> memref<80xi32, #tpu.memory_space<hbm>>
      %dma_start3A_110 = tpu.memref_slice %arg5[%multiple_of3A_40] : memref<320000xi32, #tpu.memory_space<hbm>> -> memref<80xi32, #tpu.memory_space<hbm>>
      tpu.enqueue_dma source(%dma_start3A_110 : memref<80xi32, #tpu.memory_space<hbm>>) target(%arg17 : memref<80xi32, #tpu.memory_space<vmem>>) target_semaphore(%run_scoped3A : memref<!tpu.dma_semaphore, #tpu.memory_space<semaphore_mem>>)
      %dma_wait3A_111 = tpu.memref_slice %arg5[%multiple_of3A_40] : memref<320000xi32, #tpu.memory_space<hbm>> -> memref<80xi32, #tpu.memory_space<hbm>>
      %dma_wait3A_112 = tpu.memref_slice %arg5[%multiple_of3A_40] : memref<320000xi32, #tpu.memory_space<hbm>> -> memref<80xi32, #tpu.memory_space<hbm>>
      tpu.wait_dma2 semaphore(%run_scoped3A : memref<!tpu.dma_semaphore, #tpu.memory_space<semaphore_mem>>) src(%dma_wait3A_112 : memref<80xi32, #tpu.memory_space<hbm>>) dst(%arg17 : memref<80xi32, #tpu.memory_space<vmem>>)
      tpu.yield
    }) : () -> ()
    %dma_start3A_41 = arith.constant 0 : i32
    %dma_start3A_42 = arith.constant 0 : i32
    %dma_start3A_43 = tpu.memref_slice %arg2[%dma_start3A_41, %dma_start3A_42] : memref<10000x192xf32, #tpu.memory_space<hbm>> -> memref<10000x192xf32, #tpu.memory_space<hbm>>
    tpu.enqueue_indirect_dma source(%dma_start3A_43 : memref<10000x192xf32, #tpu.memory_space<hbm>>) target(%arg22 : memref<80x192xf32, #tpu.memory_space<vmem>>) offsets(%arg12 : memref<80xi32, #tpu.memory_space<vmem>>) semaphore(%arg32 : memref<!tpu.dma_semaphore, #tpu.memory_space<semaphore_mem>>)
    %dma_start3A_44 = arith.constant 0 : i32
    %dma_start3A_45 = arith.constant 0 : i32
    %dma_start3A_46 = tpu.memref_slice %arg3[%dma_start3A_44, %dma_start3A_45] : memref<10000x16xf32, #tpu.memory_space<hbm>> -> memref<10000x16xf32, #tpu.memory_space<hbm>>
    tpu.enqueue_indirect_dma source(%dma_start3A_46 : memref<10000x16xf32, #tpu.memory_space<hbm>>) target(%arg27 : memref<80x16xf32, #tpu.memory_space<vmem>>) offsets(%arg17 : memref<80xi32, #tpu.memory_space<vmem>>) semaphore(%arg37 : memref<!tpu.dma_semaphore, #tpu.memory_space<semaphore_mem>>)
    %scan3A = arith.constant 0 : i32
    %scan3A_47 = arith.constant 0 : i32
    %scan3A_48 = arith.constant 25 : i32
    %scan3A_49 = arith.addi %scan3A_47, %scan3A_48 : i32
    %scan3A_50 = arith.constant 1 : i32
    scf.for %scan3A_109 = %scan3A_47 to %scan3A_49 step %scan3A_50  : i32 {
      %mul3A_110 = arith.constant 5 : i32
      %mul3A_111 = arith.muli %scan3A_109, %mul3A_110 : i32
      %add3A_112 = arith.constant 0 : i32
      %add3A_113 = arith.addi %mul3A_111, %add3A_112 : i32
      %mul3A_114 = arith.constant 80 : i32
      %mul3A_115 = arith.muli %add3A_113, %mul3A_114 : i32
      %add3A_116 = arith.addi %multiple_of3A, %mul3A_115 : i32
      %multiple_of3A_117 = tpu.assume_multiple %add3A_116, 8 : i32
      %dma_wait3A_118 = arith.constant 0 : i32
      %dma_wait3A_119 = arith.constant 0 : i32
      %dma_wait3A_120 = tpu.memref_slice %arg2[%dma_wait3A_118, %dma_wait3A_119] : memref<10000x192xf32, #tpu.memory_space<hbm>> -> memref<10000x192xf32, #tpu.memory_space<hbm>>
      tpu.wait_indirect_dma semaphore(%arg28 : memref<!tpu.dma_semaphore, #tpu.memory_space<semaphore_mem>>) src(%dma_wait3A_120 : memref<10000x192xf32, #tpu.memory_space<hbm>>) dst(%arg18 : memref<80x192xf32, #tpu.memory_space<vmem>>)
      %dma_wait3A_121 = arith.constant 0 : i32
      %dma_wait3A_122 = arith.constant 0 : i32
      %dma_wait3A_123 = tpu.memref_slice %arg3[%dma_wait3A_121, %dma_wait3A_122] : memref<10000x16xf32, #tpu.memory_space<hbm>> -> memref<10000x16xf32, #tpu.memory_space<hbm>>
      tpu.wait_indirect_dma semaphore(%arg33 : memref<!tpu.dma_semaphore, #tpu.memory_space<semaphore_mem>>) src(%dma_wait3A_123 : memref<10000x16xf32, #tpu.memory_space<hbm>>) dst(%arg23 : memref<80x16xf32, #tpu.memory_space<vmem>>)
      %dma_start3A_124 = arith.constant 0 : i32
      %dma_start3A_125 = tpu.memref_slice %arg6[%multiple_of3A_117, %dma_start3A_124] : memref<320000x192xf32, #tpu.memory_space<hbm>> -> memref<80x192xf32, #tpu.memory_space<hbm>>
      %dma_start3A_126 = arith.constant 0 : i32
      %dma_start3A_127 = tpu.memref_slice %arg6[%multiple_of3A_117, %dma_start3A_126] : memref<320000x192xf32, #tpu.memory_space<hbm>> -> memref<80x192xf32, #tpu.memory_space<hbm>>
      tpu.enqueue_dma source(%arg18 : memref<80x192xf32, #tpu.memory_space<vmem>>) target(%dma_start3A_127 : memref<80x192xf32, #tpu.memory_space<hbm>>) target_semaphore(%arg38 : memref<!tpu.dma_semaphore, #tpu.memory_space<semaphore_mem>>)
      %dma_start3A_128 = arith.constant 0 : i32
      %dma_start3A_129 = tpu.memref_slice %arg7[%multiple_of3A_117, %dma_start3A_128] : memref<320000x16xf32, #tpu.memory_space<hbm>> -> memref<80x16xf32, #tpu.memory_space<hbm>>
      %dma_start3A_130 = arith.constant 0 : i32
      %dma_start3A_131 = tpu.memref_slice %arg7[%multiple_of3A_117, %dma_start3A_130] : memref<320000x16xf32, #tpu.memory_space<hbm>> -> memref<80x16xf32, #tpu.memory_space<hbm>>
      tpu.enqueue_dma source(%arg23 : memref<80x16xf32, #tpu.memory_space<vmem>>) target(%dma_start3A_131 : memref<80x16xf32, #tpu.memory_space<hbm>>) target_semaphore(%arg43 : memref<!tpu.dma_semaphore, #tpu.memory_space<semaphore_mem>>)
      %lt3A = arith.constant 24 : i32
      %lt3A_132 = arith.cmpi slt, %scan3A_109, %lt3A : i32
      %convert_element_type3A = arith.extui %lt3A_132 : i1 to i32
      %cond3A = arith.constant 0 : i32
      %cond3A_133 = arith.cmpi ne, %convert_element_type3A, %cond3A : i32
      scf.if %cond3A_133 {
        %add3A_242 = arith.constant 400 : i32
        %add3A_243 = arith.addi %multiple_of3A_117, %add3A_242 : i32
        %multiple_of3A_244 = tpu.assume_multiple %add3A_243, 8 : i32
        "tpu.region"() ({
          %run_scoped3A = tpu.sem_alloc : memref<!tpu.dma_semaphore, #tpu.memory_space<semaphore_mem>>
          %dma_start3A_259 = tpu.memref_slice %arg4[%multiple_of3A_244] : memref<320000xi32, #tpu.memory_space<hbm>> -> memref<80xi32, #tpu.memory_space<hbm>>
          %dma_start3A_260 = tpu.memref_slice %arg4[%multiple_of3A_244] : memref<320000xi32, #tpu.memory_space<hbm>> -> memref<80xi32, #tpu.memory_space<hbm>>
          tpu.enqueue_dma source(%dma_start3A_260 : memref<80xi32, #tpu.memory_space<hbm>>) target(%arg8 : memref<80xi32, #tpu.memory_space<vmem>>) target_semaphore(%run_scoped3A : memref<!tpu.dma_semaphore, #tpu.memory_space<semaphore_mem>>)
          %dma_wait3A_261 = tpu.memref_slice %arg4[%multiple_of3A_244] : memref<320000xi32, #tpu.memory_space<hbm>> -> memref<80xi32, #tpu.memory_space<hbm>>
          %dma_wait3A_262 = tpu.memref_slice %arg4[%multiple_of3A_244] : memref<320000xi32, #tpu.memory_space<hbm>> -> memref<80xi32, #tpu.memory_space<hbm>>
          tpu.wait_dma2 semaphore(%run_scoped3A : memref<!tpu.dma_semaphore, #tpu.memory_space<semaphore_mem>>) src(%dma_wait3A_262 : memref<80xi32, #tpu.memory_space<hbm>>) dst(%arg8 : memref<80xi32, #tpu.memory_space<vmem>>)
          tpu.yield
        }) : () -> ()
        "tpu.region"() ({
          %run_scoped3A = tpu.sem_alloc : memref<!tpu.dma_semaphore, #tpu.memory_space<semaphore_mem>>
          %dma_start3A_259 = tpu.memref_slice %arg5[%multiple_of3A_244] : memref<320000xi32, #tpu.memory_space<hbm>> -> memref<80xi32, #tpu.memory_space<hbm>>
          %dma_start3A_260 = tpu.memref_slice %arg5[%multiple_of3A_244] : memref<320000xi32, #tpu.memory_space<hbm>> -> memref<80xi32, #tpu.memory_space<hbm>>
          tpu.enqueue_dma source(%dma_start3A_260 : memref<80xi32, #tpu.memory_space<hbm>>) target(%arg13 : memref<80xi32, #tpu.memory_space<vmem>>) target_semaphore(%run_scoped3A : memref<!tpu.dma_semaphore, #tpu.memory_space<semaphore_mem>>)
          %dma_wait3A_261 = tpu.memref_slice %arg5[%multiple_of3A_244] : memref<320000xi32, #tpu.memory_space<hbm>> -> memref<80xi32, #tpu.memory_space<hbm>>
          %dma_wait3A_262 = tpu.memref_slice %arg5[%multiple_of3A_244] : memref<320000xi32, #tpu.memory_space<hbm>> -> memref<80xi32, #tpu.memory_space<hbm>>
          tpu.wait_dma2 semaphore(%run_scoped3A : memref<!tpu.dma_semaphore, #tpu.memory_space<semaphore_mem>>) src(%dma_wait3A_262 : memref<80xi32, #tpu.memory_space<hbm>>) dst(%arg13 : memref<80xi32, #tpu.memory_space<vmem>>)
          tpu.yield
        }) : () -> ()
        %dma_wait3A_245 = arith.constant 0 : i32
        %dma_wait3A_246 = tpu.memref_slice %arg6[%multiple_of3A_117, %dma_wait3A_245] : memref<320000x192xf32, #tpu.memory_space<hbm>> -> memref<80x192xf32, #tpu.memory_space<hbm>>
        %dma_wait3A_247 = arith.constant 0 : i32
        %dma_wait3A_248 = tpu.memref_slice %arg6[%multiple_of3A_117, %dma_wait3A_247] : memref<320000x192xf32, #tpu.memory_space<hbm>> -> memref<80x192xf32, #tpu.memory_space<hbm>>
        tpu.wait_dma2 semaphore(%arg38 : memref<!tpu.dma_semaphore, #tpu.memory_space<semaphore_mem>>) src(%arg18 : memref<80x192xf32, #tpu.memory_space<vmem>>) dst(%dma_wait3A_248 : memref<80x192xf32, #tpu.memory_space<hbm>>)
        %dma_wait3A_249 = arith.constant 0 : i32
        %dma_wait3A_250 = tpu.memref_slice %arg7[%multiple_of3A_117, %dma_wait3A_249] : memref<320000x16xf32, #tpu.memory_space<hbm>> -> memref<80x16xf32, #tpu.memory_space<hbm>>
        %dma_wait3A_251 = arith.constant 0 : i32
        %dma_wait3A_252 = tpu.memref_slice %arg7[%multiple_of3A_117, %dma_wait3A_251] : memref<320000x16xf32, #tpu.memory_space<hbm>> -> memref<80x16xf32, #tpu.memory_space<hbm>>
        tpu.wait_dma2 semaphore(%arg43 : memref<!tpu.dma_semaphore, #tpu.memory_space<semaphore_mem>>) src(%arg23 : memref<80x16xf32, #tpu.memory_space<vmem>>) dst(%dma_wait3A_252 : memref<80x16xf32, #tpu.memory_space<hbm>>)
        %dma_start3A_253 = arith.constant 0 : i32
        %dma_start3A_254 = arith.constant 0 : i32
        %dma_start3A_255 = tpu.memref_slice %arg2[%dma_start3A_253, %dma_start3A_254] : memref<10000x192xf32, #tpu.memory_space<hbm>> -> memref<10000x192xf32, #tpu.memory_space<hbm>>
        tpu.enqueue_indirect_dma source(%dma_start3A_255 : memref<10000x192xf32, #tpu.memory_space<hbm>>) target(%arg18 : memref<80x192xf32, #tpu.memory_space<vmem>>) offsets(%arg8 : memref<80xi32, #tpu.memory_space<vmem>>) semaphore(%arg28 : memref<!tpu.dma_semaphore, #tpu.memory_space<semaphore_mem>>)
        %dma_start3A_256 = arith.constant 0 : i32
        %dma_start3A_257 = arith.constant 0 : i32
        %dma_start3A_258 = tpu.memref_slice %arg3[%dma_start3A_256, %dma_start3A_257] : memref<10000x16xf32, #tpu.memory_space<hbm>> -> memref<10000x16xf32, #tpu.memory_space<hbm>>
        tpu.enqueue_indirect_dma source(%dma_start3A_258 : memref<10000x16xf32, #tpu.memory_space<hbm>>) target(%arg23 : memref<80x16xf32, #tpu.memory_space<vmem>>) offsets(%arg13 : memref<80xi32, #tpu.memory_space<vmem>>) semaphore(%arg33 : memref<!tpu.dma_semaphore, #tpu.memory_space<semaphore_mem>>)
      } else {
      }
      %mul3A_134 = arith.constant 5 : i32
      %mul3A_135 = arith.muli %scan3A_109, %mul3A_134 : i32
      %add3A_136 = arith.constant 1 : i32
      %add3A_137 = arith.addi %mul3A_135, %add3A_136 : i32
      %mul3A_138 = arith.constant 80 : i32
      %mul3A_139 = arith.muli %add3A_137, %mul3A_138 : i32
      %add3A_140 = arith.addi %multiple_of3A, %mul3A_139 : i32
      %multiple_of3A_141 = tpu.assume_multiple %add3A_140, 8 : i32
      %dma_wait3A_142 = arith.constant 0 : i32
      %dma_wait3A_143 = arith.constant 0 : i32
      %dma_wait3A_144 = tpu.memref_slice %arg2[%dma_wait3A_142, %dma_wait3A_143] : memref<10000x192xf32, #tpu.memory_space<hbm>> -> memref<10000x192xf32, #tpu.memory_space<hbm>>
      tpu.wait_indirect_dma semaphore(%arg29 : memref<!tpu.dma_semaphore, #tpu.memory_space<semaphore_mem>>) src(%dma_wait3A_144 : memref<10000x192xf32, #tpu.memory_space<hbm>>) dst(%arg19 : memref<80x192xf32, #tpu.memory_space<vmem>>)
      %dma_wait3A_145 = arith.constant 0 : i32
      %dma_wait3A_146 = arith.constant 0 : i32
      %dma_wait3A_147 = tpu.memref_slice %arg3[%dma_wait3A_145, %dma_wait3A_146] : memref<10000x16xf32, #tpu.memory_space<hbm>> -> memref<10000x16xf32, #tpu.memory_space<hbm>>
      tpu.wait_indirect_dma semaphore(%arg34 : memref<!tpu.dma_semaphore, #tpu.memory_space<semaphore_mem>>) src(%dma_wait3A_147 : memref<10000x16xf32, #tpu.memory_space<hbm>>) dst(%arg24 : memref<80x16xf32, #tpu.memory_space<vmem>>)
      %dma_start3A_148 = arith.constant 0 : i32
      %dma_start3A_149 = tpu.memref_slice %arg6[%multiple_of3A_141, %dma_start3A_148] : memref<320000x192xf32, #tpu.memory_space<hbm>> -> memref<80x192xf32, #tpu.memory_space<hbm>>
      %dma_start3A_150 = arith.constant 0 : i32
      %dma_start3A_151 = tpu.memref_slice %arg6[%multiple_of3A_141, %dma_start3A_150] : memref<320000x192xf32, #tpu.memory_space<hbm>> -> memref<80x192xf32, #tpu.memory_space<hbm>>
      tpu.enqueue_dma source(%arg19 : memref<80x192xf32, #tpu.memory_space<vmem>>) target(%dma_start3A_151 : memref<80x192xf32, #tpu.memory_space<hbm>>) target_semaphore(%arg39 : memref<!tpu.dma_semaphore, #tpu.memory_space<semaphore_mem>>)
      %dma_start3A_152 = arith.constant 0 : i32
      %dma_start3A_153 = tpu.memref_slice %arg7[%multiple_of3A_141, %dma_start3A_152] : memref<320000x16xf32, #tpu.memory_space<hbm>> -> memref<80x16xf32, #tpu.memory_space<hbm>>
      %dma_start3A_154 = arith.constant 0 : i32
      %dma_start3A_155 = tpu.memref_slice %arg7[%multiple_of3A_141, %dma_start3A_154] : memref<320000x16xf32, #tpu.memory_space<hbm>> -> memref<80x16xf32, #tpu.memory_space<hbm>>
      tpu.enqueue_dma source(%arg24 : memref<80x16xf32, #tpu.memory_space<vmem>>) target(%dma_start3A_155 : memref<80x16xf32, #tpu.memory_space<hbm>>) target_semaphore(%arg44 : memref<!tpu.dma_semaphore, #tpu.memory_space<semaphore_mem>>)
      %lt3A_156 = arith.constant 24 : i32
      %lt3A_157 = arith.cmpi slt, %scan3A_109, %lt3A_156 : i32
      %convert_element_type3A_158 = arith.extui %lt3A_157 : i1 to i32
      %cond3A_159 = arith.constant 0 : i32
      %cond3A_160 = arith.cmpi ne, %convert_element_type3A_158, %cond3A_159 : i32
      scf.if %cond3A_160 {
        %add3A_242 = arith.constant 400 : i32
        %add3A_243 = arith.addi %multiple_of3A_141, %add3A_242 : i32
        %multiple_of3A_244 = tpu.assume_multiple %add3A_243, 8 : i32
        "tpu.region"() ({
          %run_scoped3A = tpu.sem_alloc : memref<!tpu.dma_semaphore, #tpu.memory_space<semaphore_mem>>
          %dma_start3A_259 = tpu.memref_slice %arg4[%multiple_of3A_244] : memref<320000xi32, #tpu.memory_space<hbm>> -> memref<80xi32, #tpu.memory_space<hbm>>
          %dma_start3A_260 = tpu.memref_slice %arg4[%multiple_of3A_244] : memref<320000xi32, #tpu.memory_space<hbm>> -> memref<80xi32, #tpu.memory_space<hbm>>
          tpu.enqueue_dma source(%dma_start3A_260 : memref<80xi32, #tpu.memory_space<hbm>>) target(%arg9 : memref<80xi32, #tpu.memory_space<vmem>>) target_semaphore(%run_scoped3A : memref<!tpu.dma_semaphore, #tpu.memory_space<semaphore_mem>>)
          %dma_wait3A_261 = tpu.memref_slice %arg4[%multiple_of3A_244] : memref<320000xi32, #tpu.memory_space<hbm>> -> memref<80xi32, #tpu.memory_space<hbm>>
          %dma_wait3A_262 = tpu.memref_slice %arg4[%multiple_of3A_244] : memref<320000xi32, #tpu.memory_space<hbm>> -> memref<80xi32, #tpu.memory_space<hbm>>
          tpu.wait_dma2 semaphore(%run_scoped3A : memref<!tpu.dma_semaphore, #tpu.memory_space<semaphore_mem>>) src(%dma_wait3A_262 : memref<80xi32, #tpu.memory_space<hbm>>) dst(%arg9 : memref<80xi32, #tpu.memory_space<vmem>>)
          tpu.yield
        }) : () -> ()
        "tpu.region"() ({
          %run_scoped3A = tpu.sem_alloc : memref<!tpu.dma_semaphore, #tpu.memory_space<semaphore_mem>>
          %dma_start3A_259 = tpu.memref_slice %arg5[%multiple_of3A_244] : memref<320000xi32, #tpu.memory_space<hbm>> -> memref<80xi32, #tpu.memory_space<hbm>>
          %dma_start3A_260 = tpu.memref_slice %arg5[%multiple_of3A_244] : memref<320000xi32, #tpu.memory_space<hbm>> -> memref<80xi32, #tpu.memory_space<hbm>>
          tpu.enqueue_dma source(%dma_start3A_260 : memref<80xi32, #tpu.memory_space<hbm>>) target(%arg14 : memref<80xi32, #tpu.memory_space<vmem>>) target_semaphore(%run_scoped3A : memref<!tpu.dma_semaphore, #tpu.memory_space<semaphore_mem>>)
          %dma_wait3A_261 = tpu.memref_slice %arg5[%multiple_of3A_244] : memref<320000xi32, #tpu.memory_space<hbm>> -> memref<80xi32, #tpu.memory_space<hbm>>
          %dma_wait3A_262 = tpu.memref_slice %arg5[%multiple_of3A_244] : memref<320000xi32, #tpu.memory_space<hbm>> -> memref<80xi32, #tpu.memory_space<hbm>>
          tpu.wait_dma2 semaphore(%run_scoped3A : memref<!tpu.dma_semaphore, #tpu.memory_space<semaphore_mem>>) src(%dma_wait3A_262 : memref<80xi32, #tpu.memory_space<hbm>>) dst(%arg14 : memref<80xi32, #tpu.memory_space<vmem>>)
          tpu.yield
        }) : () -> ()
        %dma_wait3A_245 = arith.constant 0 : i32
        %dma_wait3A_246 = tpu.memref_slice %arg6[%multiple_of3A_141, %dma_wait3A_245] : memref<320000x192xf32, #tpu.memory_space<hbm>> -> memref<80x192xf32, #tpu.memory_space<hbm>>
        %dma_wait3A_247 = arith.constant 0 : i32
        %dma_wait3A_248 = tpu.memref_slice %arg6[%multiple_of3A_141, %dma_wait3A_247] : memref<320000x192xf32, #tpu.memory_space<hbm>> -> memref<80x192xf32, #tpu.memory_space<hbm>>
        tpu.wait_dma2 semaphore(%arg39 : memref<!tpu.dma_semaphore, #tpu.memory_space<semaphore_mem>>) src(%arg19 : memref<80x192xf32, #tpu.memory_space<vmem>>) dst(%dma_wait3A_248 : memref<80x192xf32, #tpu.memory_space<hbm>>)
        %dma_wait3A_249 = arith.constant 0 : i32
        %dma_wait3A_250 = tpu.memref_slice %arg7[%multiple_of3A_141, %dma_wait3A_249] : memref<320000x16xf32, #tpu.memory_space<hbm>> -> memref<80x16xf32, #tpu.memory_space<hbm>>
        %dma_wait3A_251 = arith.constant 0 : i32
        %dma_wait3A_252 = tpu.memref_slice %arg7[%multiple_of3A_141, %dma_wait3A_251] : memref<320000x16xf32, #tpu.memory_space<hbm>> -> memref<80x16xf32, #tpu.memory_space<hbm>>
        tpu.wait_dma2 semaphore(%arg44 : memref<!tpu.dma_semaphore, #tpu.memory_space<semaphore_mem>>) src(%arg24 : memref<80x16xf32, #tpu.memory_space<vmem>>) dst(%dma_wait3A_252 : memref<80x16xf32, #tpu.memory_space<hbm>>)
        %dma_start3A_253 = arith.constant 0 : i32
        %dma_start3A_254 = arith.constant 0 : i32
        %dma_start3A_255 = tpu.memref_slice %arg2[%dma_start3A_253, %dma_start3A_254] : memref<10000x192xf32, #tpu.memory_space<hbm>> -> memref<10000x192xf32, #tpu.memory_space<hbm>>
        tpu.enqueue_indirect_dma source(%dma_start3A_255 : memref<10000x192xf32, #tpu.memory_space<hbm>>) target(%arg19 : memref<80x192xf32, #tpu.memory_space<vmem>>) offsets(%arg9 : memref<80xi32, #tpu.memory_space<vmem>>) semaphore(%arg29 : memref<!tpu.dma_semaphore, #tpu.memory_space<semaphore_mem>>)
        %dma_start3A_256 = arith.constant 0 : i32
        %dma_start3A_257 = arith.constant 0 : i32
        %dma_start3A_258 = tpu.memref_slice %arg3[%dma_start3A_256, %dma_start3A_257] : memref<10000x16xf32, #tpu.memory_space<hbm>> -> memref<10000x16xf32, #tpu.memory_space<hbm>>
        tpu.enqueue_indirect_dma source(%dma_start3A_258 : memref<10000x16xf32, #tpu.memory_space<hbm>>) target(%arg24 : memref<80x16xf32, #tpu.memory_space<vmem>>) offsets(%arg14 : memref<80xi32, #tpu.memory_space<vmem>>) semaphore(%arg34 : memref<!tpu.dma_semaphore, #tpu.memory_space<semaphore_mem>>)
      } else {
      }
      %mul3A_161 = arith.constant 5 : i32
      %mul3A_162 = arith.muli %scan3A_109, %mul3A_161 : i32
      %add3A_163 = arith.constant 2 : i32
      %add3A_164 = arith.addi %mul3A_162, %add3A_163 : i32
      %mul3A_165 = arith.constant 80 : i32
      %mul3A_166 = arith.muli %add3A_164, %mul3A_165 : i32
      %add3A_167 = arith.addi %multiple_of3A, %mul3A_166 : i32
      %multiple_of3A_168 = tpu.assume_multiple %add3A_167, 8 : i32
      %dma_wait3A_169 = arith.constant 0 : i32
      %dma_wait3A_170 = arith.constant 0 : i32
      %dma_wait3A_171 = tpu.memref_slice %arg2[%dma_wait3A_169, %dma_wait3A_170] : memref<10000x192xf32, #tpu.memory_space<hbm>> -> memref<10000x192xf32, #tpu.memory_space<hbm>>
      tpu.wait_indirect_dma semaphore(%arg30 : memref<!tpu.dma_semaphore, #tpu.memory_space<semaphore_mem>>) src(%dma_wait3A_171 : memref<10000x192xf32, #tpu.memory_space<hbm>>) dst(%arg20 : memref<80x192xf32, #tpu.memory_space<vmem>>)
      %dma_wait3A_172 = arith.constant 0 : i32
      %dma_wait3A_173 = arith.constant 0 : i32
      %dma_wait3A_174 = tpu.memref_slice %arg3[%dma_wait3A_172, %dma_wait3A_173] : memref<10000x16xf32, #tpu.memory_space<hbm>> -> memref<10000x16xf32, #tpu.memory_space<hbm>>
      tpu.wait_indirect_dma semaphore(%arg35 : memref<!tpu.dma_semaphore, #tpu.memory_space<semaphore_mem>>) src(%dma_wait3A_174 : memref<10000x16xf32, #tpu.memory_space<hbm>>) dst(%arg25 : memref<80x16xf32, #tpu.memory_space<vmem>>)
      %dma_start3A_175 = arith.constant 0 : i32
      %dma_start3A_176 = tpu.memref_slice %arg6[%multiple_of3A_168, %dma_start3A_175] : memref<320000x192xf32, #tpu.memory_space<hbm>> -> memref<80x192xf32, #tpu.memory_space<hbm>>
      %dma_start3A_177 = arith.constant 0 : i32
      %dma_start3A_178 = tpu.memref_slice %arg6[%multiple_of3A_168, %dma_start3A_177] : memref<320000x192xf32, #tpu.memory_space<hbm>> -> memref<80x192xf32, #tpu.memory_space<hbm>>
      tpu.enqueue_dma source(%arg20 : memref<80x192xf32, #tpu.memory_space<vmem>>) target(%dma_start3A_178 : memref<80x192xf32, #tpu.memory_space<hbm>>) target_semaphore(%arg40 : memref<!tpu.dma_semaphore, #tpu.memory_space<semaphore_mem>>)
      %dma_start3A_179 = arith.constant 0 : i32
      %dma_start3A_180 = tpu.memref_slice %arg7[%multiple_of3A_168, %dma_start3A_179] : memref<320000x16xf32, #tpu.memory_space<hbm>> -> memref<80x16xf32, #tpu.memory_space<hbm>>
      %dma_start3A_181 = arith.constant 0 : i32
      %dma_start3A_182 = tpu.memref_slice %arg7[%multiple_of3A_168, %dma_start3A_181] : memref<320000x16xf32, #tpu.memory_space<hbm>> -> memref<80x16xf32, #tpu.memory_space<hbm>>
      tpu.enqueue_dma source(%arg25 : memref<80x16xf32, #tpu.memory_space<vmem>>) target(%dma_start3A_182 : memref<80x16xf32, #tpu.memory_space<hbm>>) target_semaphore(%arg45 : memref<!tpu.dma_semaphore, #tpu.memory_space<semaphore_mem>>)
      %lt3A_183 = arith.constant 24 : i32
      %lt3A_184 = arith.cmpi slt, %scan3A_109, %lt3A_183 : i32
      %convert_element_type3A_185 = arith.extui %lt3A_184 : i1 to i32
      %cond3A_186 = arith.constant 0 : i32
      %cond3A_187 = arith.cmpi ne, %convert_element_type3A_185, %cond3A_186 : i32
      scf.if %cond3A_187 {
        %add3A_242 = arith.constant 400 : i32
        %add3A_243 = arith.addi %multiple_of3A_168, %add3A_242 : i32
        %multiple_of3A_244 = tpu.assume_multiple %add3A_243, 8 : i32
        "tpu.region"() ({
          %run_scoped3A = tpu.sem_alloc : memref<!tpu.dma_semaphore, #tpu.memory_space<semaphore_mem>>
          %dma_start3A_259 = tpu.memref_slice %arg4[%multiple_of3A_244] : memref<320000xi32, #tpu.memory_space<hbm>> -> memref<80xi32, #tpu.memory_space<hbm>>
          %dma_start3A_260 = tpu.memref_slice %arg4[%multiple_of3A_244] : memref<320000xi32, #tpu.memory_space<hbm>> -> memref<80xi32, #tpu.memory_space<hbm>>
          tpu.enqueue_dma source(%dma_start3A_260 : memref<80xi32, #tpu.memory_space<hbm>>) target(%arg10 : memref<80xi32, #tpu.memory_space<vmem>>) target_semaphore(%run_scoped3A : memref<!tpu.dma_semaphore, #tpu.memory_space<semaphore_mem>>)
          %dma_wait3A_261 = tpu.memref_slice %arg4[%multiple_of3A_244] : memref<320000xi32, #tpu.memory_space<hbm>> -> memref<80xi32, #tpu.memory_space<hbm>>
          %dma_wait3A_262 = tpu.memref_slice %arg4[%multiple_of3A_244] : memref<320000xi32, #tpu.memory_space<hbm>> -> memref<80xi32, #tpu.memory_space<hbm>>
          tpu.wait_dma2 semaphore(%run_scoped3A : memref<!tpu.dma_semaphore, #tpu.memory_space<semaphore_mem>>) src(%dma_wait3A_262 : memref<80xi32, #tpu.memory_space<hbm>>) dst(%arg10 : memref<80xi32, #tpu.memory_space<vmem>>)
          tpu.yield
        }) : () -> ()
        "tpu.region"() ({
          %run_scoped3A = tpu.sem_alloc : memref<!tpu.dma_semaphore, #tpu.memory_space<semaphore_mem>>
          %dma_start3A_259 = tpu.memref_slice %arg5[%multiple_of3A_244] : memref<320000xi32, #tpu.memory_space<hbm>> -> memref<80xi32, #tpu.memory_space<hbm>>
          %dma_start3A_260 = tpu.memref_slice %arg5[%multiple_of3A_244] : memref<320000xi32, #tpu.memory_space<hbm>> -> memref<80xi32, #tpu.memory_space<hbm>>
          tpu.enqueue_dma source(%dma_start3A_260 : memref<80xi32, #tpu.memory_space<hbm>>) target(%arg15 : memref<80xi32, #tpu.memory_space<vmem>>) target_semaphore(%run_scoped3A : memref<!tpu.dma_semaphore, #tpu.memory_space<semaphore_mem>>)
          %dma_wait3A_261 = tpu.memref_slice %arg5[%multiple_of3A_244] : memref<320000xi32, #tpu.memory_space<hbm>> -> memref<80xi32, #tpu.memory_space<hbm>>
          %dma_wait3A_262 = tpu.memref_slice %arg5[%multiple_of3A_244] : memref<320000xi32, #tpu.memory_space<hbm>> -> memref<80xi32, #tpu.memory_space<hbm>>
          tpu.wait_dma2 semaphore(%run_scoped3A : memref<!tpu.dma_semaphore, #tpu.memory_space<semaphore_mem>>) src(%dma_wait3A_262 : memref<80xi32, #tpu.memory_space<hbm>>) dst(%arg15 : memref<80xi32, #tpu.memory_space<vmem>>)
          tpu.yield
        }) : () -> ()
        %dma_wait3A_245 = arith.constant 0 : i32
        %dma_wait3A_246 = tpu.memref_slice %arg6[%multiple_of3A_168, %dma_wait3A_245] : memref<320000x192xf32, #tpu.memory_space<hbm>> -> memref<80x192xf32, #tpu.memory_space<hbm>>
        %dma_wait3A_247 = arith.constant 0 : i32
        %dma_wait3A_248 = tpu.memref_slice %arg6[%multiple_of3A_168, %dma_wait3A_247] : memref<320000x192xf32, #tpu.memory_space<hbm>> -> memref<80x192xf32, #tpu.memory_space<hbm>>
        tpu.wait_dma2 semaphore(%arg40 : memref<!tpu.dma_semaphore, #tpu.memory_space<semaphore_mem>>) src(%arg20 : memref<80x192xf32, #tpu.memory_space<vmem>>) dst(%dma_wait3A_248 : memref<80x192xf32, #tpu.memory_space<hbm>>)
        %dma_wait3A_249 = arith.constant 0 : i32
        %dma_wait3A_250 = tpu.memref_slice %arg7[%multiple_of3A_168, %dma_wait3A_249] : memref<320000x16xf32, #tpu.memory_space<hbm>> -> memref<80x16xf32, #tpu.memory_space<hbm>>
        %dma_wait3A_251 = arith.constant 0 : i32
        %dma_wait3A_252 = tpu.memref_slice %arg7[%multiple_of3A_168, %dma_wait3A_251] : memref<320000x16xf32, #tpu.memory_space<hbm>> -> memref<80x16xf32, #tpu.memory_space<hbm>>
        tpu.wait_dma2 semaphore(%arg45 : memref<!tpu.dma_semaphore, #tpu.memory_space<semaphore_mem>>) src(%arg25 : memref<80x16xf32, #tpu.memory_space<vmem>>) dst(%dma_wait3A_252 : memref<80x16xf32, #tpu.memory_space<hbm>>)
        %dma_start3A_253 = arith.constant 0 : i32
        %dma_start3A_254 = arith.constant 0 : i32
        %dma_start3A_255 = tpu.memref_slice %arg2[%dma_start3A_253, %dma_start3A_254] : memref<10000x192xf32, #tpu.memory_space<hbm>> -> memref<10000x192xf32, #tpu.memory_space<hbm>>
        tpu.enqueue_indirect_dma source(%dma_start3A_255 : memref<10000x192xf32, #tpu.memory_space<hbm>>) target(%arg20 : memref<80x192xf32, #tpu.memory_space<vmem>>) offsets(%arg10 : memref<80xi32, #tpu.memory_space<vmem>>) semaphore(%arg30 : memref<!tpu.dma_semaphore, #tpu.memory_space<semaphore_mem>>)
        %dma_start3A_256 = arith.constant 0 : i32
        %dma_start3A_257 = arith.constant 0 : i32
        %dma_start3A_258 = tpu.memref_slice %arg3[%dma_start3A_256, %dma_start3A_257] : memref<10000x16xf32, #tpu.memory_space<hbm>> -> memref<10000x16xf32, #tpu.memory_space<hbm>>
        tpu.enqueue_indirect_dma source(%dma_start3A_258 : memref<10000x16xf32, #tpu.memory_space<hbm>>) target(%arg25 : memref<80x16xf32, #tpu.memory_space<vmem>>) offsets(%arg15 : memref<80xi32, #tpu.memory_space<vmem>>) semaphore(%arg35 : memref<!tpu.dma_semaphore, #tpu.memory_space<semaphore_mem>>)
      } else {
      }
      %mul3A_188 = arith.constant 5 : i32
      %mul3A_189 = arith.muli %scan3A_109, %mul3A_188 : i32
      %add3A_190 = arith.constant 3 : i32
      %add3A_191 = arith.addi %mul3A_189, %add3A_190 : i32
      %mul3A_192 = arith.constant 80 : i32
      %mul3A_193 = arith.muli %add3A_191, %mul3A_192 : i32
      %add3A_194 = arith.addi %multiple_of3A, %mul3A_193 : i32
      %multiple_of3A_195 = tpu.assume_multiple %add3A_194, 8 : i32
      %dma_wait3A_196 = arith.constant 0 : i32
      %dma_wait3A_197 = arith.constant 0 : i32
      %dma_wait3A_198 = tpu.memref_slice %arg2[%dma_wait3A_196, %dma_wait3A_197] : memref<10000x192xf32, #tpu.memory_space<hbm>> -> memref<10000x192xf32, #tpu.memory_space<hbm>>
      tpu.wait_indirect_dma semaphore(%arg31 : memref<!tpu.dma_semaphore, #tpu.memory_space<semaphore_mem>>) src(%dma_wait3A_198 : memref<10000x192xf32, #tpu.memory_space<hbm>>) dst(%arg21 : memref<80x192xf32, #tpu.memory_space<vmem>>)
      %dma_wait3A_199 = arith.constant 0 : i32
      %dma_wait3A_200 = arith.constant 0 : i32
      %dma_wait3A_201 = tpu.memref_slice %arg3[%dma_wait3A_199, %dma_wait3A_200] : memref<10000x16xf32, #tpu.memory_space<hbm>> -> memref<10000x16xf32, #tpu.memory_space<hbm>>
      tpu.wait_indirect_dma semaphore(%arg36 : memref<!tpu.dma_semaphore, #tpu.memory_space<semaphore_mem>>) src(%dma_wait3A_201 : memref<10000x16xf32, #tpu.memory_space<hbm>>) dst(%arg26 : memref<80x16xf32, #tpu.memory_space<vmem>>)
      %dma_start3A_202 = arith.constant 0 : i32
      %dma_start3A_203 = tpu.memref_slice %arg6[%multiple_of3A_195, %dma_start3A_202] : memref<320000x192xf32, #tpu.memory_space<hbm>> -> memref<80x192xf32, #tpu.memory_space<hbm>>
      %dma_start3A_204 = arith.constant 0 : i32
      %dma_start3A_205 = tpu.memref_slice %arg6[%multiple_of3A_195, %dma_start3A_204] : memref<320000x192xf32, #tpu.memory_space<hbm>> -> memref<80x192xf32, #tpu.memory_space<hbm>>
      tpu.enqueue_dma source(%arg21 : memref<80x192xf32, #tpu.memory_space<vmem>>) target(%dma_start3A_205 : memref<80x192xf32, #tpu.memory_space<hbm>>) target_semaphore(%arg41 : memref<!tpu.dma_semaphore, #tpu.memory_space<semaphore_mem>>)
      %dma_start3A_206 = arith.constant 0 : i32
      %dma_start3A_207 = tpu.memref_slice %arg7[%multiple_of3A_195, %dma_start3A_206] : memref<320000x16xf32, #tpu.memory_space<hbm>> -> memref<80x16xf32, #tpu.memory_space<hbm>>
      %dma_start3A_208 = arith.constant 0 : i32
      %dma_start3A_209 = tpu.memref_slice %arg7[%multiple_of3A_195, %dma_start3A_208] : memref<320000x16xf32, #tpu.memory_space<hbm>> -> memref<80x16xf32, #tpu.memory_space<hbm>>
      tpu.enqueue_dma source(%arg26 : memref<80x16xf32, #tpu.memory_space<vmem>>) target(%dma_start3A_209 : memref<80x16xf32, #tpu.memory_space<hbm>>) target_semaphore(%arg46 : memref<!tpu.dma_semaphore, #tpu.memory_space<semaphore_mem>>)
      %lt3A_210 = arith.constant 24 : i32
      %lt3A_211 = arith.cmpi slt, %scan3A_109, %lt3A_210 : i32
      %convert_element_type3A_212 = arith.extui %lt3A_211 : i1 to i32
      %cond3A_213 = arith.constant 0 : i32
      %cond3A_214 = arith.cmpi ne, %convert_element_type3A_212, %cond3A_213 : i32
      scf.if %cond3A_214 {
        %add3A_242 = arith.constant 400 : i32
        %add3A_243 = arith.addi %multiple_of3A_195, %add3A_242 : i32
        %multiple_of3A_244 = tpu.assume_multiple %add3A_243, 8 : i32
        "tpu.region"() ({
          %run_scoped3A = tpu.sem_alloc : memref<!tpu.dma_semaphore, #tpu.memory_space<semaphore_mem>>
          %dma_start3A_259 = tpu.memref_slice %arg4[%multiple_of3A_244] : memref<320000xi32, #tpu.memory_space<hbm>> -> memref<80xi32, #tpu.memory_space<hbm>>
          %dma_start3A_260 = tpu.memref_slice %arg4[%multiple_of3A_244] : memref<320000xi32, #tpu.memory_space<hbm>> -> memref<80xi32, #tpu.memory_space<hbm>>
          tpu.enqueue_dma source(%dma_start3A_260 : memref<80xi32, #tpu.memory_space<hbm>>) target(%arg11 : memref<80xi32, #tpu.memory_space<vmem>>) target_semaphore(%run_scoped3A : memref<!tpu.dma_semaphore, #tpu.memory_space<semaphore_mem>>)
          %dma_wait3A_261 = tpu.memref_slice %arg4[%multiple_of3A_244] : memref<320000xi32, #tpu.memory_space<hbm>> -> memref<80xi32, #tpu.memory_space<hbm>>
          %dma_wait3A_262 = tpu.memref_slice %arg4[%multiple_of3A_244] : memref<320000xi32, #tpu.memory_space<hbm>> -> memref<80xi32, #tpu.memory_space<hbm>>
          tpu.wait_dma2 semaphore(%run_scoped3A : memref<!tpu.dma_semaphore, #tpu.memory_space<semaphore_mem>>) src(%dma_wait3A_262 : memref<80xi32, #tpu.memory_space<hbm>>) dst(%arg11 : memref<80xi32, #tpu.memory_space<vmem>>)
          tpu.yield
        }) : () -> ()
        "tpu.region"() ({
          %run_scoped3A = tpu.sem_alloc : memref<!tpu.dma_semaphore, #tpu.memory_space<semaphore_mem>>
          %dma_start3A_259 = tpu.memref_slice %arg5[%multiple_of3A_244] : memref<320000xi32, #tpu.memory_space<hbm>> -> memref<80xi32, #tpu.memory_space<hbm>>
          %dma_start3A_260 = tpu.memref_slice %arg5[%multiple_of3A_244] : memref<320000xi32, #tpu.memory_space<hbm>> -> memref<80xi32, #tpu.memory_space<hbm>>
          tpu.enqueue_dma source(%dma_start3A_260 : memref<80xi32, #tpu.memory_space<hbm>>) target(%arg16 : memref<80xi32, #tpu.memory_space<vmem>>) target_semaphore(%run_scoped3A : memref<!tpu.dma_semaphore, #tpu.memory_space<semaphore_mem>>)
          %dma_wait3A_261 = tpu.memref_slice %arg5[%multiple_of3A_244] : memref<320000xi32, #tpu.memory_space<hbm>> -> memref<80xi32, #tpu.memory_space<hbm>>
          %dma_wait3A_262 = tpu.memref_slice %arg5[%multiple_of3A_244] : memref<320000xi32, #tpu.memory_space<hbm>> -> memref<80xi32, #tpu.memory_space<hbm>>
          tpu.wait_dma2 semaphore(%run_scoped3A : memref<!tpu.dma_semaphore, #tpu.memory_space<semaphore_mem>>) src(%dma_wait3A_262 : memref<80xi32, #tpu.memory_space<hbm>>) dst(%arg16 : memref<80xi32, #tpu.memory_space<vmem>>)
          tpu.yield
        }) : () -> ()
        %dma_wait3A_245 = arith.constant 0 : i32
        %dma_wait3A_246 = tpu.memref_slice %arg6[%multiple_of3A_195, %dma_wait3A_245] : memref<320000x192xf32, #tpu.memory_space<hbm>> -> memref<80x192xf32, #tpu.memory_space<hbm>>
        %dma_wait3A_247 = arith.constant 0 : i32
        %dma_wait3A_248 = tpu.memref_slice %arg6[%multiple_of3A_195, %dma_wait3A_247] : memref<320000x192xf32, #tpu.memory_space<hbm>> -> memref<80x192xf32, #tpu.memory_space<hbm>>
        tpu.wait_dma2 semaphore(%arg41 : memref<!tpu.dma_semaphore, #tpu.memory_space<semaphore_mem>>) src(%arg21 : memref<80x192xf32, #tpu.memory_space<vmem>>) dst(%dma_wait3A_248 : memref<80x192xf32, #tpu.memory_space<hbm>>)
        %dma_wait3A_249 = arith.constant 0 : i32
        %dma_wait3A_250 = tpu.memref_slice %arg7[%multiple_of3A_195, %dma_wait3A_249] : memref<320000x16xf32, #tpu.memory_space<hbm>> -> memref<80x16xf32, #tpu.memory_space<hbm>>
        %dma_wait3A_251 = arith.constant 0 : i32
        %dma_wait3A_252 = tpu.memref_slice %arg7[%multiple_of3A_195, %dma_wait3A_251] : memref<320000x16xf32, #tpu.memory_space<hbm>> -> memref<80x16xf32, #tpu.memory_space<hbm>>
        tpu.wait_dma2 semaphore(%arg46 : memref<!tpu.dma_semaphore, #tpu.memory_space<semaphore_mem>>) src(%arg26 : memref<80x16xf32, #tpu.memory_space<vmem>>) dst(%dma_wait3A_252 : memref<80x16xf32, #tpu.memory_space<hbm>>)
        %dma_start3A_253 = arith.constant 0 : i32
        %dma_start3A_254 = arith.constant 0 : i32
        %dma_start3A_255 = tpu.memref_slice %arg2[%dma_start3A_253, %dma_start3A_254] : memref<10000x192xf32, #tpu.memory_space<hbm>> -> memref<10000x192xf32, #tpu.memory_space<hbm>>
        tpu.enqueue_indirect_dma source(%dma_start3A_255 : memref<10000x192xf32, #tpu.memory_space<hbm>>) target(%arg21 : memref<80x192xf32, #tpu.memory_space<vmem>>) offsets(%arg11 : memref<80xi32, #tpu.memory_space<vmem>>) semaphore(%arg31 : memref<!tpu.dma_semaphore, #tpu.memory_space<semaphore_mem>>)
        %dma_start3A_256 = arith.constant 0 : i32
        %dma_start3A_257 = arith.constant 0 : i32
        %dma_start3A_258 = tpu.memref_slice %arg3[%dma_start3A_256, %dma_start3A_257] : memref<10000x16xf32, #tpu.memory_space<hbm>> -> memref<10000x16xf32, #tpu.memory_space<hbm>>
        tpu.enqueue_indirect_dma source(%dma_start3A_258 : memref<10000x16xf32, #tpu.memory_space<hbm>>) target(%arg26 : memref<80x16xf32, #tpu.memory_space<vmem>>) offsets(%arg16 : memref<80xi32, #tpu.memory_space<vmem>>) semaphore(%arg36 : memref<!tpu.dma_semaphore, #tpu.memory_space<semaphore_mem>>)
      } else {
      }
      %mul3A_215 = arith.constant 5 : i32
      %mul3A_216 = arith.muli %scan3A_109, %mul3A_215 : i32
      %add3A_217 = arith.constant 4 : i32
      %add3A_218 = arith.addi %mul3A_216, %add3A_217 : i32
      %mul3A_219 = arith.constant 80 : i32
      %mul3A_220 = arith.muli %add3A_218, %mul3A_219 : i32
      %add3A_221 = arith.addi %multiple_of3A, %mul3A_220 : i32
      %multiple_of3A_222 = tpu.assume_multiple %add3A_221, 8 : i32
      %dma_wait3A_223 = arith.constant 0 : i32
      %dma_wait3A_224 = arith.constant 0 : i32
      %dma_wait3A_225 = tpu.memref_slice %arg2[%dma_wait3A_223, %dma_wait3A_224] : memref<10000x192xf32, #tpu.memory_space<hbm>> -> memref<10000x192xf32, #tpu.memory_space<hbm>>
      tpu.wait_indirect_dma semaphore(%arg32 : memref<!tpu.dma_semaphore, #tpu.memory_space<semaphore_mem>>) src(%dma_wait3A_225 : memref<10000x192xf32, #tpu.memory_space<hbm>>) dst(%arg22 : memref<80x192xf32, #tpu.memory_space<vmem>>)
      %dma_wait3A_226 = arith.constant 0 : i32
      %dma_wait3A_227 = arith.constant 0 : i32
      %dma_wait3A_228 = tpu.memref_slice %arg3[%dma_wait3A_226, %dma_wait3A_227] : memref<10000x16xf32, #tpu.memory_space<hbm>> -> memref<10000x16xf32, #tpu.memory_space<hbm>>
      tpu.wait_indirect_dma semaphore(%arg37 : memref<!tpu.dma_semaphore, #tpu.memory_space<semaphore_mem>>) src(%dma_wait3A_228 : memref<10000x16xf32, #tpu.memory_space<hbm>>) dst(%arg27 : memref<80x16xf32, #tpu.memory_space<vmem>>)
      %dma_start3A_229 = arith.constant 0 : i32
      %dma_start3A_230 = tpu.memref_slice %arg6[%multiple_of3A_222, %dma_start3A_229] : memref<320000x192xf32, #tpu.memory_space<hbm>> -> memref<80x192xf32, #tpu.memory_space<hbm>>
      %dma_start3A_231 = arith.constant 0 : i32
      %dma_start3A_232 = tpu.memref_slice %arg6[%multiple_of3A_222, %dma_start3A_231] : memref<320000x192xf32, #tpu.memory_space<hbm>> -> memref<80x192xf32, #tpu.memory_space<hbm>>
      tpu.enqueue_dma source(%arg22 : memref<80x192xf32, #tpu.memory_space<vmem>>) target(%dma_start3A_232 : memref<80x192xf32, #tpu.memory_space<hbm>>) target_semaphore(%arg42 : memref<!tpu.dma_semaphore, #tpu.memory_space<semaphore_mem>>)
      %dma_start3A_233 = arith.constant 0 : i32
      %dma_start3A_234 = tpu.memref_slice %arg7[%multiple_of3A_222, %dma_start3A_233] : memref<320000x16xf32, #tpu.memory_space<hbm>> -> memref<80x16xf32, #tpu.memory_space<hbm>>
      %dma_start3A_235 = arith.constant 0 : i32
      %dma_start3A_236 = tpu.memref_slice %arg7[%multiple_of3A_222, %dma_start3A_235] : memref<320000x16xf32, #tpu.memory_space<hbm>> -> memref<80x16xf32, #tpu.memory_space<hbm>>
      tpu.enqueue_dma source(%arg27 : memref<80x16xf32, #tpu.memory_space<vmem>>) target(%dma_start3A_236 : memref<80x16xf32, #tpu.memory_space<hbm>>) target_semaphore(%arg47 : memref<!tpu.dma_semaphore, #tpu.memory_space<semaphore_mem>>)
      %lt3A_237 = arith.constant 24 : i32
      %lt3A_238 = arith.cmpi slt, %scan3A_109, %lt3A_237 : i32
      %convert_element_type3A_239 = arith.extui %lt3A_238 : i1 to i32
      %cond3A_240 = arith.constant 0 : i32
      %cond3A_241 = arith.cmpi ne, %convert_element_type3A_239, %cond3A_240 : i32
      scf.if %cond3A_241 {
        %add3A_242 = arith.constant 400 : i32
        %add3A_243 = arith.addi %multiple_of3A_222, %add3A_242 : i32
        %multiple_of3A_244 = tpu.assume_multiple %add3A_243, 8 : i32
        "tpu.region"() ({
          %run_scoped3A = tpu.sem_alloc : memref<!tpu.dma_semaphore, #tpu.memory_space<semaphore_mem>>
          %dma_start3A_259 = tpu.memref_slice %arg4[%multiple_of3A_244] : memref<320000xi32, #tpu.memory_space<hbm>> -> memref<80xi32, #tpu.memory_space<hbm>>
          %dma_start3A_260 = tpu.memref_slice %arg4[%multiple_of3A_244] : memref<320000xi32, #tpu.memory_space<hbm>> -> memref<80xi32, #tpu.memory_space<hbm>>
          tpu.enqueue_dma source(%dma_start3A_260 : memref<80xi32, #tpu.memory_space<hbm>>) target(%arg12 : memref<80xi32, #tpu.memory_space<vmem>>) target_semaphore(%run_scoped3A : memref<!tpu.dma_semaphore, #tpu.memory_space<semaphore_mem>>)
          %dma_wait3A_261 = tpu.memref_slice %arg4[%multiple_of3A_244] : memref<320000xi32, #tpu.memory_space<hbm>> -> memref<80xi32, #tpu.memory_space<hbm>>
          %dma_wait3A_262 = tpu.memref_slice %arg4[%multiple_of3A_244] : memref<320000xi32, #tpu.memory_space<hbm>> -> memref<80xi32, #tpu.memory_space<hbm>>
          tpu.wait_dma2 semaphore(%run_scoped3A : memref<!tpu.dma_semaphore, #tpu.memory_space<semaphore_mem>>) src(%dma_wait3A_262 : memref<80xi32, #tpu.memory_space<hbm>>) dst(%arg12 : memref<80xi32, #tpu.memory_space<vmem>>)
          tpu.yield
        }) : () -> ()
        "tpu.region"() ({
          %run_scoped3A = tpu.sem_alloc : memref<!tpu.dma_semaphore, #tpu.memory_space<semaphore_mem>>
          %dma_start3A_259 = tpu.memref_slice %arg5[%multiple_of3A_244] : memref<320000xi32, #tpu.memory_space<hbm>> -> memref<80xi32, #tpu.memory_space<hbm>>
          %dma_start3A_260 = tpu.memref_slice %arg5[%multiple_of3A_244] : memref<320000xi32, #tpu.memory_space<hbm>> -> memref<80xi32, #tpu.memory_space<hbm>>
          tpu.enqueue_dma source(%dma_start3A_260 : memref<80xi32, #tpu.memory_space<hbm>>) target(%arg17 : memref<80xi32, #tpu.memory_space<vmem>>) target_semaphore(%run_scoped3A : memref<!tpu.dma_semaphore, #tpu.memory_space<semaphore_mem>>)
          %dma_wait3A_261 = tpu.memref_slice %arg5[%multiple_of3A_244] : memref<320000xi32, #tpu.memory_space<hbm>> -> memref<80xi32, #tpu.memory_space<hbm>>
          %dma_wait3A_262 = tpu.memref_slice %arg5[%multiple_of3A_244] : memref<320000xi32, #tpu.memory_space<hbm>> -> memref<80xi32, #tpu.memory_space<hbm>>
          tpu.wait_dma2 semaphore(%run_scoped3A : memref<!tpu.dma_semaphore, #tpu.memory_space<semaphore_mem>>) src(%dma_wait3A_262 : memref<80xi32, #tpu.memory_space<hbm>>) dst(%arg17 : memref<80xi32, #tpu.memory_space<vmem>>)
          tpu.yield
        }) : () -> ()
        %dma_wait3A_245 = arith.constant 0 : i32
        %dma_wait3A_246 = tpu.memref_slice %arg6[%multiple_of3A_222, %dma_wait3A_245] : memref<320000x192xf32, #tpu.memory_space<hbm>> -> memref<80x192xf32, #tpu.memory_space<hbm>>
        %dma_wait3A_247 = arith.constant 0 : i32
        %dma_wait3A_248 = tpu.memref_slice %arg6[%multiple_of3A_222, %dma_wait3A_247] : memref<320000x192xf32, #tpu.memory_space<hbm>> -> memref<80x192xf32, #tpu.memory_space<hbm>>
        tpu.wait_dma2 semaphore(%arg42 : memref<!tpu.dma_semaphore, #tpu.memory_space<semaphore_mem>>) src(%arg22 : memref<80x192xf32, #tpu.memory_space<vmem>>) dst(%dma_wait3A_248 : memref<80x192xf32, #tpu.memory_space<hbm>>)
        %dma_wait3A_249 = arith.constant 0 : i32
        %dma_wait3A_250 = tpu.memref_slice %arg7[%multiple_of3A_222, %dma_wait3A_249] : memref<320000x16xf32, #tpu.memory_space<hbm>> -> memref<80x16xf32, #tpu.memory_space<hbm>>
        %dma_wait3A_251 = arith.constant 0 : i32
        %dma_wait3A_252 = tpu.memref_slice %arg7[%multiple_of3A_222, %dma_wait3A_251] : memref<320000x16xf32, #tpu.memory_space<hbm>> -> memref<80x16xf32, #tpu.memory_space<hbm>>
        tpu.wait_dma2 semaphore(%arg47 : memref<!tpu.dma_semaphore, #tpu.memory_space<semaphore_mem>>) src(%arg27 : memref<80x16xf32, #tpu.memory_space<vmem>>) dst(%dma_wait3A_252 : memref<80x16xf32, #tpu.memory_space<hbm>>)
        %dma_start3A_253 = arith.constant 0 : i32
        %dma_start3A_254 = arith.constant 0 : i32
        %dma_start3A_255 = tpu.memref_slice %arg2[%dma_start3A_253, %dma_start3A_254] : memref<10000x192xf32, #tpu.memory_space<hbm>> -> memref<10000x192xf32, #tpu.memory_space<hbm>>
        tpu.enqueue_indirect_dma source(%dma_start3A_255 : memref<10000x192xf32, #tpu.memory_space<hbm>>) target(%arg22 : memref<80x192xf32, #tpu.memory_space<vmem>>) offsets(%arg12 : memref<80xi32, #tpu.memory_space<vmem>>) semaphore(%arg32 : memref<!tpu.dma_semaphore, #tpu.memory_space<semaphore_mem>>)
        %dma_start3A_256 = arith.constant 0 : i32
        %dma_start3A_257 = arith.constant 0 : i32
        %dma_start3A_258 = tpu.memref_slice %arg3[%dma_start3A_256, %dma_start3A_257] : memref<10000x16xf32, #tpu.memory_space<hbm>> -> memref<10000x16xf32, #tpu.memory_space<hbm>>
        tpu.enqueue_indirect_dma source(%dma_start3A_258 : memref<10000x16xf32, #tpu.memory_space<hbm>>) target(%arg27 : memref<80x16xf32, #tpu.memory_space<vmem>>) offsets(%arg17 : memref<80xi32, #tpu.memory_space<vmem>>) semaphore(%arg37 : memref<!tpu.dma_semaphore, #tpu.memory_space<semaphore_mem>>)
      } else {
      }
    }
    %scan3A_51 = arith.constant 25 : i32
    %add3A_52 = arith.constant 9600 : i32
    %add3A_53 = arith.addi %multiple_of3A, %add3A_52 : i32
    %multiple_of3A_54 = tpu.assume_multiple %add3A_53, 8 : i32
    %add3A_55 = arith.constant 0 : i32
    %add3A_56 = arith.addi %multiple_of3A_54, %add3A_55 : i32
    %multiple_of3A_57 = tpu.assume_multiple %add3A_56, 8 : i32
    %dma_wait3A = arith.constant 0 : i32
    %dma_wait3A_58 = tpu.memref_slice %arg6[%multiple_of3A_57, %dma_wait3A] : memref<320000x192xf32, #tpu.memory_space<hbm>> -> memref<80x192xf32, #tpu.memory_space<hbm>>
    %dma_wait3A_59 = arith.constant 0 : i32
    %dma_wait3A_60 = tpu.memref_slice %arg6[%multiple_of3A_57, %dma_wait3A_59] : memref<320000x192xf32, #tpu.memory_space<hbm>> -> memref<80x192xf32, #tpu.memory_space<hbm>>
    tpu.wait_dma2 semaphore(%arg38 : memref<!tpu.dma_semaphore, #tpu.memory_space<semaphore_mem>>) src(%arg18 : memref<80x192xf32, #tpu.memory_space<vmem>>) dst(%dma_wait3A_60 : memref<80x192xf32, #tpu.memory_space<hbm>>)
    %dma_wait3A_61 = arith.constant 0 : i32
    %dma_wait3A_62 = tpu.memref_slice %arg7[%multiple_of3A_57, %dma_wait3A_61] : memref<320000x16xf32, #tpu.memory_space<hbm>> -> memref<80x16xf32, #tpu.memory_space<hbm>>
    %dma_wait3A_63 = arith.constant 0 : i32
    %dma_wait3A_64 = tpu.memref_slice %arg7[%multiple_of3A_57, %dma_wait3A_63] : memref<320000x16xf32, #tpu.memory_space<hbm>> -> memref<80x16xf32, #tpu.memory_space<hbm>>
    tpu.wait_dma2 semaphore(%arg43 : memref<!tpu.dma_semaphore, #tpu.memory_space<semaphore_mem>>) src(%arg23 : memref<80x16xf32, #tpu.memory_space<vmem>>) dst(%dma_wait3A_64 : memref<80x16xf32, #tpu.memory_space<hbm>>)
    %add3A_65 = arith.constant 80 : i32
    %add3A_66 = arith.addi %multiple_of3A_54, %add3A_65 : i32
    %multiple_of3A_67 = tpu.assume_multiple %add3A_66, 8 : i32
    %dma_wait3A_68 = arith.constant 0 : i32
    %dma_wait3A_69 = tpu.memref_slice %arg6[%multiple_of3A_67, %dma_wait3A_68] : memref<320000x192xf32, #tpu.memory_space<hbm>> -> memref<80x192xf32, #tpu.memory_space<hbm>>
    %dma_wait3A_70 = arith.constant 0 : i32
    %dma_wait3A_71 = tpu.memref_slice %arg6[%multiple_of3A_67, %dma_wait3A_70] : memref<320000x192xf32, #tpu.memory_space<hbm>> -> memref<80x192xf32, #tpu.memory_space<hbm>>
    tpu.wait_dma2 semaphore(%arg39 : memref<!tpu.dma_semaphore, #tpu.memory_space<semaphore_mem>>) src(%arg19 : memref<80x192xf32, #tpu.memory_space<vmem>>) dst(%dma_wait3A_71 : memref<80x192xf32, #tpu.memory_space<hbm>>)
    %dma_wait3A_72 = arith.constant 0 : i32
    %dma_wait3A_73 = tpu.memref_slice %arg7[%multiple_of3A_67, %dma_wait3A_72] : memref<320000x16xf32, #tpu.memory_space<hbm>> -> memref<80x16xf32, #tpu.memory_space<hbm>>
    %dma_wait3A_74 = arith.constant 0 : i32
    %dma_wait3A_75 = tpu.memref_slice %arg7[%multiple_of3A_67, %dma_wait3A_74] : memref<320000x16xf32, #tpu.memory_space<hbm>> -> memref<80x16xf32, #tpu.memory_space<hbm>>
    tpu.wait_dma2 semaphore(%arg44 : memref<!tpu.dma_semaphore, #tpu.memory_space<semaphore_mem>>) src(%arg24 : memref<80x16xf32, #tpu.memory_space<vmem>>) dst(%dma_wait3A_75 : memref<80x16xf32, #tpu.memory_space<hbm>>)
    %add3A_76 = arith.constant 160 : i32
    %add3A_77 = arith.addi %multiple_of3A_54, %add3A_76 : i32
    %multiple_of3A_78 = tpu.assume_multiple %add3A_77, 8 : i32
    %dma_wait3A_79 = arith.constant 0 : i32
    %dma_wait3A_80 = tpu.memref_slice %arg6[%multiple_of3A_78, %dma_wait3A_79] : memref<320000x192xf32, #tpu.memory_space<hbm>> -> memref<80x192xf32, #tpu.memory_space<hbm>>
    %dma_wait3A_81 = arith.constant 0 : i32
    %dma_wait3A_82 = tpu.memref_slice %arg6[%multiple_of3A_78, %dma_wait3A_81] : memref<320000x192xf32, #tpu.memory_space<hbm>> -> memref<80x192xf32, #tpu.memory_space<hbm>>
    tpu.wait_dma2 semaphore(%arg40 : memref<!tpu.dma_semaphore, #tpu.memory_space<semaphore_mem>>) src(%arg20 : memref<80x192xf32, #tpu.memory_space<vmem>>) dst(%dma_wait3A_82 : memref<80x192xf32, #tpu.memory_space<hbm>>)
    %dma_wait3A_83 = arith.constant 0 : i32
    %dma_wait3A_84 = tpu.memref_slice %arg7[%multiple_of3A_78, %dma_wait3A_83] : memref<320000x16xf32, #tpu.memory_space<hbm>> -> memref<80x16xf32, #tpu.memory_space<hbm>>
    %dma_wait3A_85 = arith.constant 0 : i32
    %dma_wait3A_86 = tpu.memref_slice %arg7[%multiple_of3A_78, %dma_wait3A_85] : memref<320000x16xf32, #tpu.memory_space<hbm>> -> memref<80x16xf32, #tpu.memory_space<hbm>>
    tpu.wait_dma2 semaphore(%arg45 : memref<!tpu.dma_semaphore, #tpu.memory_space<semaphore_mem>>) src(%arg25 : memref<80x16xf32, #tpu.memory_space<vmem>>) dst(%dma_wait3A_86 : memref<80x16xf32, #tpu.memory_space<hbm>>)
    %add3A_87 = arith.constant 240 : i32
    %add3A_88 = arith.addi %multiple_of3A_54, %add3A_87 : i32
    %multiple_of3A_89 = tpu.assume_multiple %add3A_88, 8 : i32
    %dma_wait3A_90 = arith.constant 0 : i32
    %dma_wait3A_91 = tpu.memref_slice %arg6[%multiple_of3A_89, %dma_wait3A_90] : memref<320000x192xf32, #tpu.memory_space<hbm>> -> memref<80x192xf32, #tpu.memory_space<hbm>>
    %dma_wait3A_92 = arith.constant 0 : i32
    %dma_wait3A_93 = tpu.memref_slice %arg6[%multiple_of3A_89, %dma_wait3A_92] : memref<320000x192xf32, #tpu.memory_space<hbm>> -> memref<80x192xf32, #tpu.memory_space<hbm>>
    tpu.wait_dma2 semaphore(%arg41 : memref<!tpu.dma_semaphore, #tpu.memory_space<semaphore_mem>>) src(%arg21 : memref<80x192xf32, #tpu.memory_space<vmem>>) dst(%dma_wait3A_93 : memref<80x192xf32, #tpu.memory_space<hbm>>)
    %dma_wait3A_94 = arith.constant 0 : i32
    %dma_wait3A_95 = tpu.memref_slice %arg7[%multiple_of3A_89, %dma_wait3A_94] : memref<320000x16xf32, #tpu.memory_space<hbm>> -> memref<80x16xf32, #tpu.memory_space<hbm>>
    %dma_wait3A_96 = arith.constant 0 : i32
    %dma_wait3A_97 = tpu.memref_slice %arg7[%multiple_of3A_89, %dma_wait3A_96] : memref<320000x16xf32, #tpu.memory_space<hbm>> -> memref<80x16xf32, #tpu.memory_space<hbm>>
    tpu.wait_dma2 semaphore(%arg46 : memref<!tpu.dma_semaphore, #tpu.memory_space<semaphore_mem>>) src(%arg26 : memref<80x16xf32, #tpu.memory_space<vmem>>) dst(%dma_wait3A_97 : memref<80x16xf32, #tpu.memory_space<hbm>>)
    %add3A_98 = arith.constant 320 : i32
    %add3A_99 = arith.addi %multiple_of3A_54, %add3A_98 : i32
    %multiple_of3A_100 = tpu.assume_multiple %add3A_99, 8 : i32
    %dma_wait3A_101 = arith.constant 0 : i32
    %dma_wait3A_102 = tpu.memref_slice %arg6[%multiple_of3A_100, %dma_wait3A_101] : memref<320000x192xf32, #tpu.memory_space<hbm>> -> memref<80x192xf32, #tpu.memory_space<hbm>>
    %dma_wait3A_103 = arith.constant 0 : i32
    %dma_wait3A_104 = tpu.memref_slice %arg6[%multiple_of3A_100, %dma_wait3A_103] : memref<320000x192xf32, #tpu.memory_space<hbm>> -> memref<80x192xf32, #tpu.memory_space<hbm>>
    tpu.wait_dma2 semaphore(%arg42 : memref<!tpu.dma_semaphore, #tpu.memory_space<semaphore_mem>>) src(%arg22 : memref<80x192xf32, #tpu.memory_space<vmem>>) dst(%dma_wait3A_104 : memref<80x192xf32, #tpu.memory_space<hbm>>)
    %dma_wait3A_105 = arith.constant 0 : i32
    %dma_wait3A_106 = tpu.memref_slice %arg7[%multiple_of3A_100, %dma_wait3A_105] : memref<320000x16xf32, #tpu.memory_space<hbm>> -> memref<80x16xf32, #tpu.memory_space<hbm>>
    %dma_wait3A_107 = arith.constant 0 : i32
    %dma_wait3A_108 = tpu.memref_slice %arg7[%multiple_of3A_100, %dma_wait3A_107] : memref<320000x16xf32, #tpu.memory_space<hbm>> -> memref<80x16xf32, #tpu.memory_space<hbm>>
    tpu.wait_dma2 semaphore(%arg47 : memref<!tpu.dma_semaphore, #tpu.memory_space<semaphore_mem>>) src(%arg27 : memref<80x16xf32, #tpu.memory_space<vmem>>) dst(%dma_wait3A_108 : memref<80x16xf32, #tpu.memory_space<hbm>>)
    return
  }
}

module attributes {stable_mosaic.version = 14 : i64} {
  func.func @_table_body(%arg0: i32, %arg1: memref<1000x128xf32, #tpu.memory_space<vmem>>, %arg2: memref<128x128xf32, #tpu.memory_space<vmem>>, %arg3: memref<1000x128xf32, #tpu.memory_space<vmem>>, %arg4: memref<1000x16xf32, #tpu.memory_space<vmem>>) attributes {dimension_semantics = [#tpu.dimension_semantics<arbitrary>], iteration_bounds = array<i64: 10>, scalar_prefetch = 0 : i64, scratch_operands = 0 : i64, tpu.core_type = #tpu.core_type<tc>, window_params = [{transform_indices = @transform_0, window_bounds = array<i64: 1000, 128>}, {pipeline_mode = #tpu.pipeline_mode<synchronous>, transform_indices = @transform_1, window_bounds = array<i64: 128, 128>}, {transform_indices = @transform_2, window_bounds = array<i64: 1000, 128>}, {transform_indices = @transform_3, window_bounds = array<i64: 1000, 16>}]} {
    %get3A = arith.constant 0 : index
    %get3A_0 = arith.constant 0 : index
    %get3A_1 = vector.load %arg1[%get3A, %get3A_0] : memref<1000x128xf32, #tpu.memory_space<vmem>>, vector<1000x128xf32>
    %get3A_2 = arith.constant 0 : index
    %get3A_3 = arith.constant 0 : index
    %get3A_4 = vector.load %arg2[%get3A_2, %get3A_3] : memref<128x128xf32, #tpu.memory_space<vmem>>, vector<128x128xf32>
    %dot_general3A = arith.constant dense<0.000000e+00> : vector<1000x128xf32>
    %dot_general3A_5 = tpu.matmul %get3A_1, %get3A_4, %dot_general3A {dimension_numbers = #tpu.dot_dimension_numbers<[1], [0], [0], [1], [0, 0, 1, 1], [], []>, transpose_lhs_hint = false} : vector<1000x128xf32>, vector<128x128xf32>, vector<1000x128xf32> -> vector<1000x128xf32>
    %swap3A = arith.constant 0 : index
    %swap3A_6 = arith.constant 0 : index
    %swap3A_7 = vector.load %arg3[%swap3A, %swap3A_6] : memref<1000x128xf32, #tpu.memory_space<vmem>>, vector<1000x128xf32>
    tpu.vector_store %arg3[%swap3A, %swap3A_6], %dot_general3A_5 {strides = array<i32>} : memref<1000x128xf32, #tpu.memory_space<vmem>>, vector<1000x128xf32>,
    %reduce_sum3A = arith.constant dense<0.000000e+00> : vector<1000xf32>
    %reduce_sum3A_8 = vector.multi_reduction <add>, %get3A_1, %reduce_sum3A [1] : vector<1000x128xf32> to vector<1000xf32>
    %broadcast_in_dim3A = vector.shape_cast %reduce_sum3A_8 : vector<1000xf32> to vector<1000x1xf32>
    %swap3A_9 = arith.constant 0 : index
    %swap3A_10 = arith.constant 0 : index
    %swap3A_11 = vector.load %arg4[%swap3A_9, %swap3A_10] : memref<1000x16xf32, #tpu.memory_space<vmem>>, vector<1000x1xf32>
    tpu.vector_store %arg4[%swap3A_9, %swap3A_10], %broadcast_in_dim3A {strides = array<i32>} : memref<1000x16xf32, #tpu.memory_space<vmem>>, vector<1000x1xf32>,
    %mul3A = arith.mulf %get3A_1, %get3A_1 : vector<1000x128xf32>
    %reduce_sum3A_12 = arith.constant dense<0.000000e+00> : vector<1000xf32>
    %reduce_sum3A_13 = vector.multi_reduction <add>, %mul3A, %reduce_sum3A_12 [1] : vector<1000x128xf32> to vector<1000xf32>
    %broadcast_in_dim3A_14 = vector.shape_cast %reduce_sum3A_13 : vector<1000xf32> to vector<1000x1xf32>
    %swap3A_15 = arith.constant 0 : index
    %swap3A_16 = arith.constant 1 : index
    %swap3A_17 = vector.load %arg4[%swap3A_15, %swap3A_16] : memref<1000x16xf32, #tpu.memory_space<vmem>>, vector<1000x1xf32>
    tpu.vector_store %arg4[%swap3A_15, %swap3A_16], %broadcast_in_dim3A_14 {strides = array<i32>} : memref<1000x16xf32, #tpu.memory_space<vmem>>, vector<1000x1xf32>,
    return
  }
  func.func @transform_0(%arg0: i32) -> (i32, i32) {
    %c0_i32 = arith.constant 0 : i32
    %c0_i32_0 = arith.constant 0 : i32
    return %arg0, %c0_i32 : i32, i32
  }
  func.func @transform_1(%arg0: i32) -> (i32, i32) {
    %c0_i32 = arith.constant 0 : i32
    %c0_i32_0 = arith.constant 0 : i32
    %c0_i32_1 = arith.constant 0 : i32
    return %c0_i32, %c0_i32_0 : i32, i32
  }
  func.func @transform_2(%arg0: i32) -> (i32, i32) {
    %c0_i32 = arith.constant 0 : i32
    %c0_i32_0 = arith.constant 0 : i32
    return %arg0, %c0_i32 : i32, i32
  }
  func.func @transform_3(%arg0: i32) -> (i32, i32) {
    %c0_i32 = arith.constant 0 : i32
    %c0_i32_0 = arith.constant 0 : i32
    return %arg0, %c0_i32 : i32, i32
  }
}

module attributes {stable_mosaic.version = 14 : i64} {
  func.func @_edge_body(%arg0: i32, %arg1: memref<2000x192xf32, #tpu.memory_space<vmem>>, %arg2: memref<2000x16xf32, #tpu.memory_space<vmem>>, %arg3: memref<48x51xf32, #tpu.memory_space<vmem>>, %arg4: memref<3x51xf32, #tpu.memory_space<vmem>>, %arg5: memref<51x17xf32, #tpu.memory_space<vmem>>, %arg6: memref<17x129xf32, #tpu.memory_space<vmem>>, %arg7: memref<17x1xf32, #tpu.memory_space<vmem>>, %arg8: memref<1x128xf32, #tpu.memory_space<vmem>>, %arg9: memref<1x128xf32, #tpu.memory_space<vmem>>, %arg10: memref<128x48xf32, #tpu.memory_space<vmem>>, %arg11: memref<1x48xf32, #tpu.memory_space<vmem>>, %arg12: memref<51x48xf32, #tpu.memory_space<vmem>>, %arg13: memref<2000x176xf32, #tpu.memory_space<vmem>>) attributes {dimension_semantics = [#tpu.dimension_semantics<arbitrary>], iteration_bounds = array<i64: 160>, scalar_prefetch = 0 : i64, scratch_operands = 0 : i64, tpu.core_type = #tpu.core_type<tc>, window_params = [{transform_indices = @transform_0, window_bounds = array<i64: 2000, 192>}, {transform_indices = @transform_1, window_bounds = array<i64: 2000, 16>}, {pipeline_mode = #tpu.pipeline_mode<synchronous>, transform_indices = @transform_2, window_bounds = array<i64: 48, 51>}, {pipeline_mode = #tpu.pipeline_mode<synchronous>, transform_indices = @transform_3, window_bounds = array<i64: 3, 51>}, {pipeline_mode = #tpu.pipeline_mode<synchronous>, transform_indices = @transform_4, window_bounds = array<i64: 51, 17>}, {pipeline_mode = #tpu.pipeline_mode<synchronous>, transform_indices = @transform_5, window_bounds = array<i64: 17, 129>}, {pipeline_mode = #tpu.pipeline_mode<synchronous>, transform_indices = @transform_6, window_bounds = array<i64: 17, 1>}, {pipeline_mode = #tpu.pipeline_mode<synchronous>, transform_indices = @transform_7, window_bounds = array<i64: 1, 128>}, {pipeline_mode = #tpu.pipeline_mode<synchronous>, transform_indices = @transform_8, window_bounds = array<i64: 1, 128>}, {pipeline_mode = #tpu.pipeline_mode<synchronous>, transform_indices = @transform_9, window_bounds = array<i64: 128, 48>}, {pipeline_mode = #tpu.pipeline_mode<synchronous>, transform_indices = @transform_10, window_bounds = array<i64: 1, 48>}, {pipeline_mode = #tpu.pipeline_mode<synchronous>, transform_indices = @transform_11, window_bounds = array<i64: 51, 48>}, {transform_indices = @transform_12, window_bounds = array<i64: 2000, 176>}]} {
    %get3A = arith.constant 0 : index
    %get3A_0 = arith.constant 0 : index
    %get3A_1 = vector.load %arg1[%get3A, %get3A_0] : memref<2000x192xf32, #tpu.memory_space<vmem>>, vector<2000x192xf32>
    %get3A_2 = arith.constant 0 : index
    %get3A_3 = arith.constant 0 : index
    %get3A_4 = vector.load %arg2[%get3A_2, %get3A_3] : memref<2000x16xf32, #tpu.memory_space<vmem>>, vector<2000x16xf32>
    %slice3A = vector.extract_strided_slice %get3A_1 {offsets = [0, 0], sizes = [2000, 128], strides = [1, 1]} : vector<2000x192xf32> to vector<2000x128xf32>
    %slice3A_5 = vector.extract_strided_slice %get3A_1 {offsets = [0, 179], sizes = [2000, 1], strides = [1, 1]} : vector<2000x192xf32> to vector<2000x1xf32>
    %slice3A_6 = vector.extract_strided_slice %get3A_1 {offsets = [0, 180], sizes = [2000, 1], strides = [1, 1]} : vector<2000x192xf32> to vector<2000x1xf32>
    %slice3A_7 = vector.extract_strided_slice %get3A_1 {offsets = [0, 128], sizes = [2000, 48], strides = [1, 1]} : vector<2000x192xf32> to vector<2000x48xf32>
    %slice3A_8 = vector.extract_strided_slice %get3A_1 {offsets = [0, 176], sizes = [2000, 3], strides = [1, 1]} : vector<2000x192xf32> to vector<2000x3xf32>
    %slice3A_9 = vector.extract_strided_slice %get3A_4 {offsets = [0, 0], sizes = [2000, 3], strides = [1, 1]} : vector<2000x16xf32> to vector<2000x3xf32>
    %sub3A = arith.subf %slice3A_8, %slice3A_9 : vector<2000x3xf32>
    %get3A_10 = arith.constant 0 : index
    %get3A_11 = arith.constant 0 : index
    %get3A_12 = vector.load %arg3[%get3A_10, %get3A_11] : memref<48x51xf32, #tpu.memory_space<vmem>>, vector<48x51xf32>
    %dot_general3A = arith.constant dense<0.000000e+00> : vector<2000x51xf32>
    %dot_general3A_13 = tpu.matmul %slice3A_7, %get3A_12, %dot_general3A {dimension_numbers = #tpu.dot_dimension_numbers<[1], [0], [0], [1], [0, 0, 1, 1], [], []>, transpose_lhs_hint = false} : vector<2000x48xf32>, vector<48x51xf32>, vector<2000x51xf32> -> vector<2000x51xf32>
    %get3A_14 = arith.constant 0 : index
    %get3A_15 = arith.constant 0 : index
    %get3A_16 = vector.load %arg4[%get3A_14, %get3A_15] : memref<3x51xf32, #tpu.memory_space<vmem>>, vector<3x51xf32>
    %dot_general3A_17 = arith.constant dense<0.000000e+00> : vector<2000x51xf32>
    %dot_general3A_18 = tpu.matmul %sub3A, %get3A_16, %dot_general3A_17 {dimension_numbers = #tpu.dot_dimension_numbers<[1], [0], [0], [1], [0, 0, 1, 1], [], []>, transpose_lhs_hint = false} : vector<2000x3xf32>, vector<3x51xf32>, vector<2000x51xf32> -> vector<2000x51xf32>
    %add3A = arith.addf %dot_general3A_13, %dot_general3A_18 : vector<2000x51xf32>
    %mul3A = arith.mulf %add3A, %add3A : vector<2000x51xf32>
    %get3A_19 = arith.constant 0 : index
    %get3A_20 = arith.constant 0 : index
    %get3A_21 = vector.load %arg5[%get3A_19, %get3A_20] : memref<51x17xf32, #tpu.memory_space<vmem>>, vector<51x17xf32>
    %dot_general3A_22 = arith.constant dense<0.000000e+00> : vector<2000x17xf32>
    %dot_general3A_23 = tpu.matmul %mul3A, %get3A_21, %dot_general3A_22 {dimension_numbers = #tpu.dot_dimension_numbers<[1], [0], [0], [1], [0, 0, 1, 1], [], []>, transpose_lhs_hint = false} : vector<2000x51xf32>, vector<51x17xf32>, vector<2000x17xf32> -> vector<2000x17xf32>
    %add3A_24 = arith.constant 9.99999993E-9 : f32
    %add3A_25 = vector.broadcast %add3A_24 : f32 to vector<2000x17xf32>
    %add3A_26 = arith.addf %dot_general3A_23, %add3A_25 : vector<2000x17xf32>
    %sqrt3A = math.sqrt %add3A_26 : vector<2000x17xf32>
    %get3A_27 = arith.constant 0 : index
    %get3A_28 = arith.constant 0 : index
    %get3A_29 = vector.load %arg6[%get3A_27, %get3A_28] : memref<17x129xf32, #tpu.memory_space<vmem>>, vector<17x129xf32>
    %dot_general3A_30 = arith.constant dense<0.000000e+00> : vector<2000x129xf32>
    %dot_general3A_31 = tpu.matmul %sqrt3A, %get3A_29, %dot_general3A_30 {dimension_numbers = #tpu.dot_dimension_numbers<[1], [0], [0], [1], [0, 0, 1, 1], [], []>, transpose_lhs_hint = false} : vector<2000x17xf32>, vector<17x129xf32>, vector<2000x129xf32> -> vector<2000x129xf32>
    %get3A_32 = arith.constant 0 : index
    %get3A_33 = arith.constant 0 : index
    %get3A_34 = vector.load %arg7[%get3A_32, %get3A_33] : memref<17x1xf32, #tpu.memory_space<vmem>>, vector<17x1xf32>
    %dot_general3A_35 = arith.constant dense<0.000000e+00> : vector<2000x1xf32>
    %dot_general3A_36 = tpu.matmul %add3A_26, %get3A_34, %dot_general3A_35 {dimension_numbers = #tpu.dot_dimension_numbers<[1], [0], [0], [1], [0, 0, 1, 1], [], []>, transpose_lhs_hint = false} : vector<2000x17xf32>, vector<17x1xf32>, vector<2000x1xf32> -> vector<2000x1xf32>
    %slice3A_37 = vector.extract_strided_slice %dot_general3A_31 {offsets = [0, 128], sizes = [2000, 1], strides = [1, 1]} : vector<2000x129xf32> to vector<2000x1xf32>
    %add3A_38 = arith.addf %slice3A_5, %slice3A_37 : vector<2000x1xf32>
    %mul3A_39 = arith.constant 0.0068965517 : f32
    %mul3A_40 = vector.broadcast %mul3A_39 : f32 to vector<2000x1xf32>
    %mul3A_41 = arith.mulf %add3A_38, %mul3A_40 : vector<2000x1xf32>
    %add3A_42 = arith.addf %slice3A_6, %dot_general3A_36 : vector<2000x1xf32>
    %mul3A_43 = arith.constant 0.0068965517 : f32
    %mul3A_44 = vector.broadcast %mul3A_43 : f32 to vector<2000x1xf32>
    %mul3A_45 = arith.mulf %add3A_42, %mul3A_44 : vector<2000x1xf32>
    %mul3A_46 = arith.mulf %mul3A_41, %mul3A_41 : vector<2000x1xf32>
    %sub3A_47 = arith.subf %mul3A_45, %mul3A_46 : vector<2000x1xf32>
    %add3A_48 = arith.constant 9.99999974E-6 : f32
    %add3A_49 = vector.broadcast %add3A_48 : f32 to vector<2000x1xf32>
    %add3A_50 = arith.addf %sub3A_47, %add3A_49 : vector<2000x1xf32>
    %rsqrt3A = math.rsqrt %add3A_50 : vector<2000x1xf32>
    %slice3A_51 = vector.extract_strided_slice %dot_general3A_31 {offsets = [0, 0], sizes = [2000, 128], strides = [1, 1]} : vector<2000x129xf32> to vector<2000x128xf32>
    %add3A_52 = arith.addf %slice3A, %slice3A_51 : vector<2000x128xf32>
    %get3A_53 = arith.constant 0 : index
    %get3A_54 = arith.constant 0 : index
    %get3A_55 = vector.load %arg8[%get3A_53, %get3A_54] : memref<1x128xf32, #tpu.memory_space<vmem>>, vector<1x128xf32>
    %mul3A_56 = vector.broadcast %mul3A_41 : vector<2000x1xf32> to vector<2000x128xf32>
    %mul3A_57 = vector.broadcast %get3A_55 : vector<1x128xf32> to vector<2000x128xf32>
    %mul3A_58 = arith.mulf %mul3A_56, %mul3A_57 : vector<2000x128xf32>
    %sub3A_59 = arith.subf %add3A_52, %mul3A_58 : vector<2000x128xf32>
    %mul3A_60 = vector.broadcast %rsqrt3A : vector<2000x1xf32> to vector<2000x128xf32>
    %mul3A_61 = arith.mulf %sub3A_59, %mul3A_60 : vector<2000x128xf32>
    %get3A_62 = arith.constant 0 : index
    %get3A_63 = arith.constant 0 : index
    %get3A_64 = vector.load %arg9[%get3A_62, %get3A_63] : memref<1x128xf32, #tpu.memory_space<vmem>>, vector<1x128xf32>
    %add3A_65 = vector.broadcast %get3A_64 : vector<1x128xf32> to vector<2000x128xf32>
    %add3A_66 = arith.addf %mul3A_61, %add3A_65 : vector<2000x128xf32>
    %logistic3A = arith.negf %add3A_66 : vector<2000x128xf32>
    %logistic3A_67 = math.exp %logistic3A : vector<2000x128xf32>
    %logistic3A_68 = arith.constant 1.000000e+00 : f32
    %logistic3A_69 = vector.broadcast %logistic3A_68 : f32 to vector<2000x128xf32>
    %logistic3A_70 = arith.addf %logistic3A_69, %logistic3A_67 : vector<2000x128xf32>
    %logistic3A_71 = arith.divf %logistic3A_69, %logistic3A_70 : vector<2000x128xf32>
    %mul3A_72 = arith.mulf %add3A_66, %logistic3A_71 : vector<2000x128xf32>
    %get3A_73 = arith.constant 0 : index
    %get3A_74 = arith.constant 0 : index
    %get3A_75 = vector.load %arg10[%get3A_73, %get3A_74] : memref<128x48xf32, #tpu.memory_space<vmem>>, vector<128x48xf32>
    %dot_general3A_76 = arith.constant dense<0.000000e+00> : vector<2000x48xf32>
    %dot_general3A_77 = tpu.matmul %mul3A_72, %get3A_75, %dot_general3A_76 {dimension_numbers = #tpu.dot_dimension_numbers<[1], [0], [0], [1], [0, 0, 1, 1], [], []>, transpose_lhs_hint = false} : vector<2000x128xf32>, vector<128x48xf32>, vector<2000x48xf32> -> vector<2000x48xf32>
    %get3A_78 = arith.constant 0 : index
    %get3A_79 = arith.constant 0 : index
    %get3A_80 = vector.load %arg11[%get3A_78, %get3A_79] : memref<1x48xf32, #tpu.memory_space<vmem>>, vector<1x48xf32>
    %add3A_81 = vector.broadcast %get3A_80 : vector<1x48xf32> to vector<2000x48xf32>
    %add3A_82 = arith.addf %dot_general3A_77, %add3A_81 : vector<2000x48xf32>
    %logistic3A_83 = arith.negf %add3A_82 : vector<2000x48xf32>
    %logistic3A_84 = math.exp %logistic3A_83 : vector<2000x48xf32>
    %logistic3A_85 = arith.constant 1.000000e+00 : f32
    %logistic3A_86 = vector.broadcast %logistic3A_85 : f32 to vector<2000x48xf32>
    %logistic3A_87 = arith.addf %logistic3A_86, %logistic3A_84 : vector<2000x48xf32>
    %logistic3A_88 = arith.divf %logistic3A_86, %logistic3A_87 : vector<2000x48xf32>
    %mul3A_89 = arith.mulf %add3A_82, %logistic3A_88 : vector<2000x48xf32>
    %get3A_90 = arith.constant 0 : index
    %get3A_91 = arith.constant 0 : index
    %get3A_92 = vector.load %arg12[%get3A_90, %get3A_91] : memref<51x48xf32, #tpu.memory_space<vmem>>, vector<51x48xf32>
    %dot_general3A_93 = arith.constant dense<0.000000e+00> : vector<2000x48xf32>
    %dot_general3A_94 = tpu.matmul %add3A, %get3A_92, %dot_general3A_93 {dimension_numbers = #tpu.dot_dimension_numbers<[1], [0], [0], [1], [0, 0, 1, 1], [], []>, transpose_lhs_hint = false} : vector<2000x51xf32>, vector<51x48xf32>, vector<2000x48xf32> -> vector<2000x48xf32>
    %swap3A = arith.constant 0 : index
    %swap3A_95 = arith.constant 0 : index
    %swap3A_96 = vector.load %arg13[%swap3A, %swap3A_95] : memref<2000x176xf32, #tpu.memory_space<vmem>>, vector<2000x128xf32>
    tpu.vector_store %arg13[%swap3A, %swap3A_95], %mul3A_72 {strides = array<i32>} : memref<2000x176xf32, #tpu.memory_space<vmem>>, vector<2000x128xf32>,
    %mul3A_97 = arith.mulf %mul3A_89, %dot_general3A_94 : vector<2000x48xf32>
    %swap3A_98 = arith.constant 0 : index
    %swap3A_99 = arith.constant 128 : index
    %swap3A_100 = vector.load %arg13[%swap3A_98, %swap3A_99] : memref<2000x176xf32, #tpu.memory_space<vmem>>, vector<2000x48xf32>
    tpu.vector_store %arg13[%swap3A_98, %swap3A_99], %mul3A_97 {strides = array<i32>} : memref<2000x176xf32, #tpu.memory_space<vmem>>, vector<2000x48xf32>,
    return
  }
  func.func @transform_0(%arg0: i32) -> (i32, i32) {
    %c0_i32 = arith.constant 0 : i32
    %c0_i32_0 = arith.constant 0 : i32
    return %arg0, %c0_i32 : i32, i32
  }
  func.func @transform_1(%arg0: i32) -> (i32, i32) {
    %c0_i32 = arith.constant 0 : i32
    %c0_i32_0 = arith.constant 0 : i32
    return %arg0, %c0_i32 : i32, i32
  }
  func.func @transform_2(%arg0: i32) -> (i32, i32) {
    %c0_i32 = arith.constant 0 : i32
    %c0_i32_0 = arith.constant 0 : i32
    %c0_i32_1 = arith.constant 0 : i32
    return %c0_i32, %c0_i32_0 : i32, i32
  }
  func.func @transform_3(%arg0: i32) -> (i32, i32) {
    %c0_i32 = arith.constant 0 : i32
    %c0_i32_0 = arith.constant 0 : i32
    %c0_i32_1 = arith.constant 0 : i32
    return %c0_i32, %c0_i32_0 : i32, i32
  }
  func.func @transform_4(%arg0: i32) -> (i32, i32) {
    %c0_i32 = arith.constant 0 : i32
    %c0_i32_0 = arith.constant 0 : i32
    %c0_i32_1 = arith.constant 0 : i32
    return %c0_i32, %c0_i32_0 : i32, i32
  }
  func.func @transform_5(%arg0: i32) -> (i32, i32) {
    %c0_i32 = arith.constant 0 : i32
    %c0_i32_0 = arith.constant 0 : i32
    %c0_i32_1 = arith.constant 0 : i32
    return %c0_i32, %c0_i32_0 : i32, i32
  }
  func.func @transform_6(%arg0: i32) -> (i32, i32) {
    %c0_i32 = arith.constant 0 : i32
    %c0_i32_0 = arith.constant 0 : i32
    %c0_i32_1 = arith.constant 0 : i32
    return %c0_i32, %c0_i32_0 : i32, i32
  }
  func.func @transform_7(%arg0: i32) -> (i32, i32) {
    %c0_i32 = arith.constant 0 : i32
    %c0_i32_0 = arith.constant 0 : i32
    %c0_i32_1 = arith.constant 0 : i32
    return %c0_i32, %c0_i32_0 : i32, i32
  }
  func.func @transform_8(%arg0: i32) -> (i32, i32) {
    %c0_i32 = arith.constant 0 : i32
    %c0_i32_0 = arith.constant 0 : i32
    %c0_i32_1 = arith.constant 0 : i32
    return %c0_i32, %c0_i32_0 : i32, i32
  }
  func.func @transform_9(%arg0: i32) -> (i32, i32) {
    %c0_i32 = arith.constant 0 : i32
    %c0_i32_0 = arith.constant 0 : i32
    %c0_i32_1 = arith.constant 0 : i32
    return %c0_i32, %c0_i32_0 : i32, i32
  }
  func.func @transform_10(%arg0: i32) -> (i32, i32) {
    %c0_i32 = arith.constant 0 : i32
    %c0_i32_0 = arith.constant 0 : i32
    %c0_i32_1 = arith.constant 0 : i32
    return %c0_i32, %c0_i32_0 : i32, i32
  }
  func.func @transform_11(%arg0: i32) -> (i32, i32) {
    %c0_i32 = arith.constant 0 : i32
    %c0_i32_0 = arith.constant 0 : i32
    %c0_i32_1 = arith.constant 0 : i32
    return %c0_i32, %c0_i32_0 : i32, i32
  }
  func.func @transform_12(%arg0: i32) -> (i32, i32) {
    %c0_i32 = arith.constant 0 : i32
    %c0_i32_0 = arith.constant 0 : i32
    return %arg0, %c0_i32 : i32, i32
  }
}

module attributes {stable_mosaic.version = 14 : i64} {
  func.func @_node_body(%arg0: i32, %arg1: memref<1000x128xf32, #tpu.memory_space<vmem>>, %arg2: memref<1000x48xf32, #tpu.memory_space<vmem>>, %arg3: memref<2x1000x96xf32, #tpu.memory_space<vmem>>, %arg4: memref<1x128xf32, #tpu.memory_space<vmem>>, %arg5: memref<1x128xf32, #tpu.memory_space<vmem>>, %arg6: memref<16x17xf32, #tpu.memory_space<vmem>>, %arg7: memref<17x17xf32, #tpu.memory_space<vmem>>, %arg8: memref<128x128xf32, #tpu.memory_space<vmem>>, %arg9: memref<17x128xf32, #tpu.memory_space<vmem>>, %arg10: memref<1x128xf32, #tpu.memory_space<vmem>>, %arg11: memref<1x128xf32, #tpu.memory_space<vmem>>, %arg12: memref<128x17xf32, #tpu.memory_space<vmem>>, %arg13: memref<1x17xf32, #tpu.memory_space<vmem>>, %arg14: memref<1000x128xf32, #tpu.memory_space<vmem>>, %arg15: memref<1000x48xf32, #tpu.memory_space<vmem>>) attributes {dimension_semantics = [#tpu.dimension_semantics<arbitrary>], iteration_bounds = array<i64: 10>, scalar_prefetch = 0 : i64, scratch_operands = 0 : i64, tpu.core_type = #tpu.core_type<tc>, window_params = [{transform_indices = @transform_0, window_bounds = array<i64: 1000, 128>}, {transform_indices = @transform_1, window_bounds = array<i64: 1000, 48>}, {transform_indices = @transform_2, window_bounds = array<i64: 2, 1000, 96>}, {pipeline_mode = #tpu.pipeline_mode<synchronous>, transform_indices = @transform_3, window_bounds = array<i64: 1, 128>}, {pipeline_mode = #tpu.pipeline_mode<synchronous>, transform_indices = @transform_4, window_bounds = array<i64: 1, 128>}, {pipeline_mode = #tpu.pipeline_mode<synchronous>, transform_indices = @transform_5, window_bounds = array<i64: 16, 17>}, {pipeline_mode = #tpu.pipeline_mode<synchronous>, transform_indices = @transform_6, window_bounds = array<i64: 17, 17>}, {pipeline_mode = #tpu.pipeline_mode<synchronous>, transform_indices = @transform_7, window_bounds = array<i64: 128, 128>}, {pipeline_mode = #tpu.pipeline_mode<synchronous>, transform_indices = @transform_8, window_bounds = array<i64: 17, 128>}, {pipeline_mode = #tpu.pipeline_mode<synchronous>, transform_indices = @transform_9, window_bounds = array<i64: 1, 128>}, {pipeline_mode = #tpu.pipeline_mode<synchronous>, transform_indices = @transform_10, window_bounds = array<i64: 1, 128>}, {pipeline_mode = #tpu.pipeline_mode<synchronous>, transform_indices = @transform_11, window_bounds = array<i64: 128, 17>}, {pipeline_mode = #tpu.pipeline_mode<synchronous>, transform_indices = @transform_12, window_bounds = array<i64: 1, 17>}, {transform_indices = @transform_13, window_bounds = array<i64: 1000, 128>}, {transform_indices = @transform_14, window_bounds = array<i64: 1000, 48>}]} {
    %get3A = arith.constant 0 : index
    %get3A_0 = arith.constant 0 : index
    %get3A_1 = arith.constant 0 : index
    %get3A_2 = vector.load %arg3[%get3A, %get3A_0, %get3A_1] : memref<2x1000x96xf32, #tpu.memory_space<vmem>>, vector<2x1000x96xf32>
    %slice3A = vector.extract_strided_slice %get3A_2 {offsets = [0, 0, 0], sizes = [1, 1000, 96], strides = [1, 1, 1]} : vector<2x1000x96xf32> to vector<1x1000x96xf32>
    %squeeze3A = vector.shape_cast %slice3A : vector<1x1000x96xf32> to vector<1000x96xf32>
    %slice3A_3 = vector.extract_strided_slice %get3A_2 {offsets = [1, 0, 0], sizes = [1, 1000, 96], strides = [1, 1, 1]} : vector<2x1000x96xf32> to vector<1x1000x96xf32>
    %squeeze3A_4 = vector.shape_cast %slice3A_3 : vector<1x1000x96xf32> to vector<1000x96xf32>
    %slice3A_5 = vector.extract_strided_slice %squeeze3A_4 {offsets = [0, 16], sizes = [1000, 32], strides = [1, 1]} : vector<1000x96xf32> to vector<1000x32xf32>
    %concatenate3A = tpu.concatenate %squeeze3A, %slice3A_5 in 1 : vector<1000x96xf32>, vector<1000x32xf32> -> vector<1000x128xf32>
    %get3A_6 = arith.constant 0 : index
    %get3A_7 = arith.constant 0 : index
    %get3A_8 = vector.load %arg1[%get3A_6, %get3A_7] : memref<1000x128xf32, #tpu.memory_space<vmem>>, vector<1000x128xf32>
    %add3A = arith.addf %get3A_8, %concatenate3A : vector<1000x128xf32>
    %get3A_9 = arith.constant 0 : index
    %get3A_10 = arith.constant 0 : index
    %get3A_11 = vector.load %arg2[%get3A_9, %get3A_10] : memref<1000x48xf32, #tpu.memory_space<vmem>>, vector<1000x48xf32>
    %slice3A_12 = vector.extract_strided_slice %get3A_11 {offsets = [0, 0], sizes = [1000, 16], strides = [1, 1]} : vector<1000x48xf32> to vector<1000x16xf32>
    %slice3A_13 = vector.extract_strided_slice %squeeze3A_4 {offsets = [0, 48], sizes = [1000, 16], strides = [1, 1]} : vector<1000x96xf32> to vector<1000x16xf32>
    %add3A_14 = arith.addf %slice3A_12, %slice3A_13 : vector<1000x16xf32>
    %slice3A_15 = vector.extract_strided_slice %get3A_11 {offsets = [0, 16], sizes = [1000, 16], strides = [1, 1]} : vector<1000x48xf32> to vector<1000x16xf32>
    %slice3A_16 = vector.extract_strided_slice %squeeze3A_4 {offsets = [0, 64], sizes = [1000, 16], strides = [1, 1]} : vector<1000x96xf32> to vector<1000x16xf32>
    %add3A_17 = arith.addf %slice3A_15, %slice3A_16 : vector<1000x16xf32>
    %slice3A_18 = vector.extract_strided_slice %get3A_11 {offsets = [0, 32], sizes = [1000, 16], strides = [1, 1]} : vector<1000x48xf32> to vector<1000x16xf32>
    %slice3A_19 = vector.extract_strided_slice %squeeze3A_4 {offsets = [0, 80], sizes = [1000, 16], strides = [1, 1]} : vector<1000x96xf32> to vector<1000x16xf32>
    %add3A_20 = arith.addf %slice3A_18, %slice3A_19 : vector<1000x16xf32>
    %get3A_21 = arith.constant 0 : index
    %get3A_22 = arith.constant 0 : index
    %get3A_23 = vector.load %arg4[%get3A_21, %get3A_22] : memref<1x128xf32, #tpu.memory_space<vmem>>, vector<1x128xf32>
    %get3A_24 = arith.constant 0 : index
    %get3A_25 = arith.constant 0 : index
    %get3A_26 = vector.load %arg5[%get3A_24, %get3A_25] : memref<1x128xf32, #tpu.memory_space<vmem>>, vector<1x128xf32>
    %reduce_sum3A = arith.constant dense<0.000000e+00> : vector<1000xf32>
    %reduce_sum3A_27 = vector.multi_reduction <add>, %add3A, %reduce_sum3A [1] : vector<1000x128xf32> to vector<1000xf32>
    %broadcast_in_dim3A = vector.shape_cast %reduce_sum3A_27 : vector<1000xf32> to vector<1000x1xf32>
    %div3A = arith.constant 1.280000e+02 : f32
    %div3A_28 = vector.broadcast %div3A : f32 to vector<1000x1xf32>
    %div3A_29 = arith.divf %broadcast_in_dim3A, %div3A_28 : vector<1000x1xf32>
    %mul3A = arith.mulf %add3A, %add3A : vector<1000x128xf32>
    %reduce_sum3A_30 = arith.constant dense<0.000000e+00> : vector<1000xf32>
    %reduce_sum3A_31 = vector.multi_reduction <add>, %mul3A, %reduce_sum3A_30 [1] : vector<1000x128xf32> to vector<1000xf32>
    %broadcast_in_dim3A_32 = vector.shape_cast %reduce_sum3A_31 : vector<1000xf32> to vector<1000x1xf32>
    %div3A_33 = arith.constant 1.280000e+02 : f32
    %div3A_34 = vector.broadcast %div3A_33 : f32 to vector<1000x1xf32>
    %div3A_35 = arith.divf %broadcast_in_dim3A_32, %div3A_34 : vector<1000x1xf32>
    %mul3A_36 = arith.mulf %div3A_29, %div3A_29 : vector<1000x1xf32>
    %sub3A = arith.subf %div3A_35, %mul3A_36 : vector<1000x1xf32>
    %sub3A_37 = vector.broadcast %div3A_29 : vector<1000x1xf32> to vector<1000x128xf32>
    %sub3A_38 = arith.subf %add3A, %sub3A_37 : vector<1000x128xf32>
    %add3A_39 = arith.constant 9.99999974E-6 : f32
    %add3A_40 = vector.broadcast %add3A_39 : f32 to vector<1000x1xf32>
    %add3A_41 = arith.addf %sub3A, %add3A_40 : vector<1000x1xf32>
    %rsqrt3A = math.rsqrt %add3A_41 : vector<1000x1xf32>
    %mul3A_42 = vector.broadcast %rsqrt3A : vector<1000x1xf32> to vector<1000x128xf32>
    %mul3A_43 = arith.mulf %sub3A_38, %mul3A_42 : vector<1000x128xf32>
    %mul3A_44 = vector.broadcast %get3A_23 : vector<1x128xf32> to vector<1000x128xf32>
    %mul3A_45 = arith.mulf %mul3A_43, %mul3A_44 : vector<1000x128xf32>
    %add3A_46 = vector.broadcast %get3A_26 : vector<1x128xf32> to vector<1000x128xf32>
    %add3A_47 = arith.addf %mul3A_45, %add3A_46 : vector<1000x128xf32>
    %mul3A_48 = arith.mulf %add3A_14, %add3A_14 : vector<1000x16xf32>
    %mul3A_49 = arith.mulf %add3A_17, %add3A_17 : vector<1000x16xf32>
    %add3A_50 = arith.addf %mul3A_48, %mul3A_49 : vector<1000x16xf32>
    %mul3A_51 = arith.mulf %add3A_20, %add3A_20 : vector<1000x16xf32>
    %add3A_52 = arith.addf %add3A_50, %mul3A_51 : vector<1000x16xf32>
    %reduce_sum3A_53 = arith.constant dense<0.000000e+00> : vector<1000xf32>
    %reduce_sum3A_54 = vector.multi_reduction <add>, %add3A_52, %reduce_sum3A_53 [1] : vector<1000x16xf32> to vector<1000xf32>
    %broadcast_in_dim3A_55 = vector.shape_cast %reduce_sum3A_54 : vector<1000xf32> to vector<1000x1xf32>
    %div3A_56 = arith.constant 1.600000e+01 : f32
    %div3A_57 = vector.broadcast %div3A_56 : f32 to vector<1000x1xf32>
    %div3A_58 = arith.divf %broadcast_in_dim3A_55, %div3A_57 : vector<1000x1xf32>
    %add3A_59 = arith.constant 9.99999993E-9 : f32
    %add3A_60 = vector.broadcast %add3A_59 : f32 to vector<1000x1xf32>
    %add3A_61 = arith.addf %div3A_58, %add3A_60 : vector<1000x1xf32>
    %sqrt3A = math.sqrt %add3A_61 : vector<1000x1xf32>
    %div3A_62 = arith.constant 1.000000e+00 : f32
    %div3A_63 = vector.broadcast %div3A_62 : f32 to vector<1000x1xf32>
    %div3A_64 = arith.divf %div3A_63, %sqrt3A : vector<1000x1xf32>
    %mul3A_65 = vector.broadcast %div3A_64 : vector<1000x1xf32> to vector<1000x16xf32>
    %mul3A_66 = arith.mulf %add3A_14, %mul3A_65 : vector<1000x16xf32>
    %mul3A_67 = vector.broadcast %div3A_64 : vector<1000x1xf32> to vector<1000x16xf32>
    %mul3A_68 = arith.mulf %add3A_17, %mul3A_67 : vector<1000x16xf32>
    %mul3A_69 = vector.broadcast %div3A_64 : vector<1000x1xf32> to vector<1000x16xf32>
    %mul3A_70 = arith.mulf %add3A_20, %mul3A_69 : vector<1000x16xf32>
    %get3A_71 = arith.constant 0 : index
    %get3A_72 = arith.constant 0 : index
    %get3A_73 = vector.load %arg6[%get3A_71, %get3A_72] : memref<16x17xf32, #tpu.memory_space<vmem>>, vector<16x17xf32>
    %dot_general3A = arith.constant dense<0.000000e+00> : vector<1000x17xf32>
    %dot_general3A_74 = tpu.matmul %mul3A_66, %get3A_73, %dot_general3A {dimension_numbers = #tpu.dot_dimension_numbers<[1], [0], [0], [1], [0, 0, 1, 1], [], []>, transpose_lhs_hint = false} : vector<1000x16xf32>, vector<16x17xf32>, vector<1000x17xf32> -> vector<1000x17xf32>
    %dot_general3A_75 = arith.constant dense<0.000000e+00> : vector<1000x17xf32>
    %dot_general3A_76 = tpu.matmul %mul3A_68, %get3A_73, %dot_general3A_75 {dimension_numbers = #tpu.dot_dimension_numbers<[1], [0], [0], [1], [0, 0, 1, 1], [], []>, transpose_lhs_hint = false} : vector<1000x16xf32>, vector<16x17xf32>, vector<1000x17xf32> -> vector<1000x17xf32>
    %dot_general3A_77 = arith.constant dense<0.000000e+00> : vector<1000x17xf32>
    %dot_general3A_78 = tpu.matmul %mul3A_70, %get3A_73, %dot_general3A_77 {dimension_numbers = #tpu.dot_dimension_numbers<[1], [0], [0], [1], [0, 0, 1, 1], [], []>, transpose_lhs_hint = false} : vector<1000x16xf32>, vector<16x17xf32>, vector<1000x17xf32> -> vector<1000x17xf32>
    %mul3A_79 = arith.mulf %dot_general3A_74, %dot_general3A_74 : vector<1000x17xf32>
    %mul3A_80 = arith.mulf %dot_general3A_76, %dot_general3A_76 : vector<1000x17xf32>
    %add3A_81 = arith.addf %mul3A_79, %mul3A_80 : vector<1000x17xf32>
    %mul3A_82 = arith.mulf %dot_general3A_78, %dot_general3A_78 : vector<1000x17xf32>
    %add3A_83 = arith.addf %add3A_81, %mul3A_82 : vector<1000x17xf32>
    %add3A_84 = arith.constant 9.99999993E-9 : f32
    %add3A_85 = vector.broadcast %add3A_84 : f32 to vector<1000x17xf32>
    %add3A_86 = arith.addf %add3A_83, %add3A_85 : vector<1000x17xf32>
    %sqrt3A_87 = math.sqrt %add3A_86 : vector<1000x17xf32>
    %reduce_sum3A_88 = arith.constant dense<0.000000e+00> : vector<1000xf32>
    %reduce_sum3A_89 = vector.multi_reduction <add>, %add3A_47, %reduce_sum3A_88 [1] : vector<1000x128xf32> to vector<1000xf32>
    %broadcast_in_dim3A_90 = vector.shape_cast %reduce_sum3A_89 : vector<1000xf32> to vector<1000x1xf32>
    %reduce_sum3A_91 = arith.constant dense<0.000000e+00> : vector<1000xf32>
    %reduce_sum3A_92 = vector.multi_reduction <add>, %sqrt3A_87, %reduce_sum3A_91 [1] : vector<1000x17xf32> to vector<1000xf32>
    %broadcast_in_dim3A_93 = vector.shape_cast %reduce_sum3A_92 : vector<1000xf32> to vector<1000x1xf32>
    %add3A_94 = arith.addf %broadcast_in_dim3A_90, %broadcast_in_dim3A_93 : vector<1000x1xf32>
    %mul3A_95 = arith.constant 0.0068965517 : f32
    %mul3A_96 = vector.broadcast %mul3A_95 : f32 to vector<1000x1xf32>
    %mul3A_97 = arith.mulf %add3A_94, %mul3A_96 : vector<1000x1xf32>
    %mul3A_98 = arith.mulf %add3A_47, %add3A_47 : vector<1000x128xf32>
    %reduce_sum3A_99 = arith.constant dense<0.000000e+00> : vector<1000xf32>
    %reduce_sum3A_100 = vector.multi_reduction <add>, %mul3A_98, %reduce_sum3A_99 [1] : vector<1000x128xf32> to vector<1000xf32>
    %broadcast_in_dim3A_101 = vector.shape_cast %reduce_sum3A_100 : vector<1000xf32> to vector<1000x1xf32>
    %reduce_sum3A_102 = arith.constant dense<0.000000e+00> : vector<1000xf32>
    %reduce_sum3A_103 = vector.multi_reduction <add>, %add3A_86, %reduce_sum3A_102 [1] : vector<1000x17xf32> to vector<1000xf32>
    %broadcast_in_dim3A_104 = vector.shape_cast %reduce_sum3A_103 : vector<1000xf32> to vector<1000x1xf32>
    %add3A_105 = arith.addf %broadcast_in_dim3A_101, %broadcast_in_dim3A_104 : vector<1000x1xf32>
    %mul3A_106 = arith.constant 0.0068965517 : f32
    %mul3A_107 = vector.broadcast %mul3A_106 : f32 to vector<1000x1xf32>
    %mul3A_108 = arith.mulf %add3A_105, %mul3A_107 : vector<1000x1xf32>
    %mul3A_109 = arith.mulf %mul3A_97, %mul3A_97 : vector<1000x1xf32>
    %sub3A_110 = arith.subf %mul3A_108, %mul3A_109 : vector<1000x1xf32>
    %add3A_111 = arith.constant 9.99999974E-6 : f32
    %add3A_112 = vector.broadcast %add3A_111 : f32 to vector<1000x1xf32>
    %add3A_113 = arith.addf %sub3A_110, %add3A_112 : vector<1000x1xf32>
    %rsqrt3A_114 = math.rsqrt %add3A_113 : vector<1000x1xf32>
    %get3A_115 = arith.constant 0 : index
    %get3A_116 = arith.constant 0 : index
    %get3A_117 = vector.load %arg8[%get3A_115, %get3A_116] : memref<128x128xf32, #tpu.memory_space<vmem>>, vector<128x128xf32>
    %dot_general3A_118 = arith.constant dense<0.000000e+00> : vector<1000x128xf32>
    %dot_general3A_119 = tpu.matmul %add3A_47, %get3A_117, %dot_general3A_118 {dimension_numbers = #tpu.dot_dimension_numbers<[1], [0], [0], [1], [0, 0, 1, 1], [], []>, transpose_lhs_hint = false} : vector<1000x128xf32>, vector<128x128xf32>, vector<1000x128xf32> -> vector<1000x128xf32>
    %get3A_120 = arith.constant 0 : index
    %get3A_121 = arith.constant 0 : index
    %get3A_122 = vector.load %arg9[%get3A_120, %get3A_121] : memref<17x128xf32, #tpu.memory_space<vmem>>, vector<17x128xf32>
    %dot_general3A_123 = arith.constant dense<0.000000e+00> : vector<1000x128xf32>
    %dot_general3A_124 = tpu.matmul %sqrt3A_87, %get3A_122, %dot_general3A_123 {dimension_numbers = #tpu.dot_dimension_numbers<[1], [0], [0], [1], [0, 0, 1, 1], [], []>, transpose_lhs_hint = false} : vector<1000x17xf32>, vector<17x128xf32>, vector<1000x128xf32> -> vector<1000x128xf32>
    %add3A_125 = arith.addf %dot_general3A_119, %dot_general3A_124 : vector<1000x128xf32>
    %get3A_126 = arith.constant 0 : index
    %get3A_127 = arith.constant 0 : index
    %get3A_128 = vector.load %arg10[%get3A_126, %get3A_127] : memref<1x128xf32, #tpu.memory_space<vmem>>, vector<1x128xf32>
    %mul3A_129 = vector.broadcast %mul3A_97 : vector<1000x1xf32> to vector<1000x128xf32>
    %mul3A_130 = vector.broadcast %get3A_128 : vector<1x128xf32> to vector<1000x128xf32>
    %mul3A_131 = arith.mulf %mul3A_129, %mul3A_130 : vector<1000x128xf32>
    %sub3A_132 = arith.subf %add3A_125, %mul3A_131 : vector<1000x128xf32>
    %mul3A_133 = vector.broadcast %rsqrt3A_114 : vector<1000x1xf32> to vector<1000x128xf32>
    %mul3A_134 = arith.mulf %sub3A_132, %mul3A_133 : vector<1000x128xf32>
    %get3A_135 = arith.constant 0 : index
    %get3A_136 = arith.constant 0 : index
    %get3A_137 = vector.load %arg11[%get3A_135, %get3A_136] : memref<1x128xf32, #tpu.memory_space<vmem>>, vector<1x128xf32>
    %add3A_138 = vector.broadcast %get3A_137 : vector<1x128xf32> to vector<1000x128xf32>
    %add3A_139 = arith.addf %mul3A_134, %add3A_138 : vector<1000x128xf32>
    %logistic3A = arith.negf %add3A_139 : vector<1000x128xf32>
    %logistic3A_140 = math.exp %logistic3A : vector<1000x128xf32>
    %logistic3A_141 = arith.constant 1.000000e+00 : f32
    %logistic3A_142 = vector.broadcast %logistic3A_141 : f32 to vector<1000x128xf32>
    %logistic3A_143 = arith.addf %logistic3A_142, %logistic3A_140 : vector<1000x128xf32>
    %logistic3A_144 = arith.divf %logistic3A_142, %logistic3A_143 : vector<1000x128xf32>
    %mul3A_145 = arith.mulf %add3A_139, %logistic3A_144 : vector<1000x128xf32>
    %get3A_146 = arith.constant 0 : index
    %get3A_147 = arith.constant 0 : index
    %get3A_148 = vector.load %arg12[%get3A_146, %get3A_147] : memref<128x17xf32, #tpu.memory_space<vmem>>, vector<128x17xf32>
    %dot_general3A_149 = arith.constant dense<0.000000e+00> : vector<1000x17xf32>
    %dot_general3A_150 = tpu.matmul %mul3A_145, %get3A_148, %dot_general3A_149 {dimension_numbers = #tpu.dot_dimension_numbers<[1], [0], [0], [1], [0, 0, 1, 1], [], []>, transpose_lhs_hint = false} : vector<1000x128xf32>, vector<128x17xf32>, vector<1000x17xf32> -> vector<1000x17xf32>
    %get3A_151 = arith.constant 0 : index
    %get3A_152 = arith.constant 0 : index
    %get3A_153 = vector.load %arg13[%get3A_151, %get3A_152] : memref<1x17xf32, #tpu.memory_space<vmem>>, vector<1x17xf32>
    %add3A_154 = vector.broadcast %get3A_153 : vector<1x17xf32> to vector<1000x17xf32>
    %add3A_155 = arith.addf %dot_general3A_150, %add3A_154 : vector<1000x17xf32>
    %logistic3A_156 = arith.negf %add3A_155 : vector<1000x17xf32>
    %logistic3A_157 = math.exp %logistic3A_156 : vector<1000x17xf32>
    %logistic3A_158 = arith.constant 1.000000e+00 : f32
    %logistic3A_159 = vector.broadcast %logistic3A_158 : f32 to vector<1000x17xf32>
    %logistic3A_160 = arith.addf %logistic3A_159, %logistic3A_157 : vector<1000x17xf32>
    %logistic3A_161 = arith.divf %logistic3A_159, %logistic3A_160 : vector<1000x17xf32>
    %mul3A_162 = arith.mulf %add3A_155, %logistic3A_161 : vector<1000x17xf32>
    %get3A_163 = arith.constant 0 : index
    %get3A_164 = arith.constant 0 : index
    %get3A_165 = vector.load %arg7[%get3A_163, %get3A_164] : memref<17x17xf32, #tpu.memory_space<vmem>>, vector<17x17xf32>
    %add3A_166 = arith.addf %add3A_47, %mul3A_145 : vector<1000x128xf32>
    %dot_general3A_167 = arith.constant dense<0.000000e+00> : vector<1000x17xf32>
    %dot_general3A_168 = tpu.matmul %dot_general3A_74, %get3A_165, %dot_general3A_167 {dimension_numbers = #tpu.dot_dimension_numbers<[1], [0], [0], [1], [0, 0, 1, 1], [], []>, transpose_lhs_hint = false} : vector<1000x17xf32>, vector<17x17xf32>, vector<1000x17xf32> -> vector<1000x17xf32>
    %mul3A_169 = arith.mulf %mul3A_162, %dot_general3A_168 : vector<1000x17xf32>
    %slice3A_170 = vector.extract_strided_slice %mul3A_169 {offsets = [0, 0], sizes = [1000, 16], strides = [1, 1]} : vector<1000x17xf32> to vector<1000x16xf32>
    %add3A_171 = arith.addf %mul3A_66, %slice3A_170 : vector<1000x16xf32>
    %dot_general3A_172 = arith.constant dense<0.000000e+00> : vector<1000x17xf32>
    %dot_general3A_173 = tpu.matmul %dot_general3A_76, %get3A_165, %dot_general3A_172 {dimension_numbers = #tpu.dot_dimension_numbers<[1], [0], [0], [1], [0, 0, 1, 1], [], []>, transpose_lhs_hint = false} : vector<1000x17xf32>, vector<17x17xf32>, vector<1000x17xf32> -> vector<1000x17xf32>
    %mul3A_174 = arith.mulf %mul3A_162, %dot_general3A_173 : vector<1000x17xf32>
    %slice3A_175 = vector.extract_strided_slice %mul3A_174 {offsets = [0, 0], sizes = [1000, 16], strides = [1, 1]} : vector<1000x17xf32> to vector<1000x16xf32>
    %add3A_176 = arith.addf %mul3A_68, %slice3A_175 : vector<1000x16xf32>
    %dot_general3A_177 = arith.constant dense<0.000000e+00> : vector<1000x17xf32>
    %dot_general3A_178 = tpu.matmul %dot_general3A_78, %get3A_165, %dot_general3A_177 {dimension_numbers = #tpu.dot_dimension_numbers<[1], [0], [0], [1], [0, 0, 1, 1], [], []>, transpose_lhs_hint = false} : vector<1000x17xf32>, vector<17x17xf32>, vector<1000x17xf32> -> vector<1000x17xf32>
    %mul3A_179 = arith.mulf %mul3A_162, %dot_general3A_178 : vector<1000x17xf32>
    %slice3A_180 = vector.extract_strided_slice %mul3A_179 {offsets = [0, 0], sizes = [1000, 16], strides = [1, 1]} : vector<1000x17xf32> to vector<1000x16xf32>
    %add3A_181 = arith.addf %mul3A_70, %slice3A_180 : vector<1000x16xf32>
    %reduce_sum3A_182 = arith.constant dense<0.000000e+00> : vector<1000xf32>
    %reduce_sum3A_183 = vector.multi_reduction <add>, %add3A_166, %reduce_sum3A_182 [1] : vector<1000x128xf32> to vector<1000xf32>
    %broadcast_in_dim3A_184 = vector.shape_cast %reduce_sum3A_183 : vector<1000xf32> to vector<1000x1xf32>
    %div3A_185 = arith.constant 1.280000e+02 : f32
    %div3A_186 = vector.broadcast %div3A_185 : f32 to vector<1000x1xf32>
    %div3A_187 = arith.divf %broadcast_in_dim3A_184, %div3A_186 : vector<1000x1xf32>
    %mul3A_188 = arith.mulf %add3A_166, %add3A_166 : vector<1000x128xf32>
    %reduce_sum3A_189 = arith.constant dense<0.000000e+00> : vector<1000xf32>
    %reduce_sum3A_190 = vector.multi_reduction <add>, %mul3A_188, %reduce_sum3A_189 [1] : vector<1000x128xf32> to vector<1000xf32>
    %broadcast_in_dim3A_191 = vector.shape_cast %reduce_sum3A_190 : vector<1000xf32> to vector<1000x1xf32>
    %div3A_192 = arith.constant 1.280000e+02 : f32
    %div3A_193 = vector.broadcast %div3A_192 : f32 to vector<1000x1xf32>
    %div3A_194 = arith.divf %broadcast_in_dim3A_191, %div3A_193 : vector<1000x1xf32>
    %mul3A_195 = arith.mulf %div3A_187, %div3A_187 : vector<1000x1xf32>
    %sub3A_196 = arith.subf %div3A_194, %mul3A_195 : vector<1000x1xf32>
    %sub3A_197 = vector.broadcast %div3A_187 : vector<1000x1xf32> to vector<1000x128xf32>
    %sub3A_198 = arith.subf %add3A_166, %sub3A_197 : vector<1000x128xf32>
    %add3A_199 = arith.constant 9.99999974E-6 : f32
    %add3A_200 = vector.broadcast %add3A_199 : f32 to vector<1000x1xf32>
    %add3A_201 = arith.addf %sub3A_196, %add3A_200 : vector<1000x1xf32>
    %rsqrt3A_202 = math.rsqrt %add3A_201 : vector<1000x1xf32>
    %mul3A_203 = vector.broadcast %rsqrt3A_202 : vector<1000x1xf32> to vector<1000x128xf32>
    %mul3A_204 = arith.mulf %sub3A_198, %mul3A_203 : vector<1000x128xf32>
    %mul3A_205 = vector.broadcast %get3A_23 : vector<1x128xf32> to vector<1000x128xf32>
    %mul3A_206 = arith.mulf %mul3A_204, %mul3A_205 : vector<1000x128xf32>
    %add3A_207 = vector.broadcast %get3A_26 : vector<1x128xf32> to vector<1000x128xf32>
    %add3A_208 = arith.addf %mul3A_206, %add3A_207 : vector<1000x128xf32>
    %swap3A = arith.constant 0 : index
    %swap3A_209 = arith.constant 0 : index
    %swap3A_210 = vector.load %arg14[%swap3A, %swap3A_209] : memref<1000x128xf32, #tpu.memory_space<vmem>>, vector<1000x128xf32>
    tpu.vector_store %arg14[%swap3A, %swap3A_209], %add3A_208 {strides = array<i32>} : memref<1000x128xf32, #tpu.memory_space<vmem>>, vector<1000x128xf32>,
    %mul3A_211 = arith.mulf %add3A_171, %add3A_171 : vector<1000x16xf32>
    %mul3A_212 = arith.mulf %add3A_176, %add3A_176 : vector<1000x16xf32>
    %add3A_213 = arith.addf %mul3A_211, %mul3A_212 : vector<1000x16xf32>
    %mul3A_214 = arith.mulf %add3A_181, %add3A_181 : vector<1000x16xf32>
    %add3A_215 = arith.addf %add3A_213, %mul3A_214 : vector<1000x16xf32>
    %reduce_sum3A_216 = arith.constant dense<0.000000e+00> : vector<1000xf32>
    %reduce_sum3A_217 = vector.multi_reduction <add>, %add3A_215, %reduce_sum3A_216 [1] : vector<1000x16xf32> to vector<1000xf32>
    %broadcast_in_dim3A_218 = vector.shape_cast %reduce_sum3A_217 : vector<1000xf32> to vector<1000x1xf32>
    %div3A_219 = arith.constant 1.600000e+01 : f32
    %div3A_220 = vector.broadcast %div3A_219 : f32 to vector<1000x1xf32>
    %div3A_221 = arith.divf %broadcast_in_dim3A_218, %div3A_220 : vector<1000x1xf32>
    %add3A_222 = arith.constant 9.99999993E-9 : f32
    %add3A_223 = vector.broadcast %add3A_222 : f32 to vector<1000x1xf32>
    %add3A_224 = arith.addf %div3A_221, %add3A_223 : vector<1000x1xf32>
    %sqrt3A_225 = math.sqrt %add3A_224 : vector<1000x1xf32>
    %div3A_226 = arith.constant 1.000000e+00 : f32
    %div3A_227 = vector.broadcast %div3A_226 : f32 to vector<1000x1xf32>
    %div3A_228 = arith.divf %div3A_227, %sqrt3A_225 : vector<1000x1xf32>
    %mul3A_229 = vector.broadcast %div3A_228 : vector<1000x1xf32> to vector<1000x16xf32>
    %mul3A_230 = arith.mulf %add3A_171, %mul3A_229 : vector<1000x16xf32>
    %swap3A_231 = arith.constant 0 : index
    %swap3A_232 = arith.constant 0 : index
    %swap3A_233 = vector.load %arg15[%swap3A_231, %swap3A_232] : memref<1000x48xf32, #tpu.memory_space<vmem>>, vector<1000x16xf32>
    tpu.vector_store %arg15[%swap3A_231, %swap3A_232], %mul3A_230 {strides = array<i32>} : memref<1000x48xf32, #tpu.memory_space<vmem>>, vector<1000x16xf32>,
    %mul3A_234 = vector.broadcast %div3A_228 : vector<1000x1xf32> to vector<1000x16xf32>
    %mul3A_235 = arith.mulf %add3A_176, %mul3A_234 : vector<1000x16xf32>
    %swap3A_236 = arith.constant 0 : index
    %swap3A_237 = arith.constant 16 : index
    %swap3A_238 = vector.load %arg15[%swap3A_236, %swap3A_237] : memref<1000x48xf32, #tpu.memory_space<vmem>>, vector<1000x16xf32>
    tpu.vector_store %arg15[%swap3A_236, %swap3A_237], %mul3A_235 {strides = array<i32>} : memref<1000x48xf32, #tpu.memory_space<vmem>>, vector<1000x16xf32>,
    %mul3A_239 = vector.broadcast %div3A_228 : vector<1000x1xf32> to vector<1000x16xf32>
    %mul3A_240 = arith.mulf %add3A_181, %mul3A_239 : vector<1000x16xf32>
    %swap3A_241 = arith.constant 0 : index
    %swap3A_242 = arith.constant 32 : index
    %swap3A_243 = vector.load %arg15[%swap3A_241, %swap3A_242] : memref<1000x48xf32, #tpu.memory_space<vmem>>, vector<1000x16xf32>
    tpu.vector_store %arg15[%swap3A_241, %swap3A_242], %mul3A_240 {strides = array<i32>} : memref<1000x48xf32, #tpu.memory_space<vmem>>, vector<1000x16xf32>,
    return
  }
  func.func @transform_0(%arg0: i32) -> (i32, i32) {
    %c0_i32 = arith.constant 0 : i32
    %c0_i32_0 = arith.constant 0 : i32
    return %arg0, %c0_i32 : i32, i32
  }
  func.func @transform_1(%arg0: i32) -> (i32, i32) {
    %c0_i32 = arith.constant 0 : i32
    %c0_i32_0 = arith.constant 0 : i32
    return %arg0, %c0_i32 : i32, i32
  }
  func.func @transform_2(%arg0: i32) -> (i32, i32, i32) {
    %c0_i32 = arith.constant 0 : i32
    %c0_i32_0 = arith.constant 0 : i32
    %c0_i32_1 = arith.constant 0 : i32
    return %c0_i32, %arg0, %c0_i32_0 : i32, i32, i32
  }
  func.func @transform_3(%arg0: i32) -> (i32, i32) {
    %c0_i32 = arith.constant 0 : i32
    %c0_i32_0 = arith.constant 0 : i32
    %c0_i32_1 = arith.constant 0 : i32
    return %c0_i32, %c0_i32_0 : i32, i32
  }
  func.func @transform_4(%arg0: i32) -> (i32, i32) {
    %c0_i32 = arith.constant 0 : i32
    %c0_i32_0 = arith.constant 0 : i32
    %c0_i32_1 = arith.constant 0 : i32
    return %c0_i32, %c0_i32_0 : i32, i32
  }
  func.func @transform_5(%arg0: i32) -> (i32, i32) {
    %c0_i32 = arith.constant 0 : i32
    %c0_i32_0 = arith.constant 0 : i32
    %c0_i32_1 = arith.constant 0 : i32
    return %c0_i32, %c0_i32_0 : i32, i32
  }
  func.func @transform_6(%arg0: i32) -> (i32, i32) {
    %c0_i32 = arith.constant 0 : i32
    %c0_i32_0 = arith.constant 0 : i32
    %c0_i32_1 = arith.constant 0 : i32
    return %c0_i32, %c0_i32_0 : i32, i32
  }
  func.func @transform_7(%arg0: i32) -> (i32, i32) {
    %c0_i32 = arith.constant 0 : i32
    %c0_i32_0 = arith.constant 0 : i32
    %c0_i32_1 = arith.constant 0 : i32
    return %c0_i32, %c0_i32_0 : i32, i32
  }
  func.func @transform_8(%arg0: i32) -> (i32, i32) {
    %c0_i32 = arith.constant 0 : i32
    %c0_i32_0 = arith.constant 0 : i32
    %c0_i32_1 = arith.constant 0 : i32
    return %c0_i32, %c0_i32_0 : i32, i32
  }
  func.func @transform_9(%arg0: i32) -> (i32, i32) {
    %c0_i32 = arith.constant 0 : i32
    %c0_i32_0 = arith.constant 0 : i32
    %c0_i32_1 = arith.constant 0 : i32
    return %c0_i32, %c0_i32_0 : i32, i32
  }
  func.func @transform_10(%arg0: i32) -> (i32, i32) {
    %c0_i32 = arith.constant 0 : i32
    %c0_i32_0 = arith.constant 0 : i32
    %c0_i32_1 = arith.constant 0 : i32
    return %c0_i32, %c0_i32_0 : i32, i32
  }
  func.func @transform_11(%arg0: i32) -> (i32, i32) {
    %c0_i32 = arith.constant 0 : i32
    %c0_i32_0 = arith.constant 0 : i32
    %c0_i32_1 = arith.constant 0 : i32
    return %c0_i32, %c0_i32_0 : i32, i32
  }
  func.func @transform_12(%arg0: i32) -> (i32, i32) {
    %c0_i32 = arith.constant 0 : i32
    %c0_i32_0 = arith.constant 0 : i32
    %c0_i32_1 = arith.constant 0 : i32
    return %c0_i32, %c0_i32_0 : i32, i32
  }
  func.func @transform_13(%arg0: i32) -> (i32, i32) {
    %c0_i32 = arith.constant 0 : i32
    %c0_i32_0 = arith.constant 0 : i32
    return %arg0, %c0_i32 : i32, i32
  }
  func.func @transform_14(%arg0: i32) -> (i32, i32) {
    %c0_i32 = arith.constant 0 : i32
    %c0_i32_0 = arith.constant 0 : i32
    return %arg0, %c0_i32 : i32, i32
  }
}

</mosaic_0001>

<sc_bundles>
// kernel: kernel.10.cloned.1.call-start
scs
__scs_entry_jumppad:
0x0: {  	(pc) =	sbr.rel $0x88, $3  }
0x1: {  	(tag) =	ssettag $0x0;
	lr =	simm.s32 $0x1  }
0x2: {  	[smem:$0x3F8B] =	sst lr;
	_ =	strace $0xD0000000  }
0x3: {  	_ = 	snop  }
0x4: {  	_ = 	snop  }
0x5: {  	_ = 	snop  }
0x6: {  	_ = 	snop  }
0x7: {  	_ = 	snop  }
__scs_overlays_trampoline_lowered:
0x8: {  	[smem:$0x3F9A] =	sst s0  }
0x9: {  	[smem:$0x3F9B] =	sst s1  }
0xa: {  	[smem:$0x3F9C] =	sst s2  }
0xb: {  	[smem:$0x3F9D] =	sst s3  }
0xc: {  	[smem:$0x3F9E] =	sst s4  }
0xd: {  	[smem:$0x3F9F] =	sst s5  }
0xe: {  	[smem:$0x3FA0] =	sst s6  }
0xf: {  	[smem:$0x3FA1] =	sst s7  }
0x10: {  	[smem:$0x3FA2] =	sst s8  }
0x11: {  	[smem:$0x3FA3] =	sst s9;
	s0 =	simm.s32 @!p0 $0x0  }
0x12: {  	s1 =	sld [smem:$0x3F89];
	s0 =	simm.s32 @p0 $0x1  }
0x13: {  	[smem:$0x3FA4] =	sst s0;
	s0 =	simm.s32 @!p1 $0x0  }
0x14: {  	s2 =	sld [smem:$0x3F88];
	s0 =	simm.s32 @p1 $0x1  }
0x15: {  	[smem:$0x3FA5] =	sst s0;
	s0 =	simm.s32 @!p2 $0x0  }
0x16: {  	s3 =	sld [smem:$0x3FDB];
	s0 =	simm.s32 @p2 $0x1  }
0x17: {  	s4 =	simm.s32 $0x1BF5;
	[smem:$0x3FA7] =	sst s0  }
0x18: {  	s0 =	sld [smem:$0x3F8A];
	_ =	swait.ge [sflag:s4], $0x0  }
0x19: {  	s7 =	sld [smem:$0x3F8B]  }
0x1a: {  	s8 =	sadd.s32 $0xFFFFE003, lr  }
0x1b: {  	s9 =	sadd.s32 $0xFFFFFEF7, lr;
	s5 =	simm.s32 $0xFFFFFFFF;
	p2 =	slt.u32 s8, $0xFFFFF086  }
0x1c: {  	p1 =	slt.u32 s9, $0xF7A;
	s5 =	simm.s32 @!p2 $0x0  }
0x1d: {  	s5 =	simm.s32 @p1 $0x1;
	p0 =	seq.s32 s7, s2  }
0x1e: {  	s7 =	smul.u32 @!p0 $0xF7A, s2;
	p2 =	seq.s32 @!p0 s5, $0x0  }
0x1f: {  	s9 =	smul.u32 $0xF7A, s1;
	s8 =	simm.s32 @!p0 $0x1BF5;
	p2 =	por !p2, p0  }
0x20: {  	[sflag:s8] =	ssyncset.s32 @!p0 $0xFFFFF086;
	s6 =	sadd.s32 @!p0 s3, s7;
	s7 =	simm.s32 @!p0 $0x108  }
0x21: {  	s3 =	sadd.s32 s3, s9;
	s6 =	sadd.s32 @!p0 $0x88, s6;
	s7 =	simm.s32 @p2 $0x1082  }
0x22: {  	[simem:s7], [sflag:s8] =	dma.local @!p0 [hbm:s6], $0xF7A  }
0x23: {  	s9 =	sor.u32 $0xD0000000, s2;
	s6 =	simm.s32 $0x108;
	_ =	swait.ge @!p0 [sflag:s8], $0x0  }
0x24: {  	s3 =	sadd.s32 $0x88, s3;
	s6 =	simm.s32 @!p1 $0x1082;
	[sflag:s4] =	ssyncset.s32 $0xFFFFF086  }
0x25: {  	[simem:s6], [sflag:s4] =	dma.local [hbm:s3], $0xF7A  }
0x26: {  	[smem:$0x3F8B] =	sst s1;
	(tag) =	ssettag s2;
	_ =	strace s9  }
0x27: {  	s1 =	sld [smem:$0x3F9B]  }
0x28: {  	s2 =	sld [smem:$0x3F9C]  }
0x29: {  	s4 =	sld [smem:$0x3F9E]  }
0x2a: {  	p0 =	seq.s32 s5, $0x0;
	s5 =	sld [smem:$0x3F9F]  }
0x2b: {  	s6 =	sld [smem:$0x3FA0]  }
0x2c: {  	s7 =	sld [smem:$0x3FA1]  }
0x2d: {  	s3 =	simm.s32 $0x108;
	s8 =	sld [smem:$0x3FA2]  }
0x2e: {  	s3 =	simm.s32 @!p0 $0x1082;
	s9 =	sld [smem:$0x3FA3]  }
0x2f: {  	lr =	sadd.s32 s0, s3;
	s0 =	sld [smem:$0x3F9A]  }
0x30: {  	s3 =	sld [smem:$0x3F9D]  }
0x31: {  	[smem:$0x3FA6] =	sst s10  }
0x32: {  	s10 =	sld [smem:$0x3FA4];
	_ =	sdelay $0x3  }
0x33: {  	p0 =	seq.s32 s10, $0x1;
	s10 =	sld [smem:$0x3FA6];
	_ =	sdelay $0x3  }
0x34: {  	[smem:$0x3FA6] =	sst s10  }
0x35: {  	s10 =	sld [smem:$0x3FA5];
	_ =	sdelay $0x3  }
0x36: {  	p1 =	seq.s32 s10, $0x1;
	s10 =	sld [smem:$0x3FA6];
	_ =	sdelay $0x3  }
0x37: {  	[smem:$0x3FA6] =	sst s10  }
0x38: {  	s10 =	sld [smem:$0x3FA7]  }
0x39: {  	_ = 	snop;
	(pc) =	sbr.ind lr, $3  }
0x3a: {  	_ = 	snop  }
0x3b: {  	_ = 	snop  }
0x3c: {  	p2 =	seq.s32 s10, $0x1;
	s10 =	sld [smem:$0x3FA6]  }
0x3d: {  	_ =	shalt  }
0x3e: {  	_ =	shalt  }
0x3f: {  	_ =	shalt  }
0x40: {  	_ =	shalt  }
0x41: {  	_ =	shalt  }
0x42: {  	_ =	shalt  }
0x43: {  	_ =	shalt  }
0x44: {  	_ =	shalt  }
0x45: {  	_ =	shalt  }
0x46: {  	_ =	shalt  }
0x47: {  	_ =	shalt  }
0x48: {  	_ =	shalt  }
0x49: {  	_ =	shalt  }
0x4a: {  	_ =	shalt  }
0x4b: {  	_ =	shalt  }
0x4c: {  	_ =	shalt  }
0x4d: {  	_ =	shalt  }
0x4e: {  	_ =	shalt  }
0x4f: {  	_ =	shalt  }
0x50: {  	_ =	shalt  }
0x51: {  	_ =	shalt  }
0x52: {  	_ =	shalt  }
0x53: {  	_ =	shalt  }
0x54: {  	_ =	shalt  }
0x55: {  	_ =	shalt  }
0x56: {  	_ =	shalt  }
0x57: {  	_ =	shalt  }
0x58: {  	_ =	shalt  }
0x59: {  	_ =	shalt  }
0x5a: {  	_ =	shalt  }
0x5b: {  	_ =	shalt  }
0x5c: {  	_ =	shalt  }
0x5d: {  	_ =	shalt  }
0x5e: {  	_ =	shalt  }
0x5f: {  	_ =	shalt  }
0x60: {  	_ =	shalt  }
0x61: {  	_ =	shalt  }
0x62: {  	_ =	shalt  }
0x63: {  	_ =	shalt  }
0x64: {  	_ =	shalt  }
0x65: {  	_ =	shalt  }
0x66: {  	_ =	shalt  }
0x67: {  	_ =	shalt  }
0x68: {  	_ =	shalt  }
0x69: {  	_ =	shalt  }
0x6a: {  	_ =	shalt  }
0x6b: {  	_ =	shalt  }
0x6c: {  	_ =	shalt  }
0x6d: {  	_ =	shalt  }
0x6e: {  	_ =	shalt  }
0x6f: {  	_ =	shalt  }
0x70: {  	_ =	shalt  }
0x71: {  	_ =	shalt  }
0x72: {  	_ =	shalt  }
0x73: {  	_ =	shalt  }
0x74: {  	_ =	shalt  }
0x75: {  	_ =	shalt  }
0x76: {  	_ =	shalt  }
0x77: {  	_ =	shalt  }
0x78: {  	_ =	shalt  }
0x79: {  	_ =	shalt  }
0x7a: {  	_ =	shalt  }
0x7b: {  	_ =	shalt  }
0x7c: {  	_ =	shalt  }
0x7d: {  	_ =	shalt  }
0x7e: {  	_ =	shalt  }
0x7f: {  	_ =	shalt  }
0x80: {  	_ =	shalt  }
0x81: {  	_ =	shalt  }
0x82: {  	_ =	shalt  }
0x83: {  	_ =	shalt  }
0x84: {  	_ =	shalt  }
0x85: {  	_ =	shalt  }
0x86: {  	_ =	shalt  }
0x87: {  	_ =	shalt  }
.Lfunc_end0:
.L_simem_size_0:
called_computation.1_lowered:
.L_overlay_start_0:
0x88: {  	s2 =	sld [smem:$0x3FD9]  }
0x89: {  	s3 =	sld [smem:$0x3FFE];
	_ =	sdelay $0x1  }
0x8a: {  	s1 =	srdreg.scid  }
0x8b: {  	s0 =	sand.u32 $0x1, s1  }
0x8c: {  	s14 =	sshll.u32 s0, $0xA;
	s2 =	sadd.s32 s3, s2  }
0x8d: {  	s2 =	sadd.s32 s2, s14  }
0x8e: {  	[smem:$0x3FB2] =	sst s2  }
0x8f: {  	_ = 	snop  }
0x90: {  	s2 =	sld [smem:$0x3FD0];
	_ =	sdelay $0x2  }
0x91: {  	s15 =	simm.s32 $0xA;
	s4 =	simm.s32 $0x10  }
0x92: {  	[smem:s4], [sflag:s15] =	dma.local [hbm:s2], $0x1  }
0x93: {  	_ =	swait.eq [sflag:s15], $0x1  }
0x94: {  	[sflag:s15] =	ssyncset.done $0x0  }
0x95: {  	[sflag:s15] =	ssyncadd.s32 $0xFFFFFFFF  }
0x96: {  	s16 =	sld [smem:$0x11];
	(tm) =	ssettm $0x1  }
0x97: {  	s17 =	sld [smem:$0x3FFB];
	_ =	sdelay $0x3  }
0x98: {  	_ =	strace s17  }
0x99: {  	s3 =	sld [smem:$0x3FFC];
	_ =	sdelay $0x3  }
0x9a: {  	_ =	strace s3  }
0x9b: {  	s3 =	sld [smem:$0x3FFD];
	_ =	sdelay $0x3  }
0x9c: {  	_ =	strace s3  }
0x9d: {  	_ =	strace $0x8FFFFFFF  }
0x9e: {  	s18 =	sld [smem:$0x3FDB];
	_ =	sdelay $0x1  }
0x9f: {  	s19 =	simm.s32 $_scs_section_size  }
0xa0: {  	s5 =	simm.s32 $_size__tile_overlayer_lowered;
	s6 =	simm.s32 $_tile_overlayer_lowered  }
0xa1: {  	s22 =	simm.s32 $0x1BFF;
	s21 =	sshll.u32 s6, $0x1;
	s3 =	sadd.s32 s19, s18  }
0xa2: {  	s7 =	simm.s32 $0x0;
	s20 =	sshll.u32 s5, $0x1;
	s5 =	sadd.s32 s21, s3  }
0xa3: {  	[timem:s7], [sflag:s22] =	dma.local [hbm:s5], s20  }
0xa4: {  	_ =	swait.ge [sflag:s22], s20  }
0xa5: {  	s4 =	ssub.s32 $0x0, s20;
	[sflag:s22] =	ssyncset.done $0x0  }
0xa6: {  	[sflag:s22] =	ssyncadd.s32 s4;
	_ =	sdelay $0x1  }
0xa7: {  	s23 =	simm.s32 $0x1B8B  }
0xa8: {  	_ =	swait.ge [sflag:s23], $0x1  }
0xa9: {  	[sflag:s23] =	ssyncset.done $0x0  }
0xaa: {  	s25 =	simm.s32 $0x1B8E;
	s24 =	sld [smem:$0x3FFE];
	[sflag:s23] =	ssyncadd.s32 $0xFFFFFFFF  }
0xab: {  	s26 =	simm.s32 $execute0_lowered;
	[smem:$0x3FD2] =	sst s25  }
0xac: {  	s5 =	sshll.u32 s26, $0x1;
	_ =	strace $0x80000049;
	[dreg:$0x1] =	wrdreg $0xFFFFFFFF  }
0xad: {  	s28 =	simm.s32 $_size_execute0_lowered;
	s3 =	sadd.s32 s3, s5;
	[dreg:$0x0] =	wrdreg $0x0  }
0xae: {  	s5 =	sshll.u32 s28, $0x1;
	[dreg:$0x2] =	wrdreg s3  }
0xaf: {  	[dreg:$0x3] =	wrdreg s5  }
0xb0: {  	[dreg:$0x4] =	wrdreg $0xC0  }
0xb1: {  	_ =	task [dreg:s7], $0x5FFFF  }
0xb2: {  	[dreg:$0x1] =	wrdreg $0xFFFFFFFF  }
0xb3: {  	[dreg:$0x0] =	wrdreg $0x60  }
0xb4: {  	[dreg:$0x2] =	wrdreg s24  }
0xb5: {  	[dreg:$0x3] =	wrdreg s16  }
0xb6: {  	[dreg:$0x4] =	wrdreg $0x0  }
0xb7: {  	[dreg:$0x5] =	wrdreg $0x9  }
0xb8: {  	_ =	task.clear_ibuf [dreg:s7], $0x6FFFF;
	_ =	strace $0x90000049  }
0xb9: {  	s29 =	simm.s32 $0x9;
	_ =	strace $0x8000004B  }
0xba: {  	_ =	swait.ge [sflag:s29], $0x1  }
0xbb: {  	[sflag:s29] =	ssyncadd.s32 $0xFFFFFFFF  }
0xbc: {  	_ =	strace $0x9000004B  }
0xbd: {  	_ =	sfence  }
0xbe: {  	s30 =	sld [smem:$0x0];
	_ =	sdelay $0x2  }
0xbf: {  	s31 =	sshll.u32 s1, $0xD;
	s1 =	sshrl.u32 s1, $0x2  }
0xc0: {  	s3 =	sand.u32 $0x4000, s31;
	s1 =	sadd.s32 s1, s30  }
0xc1: {  	s0 =	sor.u32 s3, s0;
	s1 =	sshll.u32 s1, $0x11  }
0xc2: {  	s0 =	sor.u32 s1, s0  }
0xc3: {  	s0 =	sadd.s32 $0x8F2B, s0  }
0xc4: {  	[sflag:s0] =	ssyncadd.remote.s32 $0x1  }
0xc5: {  	_ =	sfence.sel $0xFFFF  }
0xc6: {  	[dreg:$0x0] =	wrdreg $0xFFFFFFFF;
	(pc) =	sbr.abs _section_cstart, $3  }
0xc7: {  	[dreg:$0x1] =	wrdreg $0xFFFFFFFF  }
0xc8: {  	_ =	task.clear_ibuf [dreg:s7], $0x2FFFF;
	_ =	strace $0x9FFFFFFF  }
0xc9: {  	(tm) =	ssettm $0x7FFFFFFF  }
tec
execute0_lowered:
.L_overlay_start_1:
0x0: {  	(tag) =	ssettag $0x1  }
0x1: {  	s0 =	rddreg [dreg:$0x0]  }
0x2: {  	s1 =	rddreg [dreg:$0x1]  }
0x3: {  	s2 =	rddreg [dreg:$0x2]  }
0x4: {  	s4 =	srdreg.scid;
	s3 =	stileid.u32;
	s7 =	simm.s32 $0x0  }
0x5: {  	s30 =	simm.s32 $0xB0;
	s5 =	sand.u32 $0x1, s4;
	s6 =	smul.u32 $0xEA60, s3  }
0x6: {  	[smem:$0x7FF] =	sst s7;
	s4 =	sadd.s32 $0x6200, s0;
	s9 =	smul.u32 $0x4E20, s3  }
0x7: {  	s29 =	simm.s32 $0x60;
	s8 =	sadd.s32 $0x6BCE00, s0;
	s10 =	smul.u32 $0x35B600, s3  }
0x8: {  	s24 =	sshll.u32 s3, $0x6;
	s18 =	smul.u32 $0x9C4, s3;
	s3 =	simm.s32 $0x0  }
0x9: {  	s21 =	smul.u32 $0xEA600, s5;
	_ =	strace $0x8000004A;
	s22 =	ssub.s32 $0x2, s5  }
0xa: {  	[dreg:$0x4] =	wrdreg s8;
	s5 =	smul.u32 $0x50, s5;
	s23 =	sshrl.u32 s22, $0x1  }
0xb: {  	s11 =	sadd.s32 $0x50, s9;
	s25 =	sshrl.u32 s9, $0x3;
	s7 =	sadd.s32 s6, s21  }
0xc: {  	s8 =	ssub.s32 s22, s23;
	s6 =	sadd.s32 s6, s2;
	s12 =	smul.u32 $0xB0, s11  }
0xd: {  	s9 =	sor.u32 s5, s10;
	s26 =	sadd.s32 s1, s25;
	s31 =	sshrl.u32 s11, $0x3  }
0xe: {  	s10 =	simm.s32 $0x50;
	s7 =	sshrl.u32 s7, $0x3;
	[dreg:$0x5] =	wrdreg s6  }
0xf: {  	s28 =	sshrl.u32 s9, $0x3;
	s11 =	sadd.s32 $0x6E00, s9;
	s13 =	sadd.s32 $0xA500, s9  }
0x10: {  	s14 =	sadd.s32 $0x1E, s26;
	[dreg:$0x7] =	wrdreg s26;
	s16 =	sadd.s32 $0x28, s26  }
0x11: {  	s17 =	sadd.s32 $0xDC00, s9;
	s19 =	sadd.s32 $0x1EF00, s9;
	s22 =	smax.u32 s8, $0x1  }
0x12: {  	s23 =	sadd.s32 $0x1B800, s9;
	s25 =	sadd.s32 $0x14A00, s9;
	[dreg:$0xd] =	wrdreg s14  }
0x13: {  	s0 =	sadd.s32 s7, s0;
	s7 =	sor.u32 $0x1C0B, s24;
	[dreg:$0xf] =	wrdreg s16  }
0x14: {  	s5 =	sor.u32 s5, s12;
	s6 =	sadd.s32 s4, s28;
	[dreg:$0x12] =	wrdreg s22  }
0x15: {  	s12 =	sadd.s32 $0x14, s26;
	s15 =	sshrl.u32 s13, $0x3;
	[dreg:$0x8] =	wrdreg s6  }
0x16: {  	s21 =	sshrl.u32 s19, $0x3;
	s24 =	sadd.s32 $0x18100, s9;
	[dreg:$0xb] =	wrdreg s12  }
0x17: {  	s5 =	sshrl.u32 s5, $0x3;
	s6 =	sadd.s32 s1, s31;
	[dreg:$0x6] =	wrdreg s7  }
0x18: {  	s0 =	sadd.s32 $0x6BEC00, s0;
	s31 =	sadd.s32 $0x11300, s9;
	[dreg:$0x9] =	wrdreg s6  }
0x19: {  	s9 =	simm.s32 $0x1;
	s12 =	simm.s32 $0x5;
	[dreg:$0x11] =	wrdreg s0  }
0x1a: {  	s5 =	sadd.s32 s4, s5;
	s0 =	sadd.s32 s21, s4;
	[dreg:$0x17] =	wrdreg s31  }
0x1b: {  	s6 =	simm.s32 $0x16260;
	[dreg:$0xa] =	wrdreg s5;
	s5 =	sshrl.u32 s11, $0x3  }
0x1c: {  	[dreg:$0x13] =	wrdreg s0;
	s0 =	sshrl.u32 s23, $0x3;
	s5 =	sadd.s32 s4, s5  }
0x1d: {  	s11 =	simm.s32 $0x3;
	[dreg:$0xc] =	wrdreg s5;
	s5 =	sadd.s32 s4, s15  }
0x1e: {  	s0 =	sadd.s32 s0, s4;
	[dreg:$0xe] =	wrdreg s5;
	s5 =	sshrl.u32 s17, $0x3  }
.Ltmp0:
0x1f: {  	[dreg:$0x14] =	wrdreg s0;
	s20 =	sadd.s32 s4, s5;
	(pc) =	sbr.rel .LBB2_1-.Ltmp0, $4  }
0x20: {  	s17 =	simm.s32 $0xA;
	s5 =	sshrl.u32 s25, $0x3;
	[dreg:$0x10] =	wrdreg s20  }
0x21: {  	s20 =	sadd.s32 s18, s1;
	s1 =	sshrl.u32 s24, $0x3;
	s28 =	sadd.s32 s5, s4  }
0x22: {  	s5 =	simm.s32 $0x181A0;
	s26 =	sadd.s32 s1, s4;
	[dreg:$0x16] =	wrdreg s28  }
0x23: {  	s1 =	simm.s32 $0x12660;
	[dreg:$0x15] =	wrdreg s26;
	s26 =	simm.s32 $0xB  }
.LBB2_4:
0x24: {  	s0 =	simm.s32 $0x6  }
0x25: {  	_ =	swait.ge [sflag:s0], $0x1E00  }
0x26: {  	[sflag:s0] =	ssyncset.done $0x0  }
0x27: {  	s22 =	simm.s32 $0x7;
	[sflag:s0] =	ssyncadd.s32 $0xFFFFE200  }
0x28: {  	_ =	swait.ge [sflag:s22], $0x1E00  }
0x29: {  	[sflag:s22] =	ssyncset.done $0x0  }
0x2a: {  	s23 =	simm.s32 $0x8;
	[sflag:s22] =	ssyncadd.s32 $0xFFFFE200  }
0x2b: {  	_ =	swait.ge [sflag:s23], $0x1E00  }
0x2c: {  	[sflag:s23] =	ssyncset.done $0x0  }
0x2d: {  	s24 =	simm.s32 $0x9;
	[sflag:s23] =	ssyncadd.s32 $0xFFFFE200  }
0x2e: {  	_ =	swait.ge [sflag:s24], $0x1E00  }
0x2f: {  	[sflag:s24] =	ssyncset.done $0x0  }
0x30: {  	[sflag:s24] =	ssyncadd.s32 $0xFFFFE200  }
0x31: {  	_ =	swait.ge [sflag:s17], $0x1E00  }
0x32: {  	[sflag:s17] =	ssyncset.done $0x0  }
0x33: {  	[sflag:s17] =	ssyncadd.s32 $0xFFFFE200  }
0x34: {  	[bflag:$0x0] =	sbarrier.arrive $0xFFFF  }
0x35: {  	s7 =	rddreg [dreg:$0x6]  }
0x36: {  	s25 =	rddreg [dreg:$0x11]  }
0x37: {  	s3 =	rddreg [dreg:$0x19]  }
0x38: {  	[hbm:s25], [sflag:s7] =	dma.local [spmem:s3], $0x1D4C  }
0x39: {  	_ =	swait.ge [sflag:s26], $0x1D4C  }
0x3a: {  	s28 =	rddreg [dreg:$0x18]  }
0x3b: {  	s31 =	rddreg [dreg:$0x12];
	s3 =	sadd.s32 $0x1, s28  }
0x3c: {  	p0 =	sne.s32 s3, s31  }
.Ltmp1:
0x3d: {  	_ = 	snop;
	(pc) =	sbr.rel @!p0 .LBB2_5-.Ltmp1, $3  }
0x3e: {  	_ =	sdelay $0x1  }
0x3f: {  	[sflag:s26] =	ssyncset.done $0x0  }
0x40: {  	[sflag:s26] =	ssyncadd.s32 $0xFFFFE2B4  }
.LBB2_1:
0x41: {  	[dreg:$0x18] =	wrdreg s3  }
0x42: {  	s0 =	rddreg [dreg:$0x5]  }
0x43: {  	s25 =	rddreg [dreg:$0x4];
	s24 =	sshrl.u32 s0, $0x3  }
0x44: {  	[dreg:$0x19] =	wrdreg s24  }
0x45: {  	[spmem:s24], [sflag:s7] =	dma.local [hbm:s25], $0x1D4C  }
0x46: {  	_ =	swait.ge [sflag:s26], $0x1D4C  }
0x47: {  	[sflag:s26] =	ssyncset.done $0x0  }
0x48: {  	[sflag:s26] =	ssyncadd.s32 $0xFFFFE2B4  }
0x49: {  	[bflag:$0x0] =	sbarrier.arrive $0xFFFF  }
0x4a: {  	s3 =	simm.s32 $0x0;
	s31 =	simm.s32 $0x18060;
	s28 =	rddreg [dreg:$0x7]  }
0x4b: {  	[tilespmem:s31], [sflag:$0xB] =	stream.linear.gather [hbm4b:s28+s3], $0x50, $0x38;
	[tilespmem:$0x181F0] =	vst v63  }
0x4c: {  	_ =	swait.ge [sflag:s26], $0x50  }
0x4d: {  	[sflag:s26] =	ssyncset.done $0x0  }
0x4e: {  	s8 =	simm.s32 $0xEA60;
	s7 =	rddreg [dreg:$0x8];
	[sflag:s26] =	ssyncadd.s32 $0xFFFFFFB0  }
0x4f: {  	[tilespmem:s8], [sflag:$0x1] =	stream.strided.gather [hbm4b:s7+s29], $0x1E00, s30, s29, $0x38;
	[tilespmem:$0x181F0] =	vst v63  }
0x50: {  	s14 =	simm.s32 $0x180B0;
	s13 =	rddreg [dreg:$0x9]  }
0x51: {  	[tilespmem:s14], [sflag:$0xB] =	stream.linear.gather [hbm4b:s13+s3], $0x50, $0x38;
	[tilespmem:$0x181F0] =	vst v63  }
0x52: {  	_ =	swait.ge [sflag:s26], $0x50  }
0x53: {  	[sflag:s26] =	ssyncset.done $0x0  }
0x54: {  	s16 =	simm.s32 $0x10860;
	s15 =	rddreg [dreg:$0xa];
	[sflag:s26] =	ssyncadd.s32 $0xFFFFFFB0  }
0x55: {  	[tilespmem:s16], [sflag:$0x2] =	stream.strided.gather [hbm4b:s15+s29], $0x1E00, s30, s29, $0x38;
	[tilespmem:$0x181F0] =	vst v63  }
0x56: {  	s19 =	simm.s32 $0x18100;
	s18 =	rddreg [dreg:$0xb]  }
0x57: {  	[tilespmem:s19], [sflag:$0xB] =	stream.linear.gather [hbm4b:s18+s3], $0x50, $0x38;
	[tilespmem:$0x181F0] =	vst v63  }
0x58: {  	_ =	swait.ge [sflag:s26], $0x50  }
0x59: {  	[sflag:s26] =	ssyncset.done $0x0  }
0x5a: {  	s21 =	rddreg [dreg:$0xc];
	[sflag:s26] =	ssyncadd.s32 $0xFFFFFFB0  }
0x5b: {  	[tilespmem:s1], [sflag:$0x3] =	stream.strided.gather [hbm4b:s21+s29], $0x1E00, s30, s29, $0x38;
	[tilespmem:$0x181F0] =	vst v63  }
0x5c: {  	s23 =	simm.s32 $0x18150;
	s22 =	rddreg [dreg:$0xd]  }
0x5d: {  	[tilespmem:s23], [sflag:$0xB] =	stream.linear.gather [hbm4b:s22+s3], $0x50, $0x38;
	[tilespmem:$0x181F0] =	vst v63  }
0x5e: {  	_ =	swait.ge [sflag:s26], $0x50  }
0x5f: {  	[sflag:s26] =	ssyncset.done $0x0  }
0x60: {  	s25 =	simm.s32 $0x14460;
	s24 =	rddreg [dreg:$0xe];
	[sflag:s26] =	ssyncadd.s32 $0xFFFFFFB0  }
0x61: {  	[tilespmem:s25], [sflag:$0x4] =	stream.strided.gather [hbm4b:s24+s29], $0x1E00, s30, s29, $0x38;
	[tilespmem:$0x181F0] =	vst v63  }
0x62: {  	s28 =	rddreg [dreg:$0xf]  }
0x63: {  	[tilespmem:s5], [sflag:$0xB] =	stream.linear.gather [hbm4b:s28+s3], $0x50, $0x38;
	[tilespmem:$0x181F0] =	vst v63  }
0x64: {  	_ =	swait.ge [sflag:s26], $0x50  }
0x65: {  	s31 =	rddreg [dreg:$0x10]  }
0x66: {  	s25 =	rddreg [dreg:$0x17]  }
0x67: {  	s24 =	rddreg [dreg:$0x16]  }
0x68: {  	s23 =	rddreg [dreg:$0x15]  }
0x69: {  	s0 =	simm.s32 $0x0;
	[sflag:s26] =	ssyncset.done $0x0;
	s22 =	rddreg [dreg:$0x14]  }
0x6a: {  	s19 =	simm.s32 $0x0;
	s21 =	rddreg [dreg:$0x13];
	[sflag:s26] =	ssyncadd.s32 $0xFFFFFFB0  }
0x6b: {  	[tilespmem:s6], [sflag:$0x5] =	stream.strided.gather [hbm4b:s31+s29], $0x1E00, s30, s29, $0x38;
	[tilespmem:$0x181F0] =	vst v63  }
.LBB2_2:
0x6c: {  	_ =	swait.ge [sflag:s9], $0x1E00  }
0x6d: {  	s3 =	simm.s32 $0x18060;
	p0 =	seq.s32 s19, $0x992;
	[sflag:s9] =	ssyncset.done $0x0  }
0x6e: {  	s7 =	simm.s32 $0xEA60;
	s13 =	simm.s32 @p0 $0x2;
	[sflag:s9] =	ssyncadd.s32 $0xFFFFE200  }
0x6f: {  	[spmem:s2] =	stream.indirect.scatter.add.f32 [tilespmem:s7], [sflag:$0x6], $0x60, s3, s10, $0xb8;
	[tilespmem:$0x181F0] =	vst v63  }
0x70: {  	_ =	swait.ge @p0 [sflag:s13], $0x1E00  }
0x71: {  	s16 =	simm.s32 @p0 $0x50;
	[sflag:s13] =	ssyncset.done @p0 $0x0  }
0x72: {  	s14 =	simm.s32 @p0 $0x10860;
	[sflag:s13] =	ssyncadd.s32 @p0 $0xFFFFE200;
	s13 =	simm.s32 @p0 $0x180B0  }
0x73: {  	[spmem:s2] =	stream.indirect.scatter.add.f32 @p0 [tilespmem:s14], [sflag:$0x7], $0x60, s13, s16, $0xb8;
	[tilespmem:$0x181F0] =	vst v63  }
0x74: {  	s13 =	simm.s32 @!p0 $0x6  }
0x75: {  	_ =	swait.ge @!p0 [sflag:s13], $0x1E00  }
0x76: {  	[sflag:s13] =	ssyncset.done @!p0 $0x0  }
0x77: {  	[sflag:s13] =	ssyncadd.s32 @!p0 $0xFFFFE200;
	s13 =	sadd.s32 @!p0 s19, s20  }
0x78: {  	s7 =	simm.s32 @!p0 $0x18060;
	s14 =	simm.s32 @!p0 $0x0;
	s15 =	sadd.s32 @!p0 $0x32, s13  }
0x79: {  	[tilespmem:s7], [sflag:$0xB] =	stream.linear.gather @!p0 [hbm4b:s15+s14], $0x50, $0x38;
	[tilespmem:$0x181F0] =	vst v63  }
0x7a: {  	s15 =	simm.s32 @!p0 $0xB  }
0x7b: {  	s18 =	simm.s32 @!p0 $0x60;
	_ =	swait.ge @!p0 [sflag:s15], $0x50  }
0x7c: {  	s8 =	simm.s32 @!p0 $0xB0;
	s7 =	sshrl.u32 @!p0 s25, $0x3;
	[sflag:s15] =	ssyncset.done @!p0 $0x0  }
0x7d: {  	s3 =	simm.s32 @!p0 $0xEA60;
	s7 =	sadd.s32 @!p0 s4, s7;
	[sflag:s15] =	ssyncadd.s32 @!p0 $0xFFFFFFB0  }
0x7e: {  	[tilespmem:s3], [sflag:$0x1] =	stream.strided.gather @!p0 [hbm4b:s7+s18], $0x1E00, s8, s18, $0x38;
	[tilespmem:$0x181F0] =	vst v63  }
0x7f: {  	s3 =	simm.s32 @!p0 $0x2  }
0x80: {  	_ =	swait.ge @!p0 [sflag:s3], $0x1E00  }
0x81: {  	s28 =	simm.s32 @!p0 $0x10860;
	s31 =	simm.s32 @!p0 $0x7;
	[sflag:s3] =	ssyncset.done @!p0 $0x0  }
0x82: {  	s7 =	simm.s32 @!p0 $0x180B0;
	[sflag:s3] =	ssyncadd.s32 @!p0 $0xFFFFE200;
	s3 =	simm.s32 @!p0 $0x50  }
0x83: {  	[spmem:s2] =	stream.indirect.scatter.add.f32 @!p0 [tilespmem:s28], [sflag:$0x7], $0x60, s7, s3, $0xb8;
	[tilespmem:$0x181F0] =	vst v63  }
0x84: {  	_ =	swait.ge @!p0 [sflag:s31], $0x1E00  }
0x85: {  	[sflag:s31] =	ssyncset.done @!p0 $0x0  }
0x86: {  	[sflag:s31] =	ssyncadd.s32 @!p0 $0xFFFFE200;
	s31 =	sadd.s32 @!p0 $0x3C, s13  }
0x87: {  	[tilespmem:s7], [sflag:$0xB] =	stream.linear.gather @!p0 [hbm4b:s31+s14], $0x50, $0x38;
	[tilespmem:$0x181F0] =	vst v63  }
0x88: {  	_ =	swait.ge @!p0 [sflag:s15], $0x50  }
0x89: {  	[sflag:s15] =	ssyncset.done @!p0 $0x0  }
0x8a: {  	[sflag:s15] =	ssyncadd.s32 @!p0 $0xFFFFFFB0  }
0x8b: {  	[tilespmem:s28], [sflag:$0x2] =	stream.strided.gather @!p0 [hbm4b:s24+s18], $0x1E00, s8, s18, $0x38;
	[tilespmem:$0x181F0] =	vst v63  }
0x8c: {  	_ =	swait.ge [sflag:s11], $0x1E00  }
0x8d: {  	[sflag:s11] =	ssyncset.done $0x0  }
0x8e: {  	s31 =	simm.s32 $0x18100;
	s7 =	simm.s32 @p0 $0x4;
	[sflag:s11] =	ssyncadd.s32 $0xFFFFE200  }
0x8f: {  	[spmem:s2] =	stream.indirect.scatter.add.f32 [tilespmem:s1], [sflag:$0x8], $0x60, s31, s10, $0xb8;
	[tilespmem:$0x181F0] =	vst v63  }
0x90: {  	_ =	swait.ge @p0 [sflag:s7], $0x1E00  }
0x91: {  	[sflag:s7] =	ssyncset.done @p0 $0x0  }
0x92: {  	s28 =	simm.s32 @p0 $0x14460;
	[sflag:s7] =	ssyncadd.s32 @p0 $0xFFFFE200;
	s7 =	simm.s32 @p0 $0x18150  }
0x93: {  	[spmem:s2] =	stream.indirect.scatter.add.f32 @p0 [tilespmem:s28], [sflag:$0x9], $0x60, s7, s16, $0xb8;
	[tilespmem:$0x181F0] =	vst v63  }
0x94: {  	s7 =	simm.s32 @!p0 $0x8  }
0x95: {  	_ =	swait.ge @!p0 [sflag:s7], $0x1E00  }
0x96: {  	[sflag:s7] =	ssyncset.done @!p0 $0x0  }
0x97: {  	s16 =	simm.s32 @!p0 $0x18100;
	[sflag:s7] =	ssyncadd.s32 @!p0 $0xFFFFE200;
	s7 =	sadd.s32 @!p0 $0x46, s13  }
0x98: {  	[tilespmem:s16], [sflag:$0xB] =	stream.linear.gather @!p0 [hbm4b:s7+s14], $0x50, $0x38;
	[tilespmem:$0x181F0] =	vst v63  }
0x99: {  	_ =	swait.ge @!p0 [sflag:s15], $0x50  }
0x9a: {  	[sflag:s15] =	ssyncset.done @!p0 $0x0  }
0x9b: {  	s7 =	simm.s32 @!p0 $0x12660;
	[sflag:s15] =	ssyncadd.s32 @!p0 $0xFFFFFFB0  }
0x9c: {  	[tilespmem:s7], [sflag:$0x3] =	stream.strided.gather @!p0 [hbm4b:s23+s18], $0x1E00, s8, s18, $0x38;
	[tilespmem:$0x181F0] =	vst v63  }
0x9d: {  	s7 =	simm.s32 @!p0 $0x4  }
0x9e: {  	_ =	swait.ge @!p0 [sflag:s7], $0x1E00  }
0x9f: {  	[sflag:s7] =	ssyncset.done @!p0 $0x0  }
0xa0: {  	s16 =	simm.s32 @!p0 $0x14460;
	[sflag:s7] =	ssyncadd.s32 @!p0 $0xFFFFE200;
	s7 =	simm.s32 @!p0 $0x18150  }
0xa1: {  	[spmem:s2] =	stream.indirect.scatter.add.f32 @!p0 [tilespmem:s16], [sflag:$0x9], $0x60, s7, s3, $0xb8;
	[tilespmem:$0x181F0] =	vst v63  }
0xa2: {  	s3 =	simm.s32 @!p0 $0x9  }
0xa3: {  	_ =	swait.ge @!p0 [sflag:s3], $0x1E00  }
0xa4: {  	[sflag:s3] =	ssyncset.done @!p0 $0x0  }
0xa5: {  	[sflag:s3] =	ssyncadd.s32 @!p0 $0xFFFFE200;
	s3 =	sadd.s32 @!p0 $0x50, s13  }
0xa6: {  	[tilespmem:s7], [sflag:$0xB] =	stream.linear.gather @!p0 [hbm4b:s3+s14], $0x50, $0x38;
	[tilespmem:$0x181F0] =	vst v63  }
0xa7: {  	_ =	swait.ge @!p0 [sflag:s15], $0x50  }
0xa8: {  	[sflag:s15] =	ssyncset.done @!p0 $0x0  }
0xa9: {  	[sflag:s15] =	ssyncadd.s32 @!p0 $0xFFFFFFB0  }
0xaa: {  	[tilespmem:s16], [sflag:$0x4] =	stream.strided.gather @!p0 [hbm4b:s22+s18], $0x1E00, s8, s18, $0x38;
	[tilespmem:$0x181F0] =	vst v63  }
.Ltmp2:
0xab: {  	_ = 	snop;
	(pc) =	sbr.rel @p0 .LBB2_4-.Ltmp2, $4  }
0xac: {  	_ =	swait.ge [sflag:s12], $0x1E00  }
0xad: {  	[sflag:s12] =	ssyncset.done $0x0  }
0xae: {  	[sflag:s12] =	ssyncadd.s32 $0xFFFFE200  }
0xaf: {  	[spmem:s2] =	stream.indirect.scatter.add.f32 [tilespmem:s6], [sflag:$0xA], $0x60, s5, s10, $0xb8;
	[tilespmem:$0x181F0] =	vst v63  }
0xb0: {  	_ =	swait.ge [sflag:s17], $0x1E00  }
0xb1: {  	s3 =	sadd.s32 s19, s20;
	[sflag:s17] =	ssyncset.done $0x0  }
0xb2: {  	s3 =	sadd.s32 $0x5A, s3;
	[sflag:s17] =	ssyncadd.s32 $0xFFFFE200  }
0xb3: {  	[tilespmem:s5], [sflag:$0xB] =	stream.linear.gather [hbm4b:s3+s0], $0x50, $0x38;
	[tilespmem:$0x181F0] =	vst v63  }
.Ltmp3:
0xb4: {  	_ =	swait.ge [sflag:s26], $0x50;
	(pc) =	sbr.rel .LBB2_2-.Ltmp3, $4  }
0xb5: {  	s19 =	sadd.s32 $0x32, s19;
	[sflag:s26] =	ssyncset.done $0x0  }
0xb6: {  	s22 =	sadd.s32 $0x2260, s22;
	s23 =	sadd.s32 $0x2260, s23;
	[sflag:s26] =	ssyncadd.s32 $0xFFFFFFB0  }
0xb7: {  	[tilespmem:s6], [sflag:$0x5] =	stream.strided.gather [hbm4b:s21+s29], $0x1E00, s30, s29, $0x38;
	[tilespmem:$0x181F0] =	vst v63  }
0xb8: {  	s24 =	sadd.s32 $0x2260, s24;
	s25 =	sadd.s32 $0x11300, s25;
	s21 =	sadd.s32 $0x2260, s21  }
.LBB2_5:
0xb9: {  	_ =	sfence.sel $0x180000  }
0xba: {  	[bflag:$0x0] =	sbarrier.arrive $0xFFFF  }
0xbb: {  	_ =	strace $0x9000004A  }
0xbc: {  	s0 =	stileid.u32;
	[bflag:$0x2] =	sbarrier.arrive $0xFFFF  }
0xbd: {  	p0 =	sne.s32 s0, $0x0;
	s0 =	rddreg [dreg:$0x3]  }
0xbe: {  	s0 =	sadd.s32 @!p0 $0x100000, s0  }
0xbf: {  	[sflag:s0] =	ssyncadd.tile.s32 @!p0 $0x1;
	_ =	shalt  }
.Lfunc_end2:
_tile_overlayer_lowered:
.L_overlay_start_2:
0xc0: {  	(tag) =	ssettag $0x2  }
0xc1: {  	s0 =	rddreg [dreg:$0x0];
	s2 =	stileid.u32  }
0xc2: {  	s1 =	rddreg [dreg:$0x1];
	p0 =	sne.s32 s2, $0x0  }
0xc3: {  	s3 =	rddreg [dreg:$0x2];
	[bflag:$0x3] =	sbarrier.arrive $0xFFFF;
	s2 =	simm.s32 @!p0 $0x1C0B  }
0xc4: {  	[timem:s3], [sflag:s2] =	dma.local @!p0 [hbm:s0], s1  }
0xc5: {  	s0 =	simm.s32 @!p0 $0xB  }
0xc6: {  	_ =	swait.ge @!p0 [sflag:s0], s1  }
0xc7: {  	s1 =	ssub.s32 @!p0 $0x0, s1;
	[sflag:s0] =	ssyncset.done @!p0 $0x0  }
0xc8: {  	[sflag:s0] =	ssyncadd.s32 @!p0 s1  }
0xc9: {  	[bflag:$0x3] =	sbarrier.arrive $0xFFFF  }
0xca: {  	_ =	shalt  }

// kernel: kernel.7.cloned.1.call-start
scs
__scs_entry_jumppad:
0x0: {  	(pc) =	sbr.rel $0x88, $3  }
0x1: {  	(tag) =	ssettag $0x0;
	lr =	simm.s32 $0x1  }
0x2: {  	[smem:$0x3F8B] =	sst lr;
	_ =	strace $0xD0000000  }
0x3: {  	_ = 	snop  }
0x4: {  	_ = 	snop  }
0x5: {  	_ = 	snop  }
0x6: {  	_ = 	snop  }
0x7: {  	_ = 	snop  }
__scs_overlays_trampoline_lowered:
0x8: {  	[smem:$0x3F9A] =	sst s0  }
0x9: {  	[smem:$0x3F9B] =	sst s1  }
0xa: {  	[smem:$0x3F9C] =	sst s2  }
0xb: {  	[smem:$0x3F9D] =	sst s3  }
0xc: {  	[smem:$0x3F9E] =	sst s4  }
0xd: {  	[smem:$0x3F9F] =	sst s5  }
0xe: {  	[smem:$0x3FA0] =	sst s6  }
0xf: {  	[smem:$0x3FA1] =	sst s7  }
0x10: {  	[smem:$0x3FA2] =	sst s8  }
0x11: {  	[smem:$0x3FA3] =	sst s9;
	s0 =	simm.s32 @!p0 $0x0  }
0x12: {  	s1 =	sld [smem:$0x3F89];
	s0 =	simm.s32 @p0 $0x1  }
0x13: {  	[smem:$0x3FA4] =	sst s0;
	s0 =	simm.s32 @!p1 $0x0  }
0x14: {  	s2 =	sld [smem:$0x3F88];
	s0 =	simm.s32 @p1 $0x1  }
0x15: {  	[smem:$0x3FA5] =	sst s0;
	s0 =	simm.s32 @!p2 $0x0  }
0x16: {  	s3 =	sld [smem:$0x3FDB];
	s0 =	simm.s32 @p2 $0x1  }
0x17: {  	s4 =	simm.s32 $0x1BF5;
	[smem:$0x3FA7] =	sst s0  }
0x18: {  	s0 =	sld [smem:$0x3F8A];
	_ =	swait.ge [sflag:s4], $0x0  }
0x19: {  	s7 =	sld [smem:$0x3F8B]  }
0x1a: {  	s8 =	sadd.s32 $0xFFFFE003, lr  }
0x1b: {  	s9 =	sadd.s32 $0xFFFFFEF7, lr;
	s5 =	simm.s32 $0xFFFFFFFF;
	p2 =	slt.u32 s8, $0xFFFFF086  }
0x1c: {  	p1 =	slt.u32 s9, $0xF7A;
	s5 =	simm.s32 @!p2 $0x0  }
0x1d: {  	s5 =	simm.s32 @p1 $0x1;
	p0 =	seq.s32 s7, s2  }
0x1e: {  	s7 =	smul.u32 @!p0 $0xF7A, s2;
	p2 =	seq.s32 @!p0 s5, $0x0  }
0x1f: {  	s9 =	smul.u32 $0xF7A, s1;
	s8 =	simm.s32 @!p0 $0x1BF5;
	p2 =	por !p2, p0  }
0x20: {  	[sflag:s8] =	ssyncset.s32 @!p0 $0xFFFFF086;
	s6 =	sadd.s32 @!p0 s3, s7;
	s7 =	simm.s32 @!p0 $0x108  }
0x21: {  	s3 =	sadd.s32 s3, s9;
	s6 =	sadd.s32 @!p0 $0x88, s6;
	s7 =	simm.s32 @p2 $0x1082  }
0x22: {  	[simem:s7], [sflag:s8] =	dma.local @!p0 [hbm:s6], $0xF7A  }
0x23: {  	s9 =	sor.u32 $0xD0000000, s2;
	s6 =	simm.s32 $0x108;
	_ =	swait.ge @!p0 [sflag:s8], $0x0  }
0x24: {  	s3 =	sadd.s32 $0x88, s3;
	s6 =	simm.s32 @!p1 $0x1082;
	[sflag:s4] =	ssyncset.s32 $0xFFFFF086  }
0x25: {  	[simem:s6], [sflag:s4] =	dma.local [hbm:s3], $0xF7A  }
0x26: {  	[smem:$0x3F8B] =	sst s1;
	(tag) =	ssettag s2;
	_ =	strace s9  }
0x27: {  	s1 =	sld [smem:$0x3F9B]  }
0x28: {  	s2 =	sld [smem:$0x3F9C]  }
0x29: {  	s4 =	sld [smem:$0x3F9E]  }
0x2a: {  	p0 =	seq.s32 s5, $0x0;
	s5 =	sld [smem:$0x3F9F]  }
0x2b: {  	s6 =	sld [smem:$0x3FA0]  }
0x2c: {  	s7 =	sld [smem:$0x3FA1]  }
0x2d: {  	s3 =	simm.s32 $0x108;
	s8 =	sld [smem:$0x3FA2]  }
0x2e: {  	s3 =	simm.s32 @!p0 $0x1082;
	s9 =	sld [smem:$0x3FA3]  }
0x2f: {  	lr =	sadd.s32 s0, s3;
	s0 =	sld [smem:$0x3F9A]  }
0x30: {  	s3 =	sld [smem:$0x3F9D]  }
0x31: {  	[smem:$0x3FA6] =	sst s10  }
0x32: {  	s10 =	sld [smem:$0x3FA4];
	_ =	sdelay $0x3  }
0x33: {  	p0 =	seq.s32 s10, $0x1;
	s10 =	sld [smem:$0x3FA6];
	_ =	sdelay $0x3  }
0x34: {  	[smem:$0x3FA6] =	sst s10  }
0x35: {  	s10 =	sld [smem:$0x3FA5];
	_ =	sdelay $0x3  }
0x36: {  	p1 =	seq.s32 s10, $0x1;
	s10 =	sld [smem:$0x3FA6];
	_ =	sdelay $0x3  }
0x37: {  	[smem:$0x3FA6] =	sst s10  }
0x38: {  	s10 =	sld [smem:$0x3FA7]  }
0x39: {  	_ = 	snop;
	(pc) =	sbr.ind lr, $3  }
0x3a: {  	_ = 	snop  }
0x3b: {  	_ = 	snop  }
0x3c: {  	p2 =	seq.s32 s10, $0x1;
	s10 =	sld [smem:$0x3FA6]  }
0x3d: {  	_ =	shalt  }
0x3e: {  	_ =	shalt  }
0x3f: {  	_ =	shalt  }
0x40: {  	_ =	shalt  }
0x41: {  	_ =	shalt  }
0x42: {  	_ =	shalt  }
0x43: {  	_ =	shalt  }
0x44: {  	_ =	shalt  }
0x45: {  	_ =	shalt  }
0x46: {  	_ =	shalt  }
0x47: {  	_ =	shalt  }
0x48: {  	_ =	shalt  }
0x49: {  	_ =	shalt  }
0x4a: {  	_ =	shalt  }
0x4b: {  	_ =	shalt  }
0x4c: {  	_ =	shalt  }
0x4d: {  	_ =	shalt  }
0x4e: {  	_ =	shalt  }
0x4f: {  	_ =	shalt  }
0x50: {  	_ =	shalt  }
0x51: {  	_ =	shalt  }
0x52: {  	_ =	shalt  }
0x53: {  	_ =	shalt  }
0x54: {  	_ =	shalt  }
0x55: {  	_ =	shalt  }
0x56: {  	_ =	shalt  }
0x57: {  	_ =	shalt  }
0x58: {  	_ =	shalt  }
0x59: {  	_ =	shalt  }
0x5a: {  	_ =	shalt  }
0x5b: {  	_ =	shalt  }
0x5c: {  	_ =	shalt  }
0x5d: {  	_ =	shalt  }
0x5e: {  	_ =	shalt  }
0x5f: {  	_ =	shalt  }
0x60: {  	_ =	shalt  }
0x61: {  	_ =	shalt  }
0x62: {  	_ =	shalt  }
0x63: {  	_ =	shalt  }
0x64: {  	_ =	shalt  }
0x65: {  	_ =	shalt  }
0x66: {  	_ =	shalt  }
0x67: {  	_ =	shalt  }
0x68: {  	_ =	shalt  }
0x69: {  	_ =	shalt  }
0x6a: {  	_ =	shalt  }
0x6b: {  	_ =	shalt  }
0x6c: {  	_ =	shalt  }
0x6d: {  	_ =	shalt  }
0x6e: {  	_ =	shalt  }
0x6f: {  	_ =	shalt  }
0x70: {  	_ =	shalt  }
0x71: {  	_ =	shalt  }
0x72: {  	_ =	shalt  }
0x73: {  	_ =	shalt  }
0x74: {  	_ =	shalt  }
0x75: {  	_ =	shalt  }
0x76: {  	_ =	shalt  }
0x77: {  	_ =	shalt  }
0x78: {  	_ =	shalt  }
0x79: {  	_ =	shalt  }
0x7a: {  	_ =	shalt  }
0x7b: {  	_ =	shalt  }
0x7c: {  	_ =	shalt  }
0x7d: {  	_ =	shalt  }
0x7e: {  	_ =	shalt  }
0x7f: {  	_ =	shalt  }
0x80: {  	_ =	shalt  }
0x81: {  	_ =	shalt  }
0x82: {  	_ =	shalt  }
0x83: {  	_ =	shalt  }
0x84: {  	_ =	shalt  }
0x85: {  	_ =	shalt  }
0x86: {  	_ =	shalt  }
0x87: {  	_ =	shalt  }
.Lfunc_end0:
.L_simem_size_0:
called_computation_lowered:
.L_overlay_start_0:
0x88: {  	s2 =	sld [smem:$0x3FD9]  }
0x89: {  	s3 =	sld [smem:$0x3FFE];
	_ =	sdelay $0x1  }
0x8a: {  	s1 =	srdreg.scid  }
0x8b: {  	s0 =	sand.u32 $0x1, s1  }
0x8c: {  	s14 =	sshll.u32 s0, $0xA;
	s2 =	sadd.s32 s3, s2  }
0x8d: {  	s2 =	sadd.s32 s2, s14  }
0x8e: {  	[smem:$0x3FB2] =	sst s2  }
0x8f: {  	_ = 	snop  }
0x90: {  	s2 =	sld [smem:$0x3FD0];
	_ =	sdelay $0x2  }
0x91: {  	s15 =	simm.s32 $0xA;
	s4 =	simm.s32 $0x10  }
0x92: {  	[smem:s4], [sflag:s15] =	dma.local [hbm:s2], $0x1  }
0x93: {  	_ =	swait.eq [sflag:s15], $0x1  }
0x94: {  	[sflag:s15] =	ssyncset.done $0x0  }
0x95: {  	[sflag:s15] =	ssyncadd.s32 $0xFFFFFFFF  }
0x96: {  	s16 =	sld [smem:$0x11];
	(tm) =	ssettm $0x1  }
0x97: {  	s17 =	sld [smem:$0x3FFB];
	_ =	sdelay $0x3  }
0x98: {  	_ =	strace s17  }
0x99: {  	s3 =	sld [smem:$0x3FFC];
	_ =	sdelay $0x3  }
0x9a: {  	_ =	strace s3  }
0x9b: {  	s3 =	sld [smem:$0x3FFD];
	_ =	sdelay $0x3  }
0x9c: {  	_ =	strace s3  }
0x9d: {  	_ =	strace $0x8FFFFFFF  }
0x9e: {  	s18 =	sld [smem:$0x3FDB];
	_ =	sdelay $0x1  }
0x9f: {  	s19 =	simm.s32 $_scs_section_size  }
0xa0: {  	s5 =	simm.s32 $_size__tile_overlayer_lowered;
	s6 =	simm.s32 $_tile_overlayer_lowered  }
0xa1: {  	s22 =	simm.s32 $0x1BFF;
	s21 =	sshll.u32 s6, $0x1;
	s3 =	sadd.s32 s19, s18  }
0xa2: {  	s7 =	simm.s32 $0x0;
	s20 =	sshll.u32 s5, $0x1;
	s5 =	sadd.s32 s21, s3  }
0xa3: {  	[timem:s7], [sflag:s22] =	dma.local [hbm:s5], s20  }
0xa4: {  	_ =	swait.ge [sflag:s22], s20  }
0xa5: {  	s4 =	ssub.s32 $0x0, s20;
	[sflag:s22] =	ssyncset.done $0x0  }
0xa6: {  	[sflag:s22] =	ssyncadd.s32 s4;
	_ =	sdelay $0x1  }
0xa7: {  	s23 =	simm.s32 $0x1B8B  }
0xa8: {  	_ =	swait.ge [sflag:s23], $0x1  }
0xa9: {  	[sflag:s23] =	ssyncset.done $0x0  }
0xaa: {  	s25 =	simm.s32 $0x1B8E;
	s24 =	sld [smem:$0x3FFE];
	[sflag:s23] =	ssyncadd.s32 $0xFFFFFFFF  }
0xab: {  	s26 =	simm.s32 $execute0_lowered;
	[smem:$0x3FD2] =	sst s25  }
0xac: {  	s5 =	sshll.u32 s26, $0x1;
	_ =	strace $0x80000046;
	[dreg:$0x1] =	wrdreg $0xFFFFFFFF  }
0xad: {  	s28 =	simm.s32 $_size_execute0_lowered;
	s3 =	sadd.s32 s3, s5;
	[dreg:$0x0] =	wrdreg $0x0  }
0xae: {  	s5 =	sshll.u32 s28, $0x1;
	[dreg:$0x2] =	wrdreg s3  }
0xaf: {  	[dreg:$0x3] =	wrdreg s5  }
0xb0: {  	[dreg:$0x4] =	wrdreg $0xC0  }
0xb1: {  	_ =	task [dreg:s7], $0x5FFFF  }
0xb2: {  	[dreg:$0x1] =	wrdreg $0xFFFFFFFF  }
0xb3: {  	[dreg:$0x0] =	wrdreg $0x60  }
0xb4: {  	[dreg:$0x2] =	wrdreg s24  }
0xb5: {  	[dreg:$0x3] =	wrdreg s16  }
0xb6: {  	[dreg:$0x4] =	wrdreg $0x9  }
0xb7: {  	_ =	task.clear_ibuf [dreg:s7], $0x5FFFF;
	_ =	strace $0x90000046  }
0xb8: {  	s29 =	simm.s32 $0x9;
	_ =	strace $0x80000048  }
0xb9: {  	_ =	swait.ge [sflag:s29], $0x1  }
0xba: {  	[sflag:s29] =	ssyncadd.s32 $0xFFFFFFFF  }
0xbb: {  	_ =	strace $0x90000048  }
0xbc: {  	_ =	sfence  }
0xbd: {  	s30 =	sld [smem:$0x0];
	_ =	sdelay $0x2  }
0xbe: {  	s31 =	sshll.u32 s1, $0xD;
	s1 =	sshrl.u32 s1, $0x2  }
0xbf: {  	s3 =	sand.u32 $0x4000, s31;
	s1 =	sadd.s32 s1, s30  }
0xc0: {  	s0 =	sor.u32 s3, s0;
	s1 =	sshll.u32 s1, $0x11  }
0xc1: {  	s0 =	sor.u32 s1, s0  }
0xc2: {  	s0 =	sadd.s32 $0x8F2B, s0  }
0xc3: {  	[sflag:s0] =	ssyncadd.remote.s32 $0x1  }
0xc4: {  	_ =	sfence.sel $0xFFFF  }
0xc5: {  	[dreg:$0x0] =	wrdreg $0xFFFFFFFF;
	(pc) =	sbr.abs _section_cstart, $3  }
0xc6: {  	[dreg:$0x1] =	wrdreg $0xFFFFFFFF  }
0xc7: {  	_ =	task.clear_ibuf [dreg:s7], $0x2FFFF;
	_ =	strace $0x9FFFFFFF  }
0xc8: {  	(tm) =	ssettm $0x7FFFFFFF  }
0xc9: {  	_ =	shalt  }
tec
execute0_lowered:
.L_overlay_start_1:
0x0: {  	(tag) =	ssettag $0x1  }
0x1: {  	s0 =	rddreg [dreg:$0x0]  }
0x2: {  	s13 =	rddreg [dreg:$0x1]  }
0x3: {  	s3 =	simm.s32 $0x0;
	s12 =	stileid.u32;
	s1 =	srdreg.scid  }
0x4: {  	[smem:$0x7FF] =	sst s3;
	s6 =	smul.u32 $0x75300, s12  }
0x5: {  	s1 =	sand.u32 $0x1, s1;
	s2 =	sshll.u32 s12, $0x1;
	s10 =	smul.u32 $0x4E20, s12  }
0x6: {  	s4 =	sadd.s32 $0x2D400, s0;
	s5 =	sadd.s32 $0x6200, s0;
	s24 =	smul.u32 $0x3A980, s1  }
0x7: {  	s14 =	sadd.s32 $0x67E00, s0;
	_ =	strace $0x80000047;
	s26 =	smul.u32 $0x2710, s1  }
0x8: {  	s2 =	sor.u32 s1, s2;
	s7 =	ssub.s32 $0x2, s1;
	s1 =	smul.u32 $0x4E20, s1  }
0x9: {  	[dreg:$0x3] =	wrdreg s14;
	s2 =	smul.u32 $0x2710, s2;
	s8 =	sshrl.u32 s7, $0x1  }
0xa: {  	s6 =	sadd.s32 s6, s0;
	s0 =	sadd.s32 $0x7C4C00, s0;
	s7 =	ssub.s32 s7, s8  }
0xb: {  	s30 =	sadd.s32 s24, s6;
	s31 =	sadd.s32 s26, s10;
	s2 =	sshrl.u32 s2, $0x3  }
0xc: {  	s29 =	smax.u32 s7, $0x1;
	s10 =	sadd.s32 $0x2D0, s31;
	s16 =	sadd.s32 $0x280, s31  }
0xd: {  	s19 =	sadd.s32 s14, s2;
	s20 =	sadd.s32 $0xA, s2;
	[dreg:$0xe] =	wrdreg s29  }
0xe: {  	s9 =	sadd.s32 s13, s2;
	s22 =	sadd.s32 $0x14, s2;
	[dreg:$0x4] =	wrdreg s19  }
0xf: {  	s25 =	sadd.s32 $0x1E, s2;
	[dreg:$0x5] =	wrdreg s9;
	s21 =	sadd.s32 s14, s20  }
0x10: {  	s2 =	sadd.s32 $0x28, s2;
	s8 =	sadd.s32 s13, s20;
	[dreg:$0x6] =	wrdreg s21  }
0x11: {  	s15 =	sshrl.u32 s10, $0x3;
	s23 =	sadd.s32 s14, s22;
	[dreg:$0x7] =	wrdreg s8  }
0x12: {  	s18 =	sshrl.u32 s16, $0x3;
	s9 =	sadd.s32 s13, s22;
	[dreg:$0x8] =	wrdreg s23  }
0x13: {  	s16 =	simm.s32 $0x6;
	s11 =	sadd.s32 s14, s25;
	[dreg:$0x9] =	wrdreg s9  }
0x14: {  	s10 =	simm.s32 $0x8;
	s28 =	sadd.s32 s14, s2;
	[dreg:$0xa] =	wrdreg s11  }
0x15: {  	s2 =	sadd.s32 s13, s2;
	s17 =	sadd.s32 s15, s13;
	[dreg:$0xc] =	wrdreg s28  }
0x16: {  	s7 =	sadd.s32 s15, s14;
	s19 =	sadd.s32 s18, s13;
	[dreg:$0xd] =	wrdreg s2  }
0x17: {  	s20 =	sadd.s32 $0x230, s31;
	s22 =	sadd.s32 $0x1E0, s31;
	[dreg:$0x10] =	wrdreg s17  }
0x18: {  	s15 =	simm.s32 $0x14320;
	s9 =	sadd.s32 s13, s25;
	[dreg:$0x11] =	wrdreg s7  }
0x19: {  	s11 =	smul.u32 $0x9C40, s12;
	s2 =	sadd.s32 $0x73A00, s30;
	[dreg:$0x13] =	wrdreg s19  }
0x1a: {  	s21 =	sadd.s32 s18, s14;
	s24 =	sshrl.u32 s22, $0x3;
	s7 =	simm.s32 $0x15  }
0x1b: {  	s8 =	simm.s32 $0x7;
	s17 =	simm.s32 $0xA;
	[dreg:$0xb] =	wrdreg s9  }
0x1c: {  	s18 =	simm.s32 $0xF;
	s9 =	sshll.u32 s31, $0x1;
	[dreg:$0xf] =	wrdreg s2  }
0x1d: {  	[dreg:$0x14] =	wrdreg s21;
	s30 =	sadd.s32 s24, s13;
	s31 =	sadd.s32 $0x190, s31  }
0x1e: {  	s12 =	sadd.s32 s0, s9;
	s0 =	sadd.s32 s11, s0;
	[dreg:$0x1b] =	wrdreg s30  }
0x1f: {  	s21 =	simm.s32 $0x2;
	[dreg:$0x1d] =	wrdreg s31;
	s0 =	sadd.s32 s1, s0  }
0x20: {  	s2 =	simm.s32 $0x3;
	s25 =	sadd.s32 $0x280, s12;
	[dreg:$0x12] =	wrdreg s0  }
0x21: {  	s9 =	simm.s32 $0xF320;
	s26 =	sadd.s32 $0x1E0, s12;
	[dreg:$0x17] =	wrdreg s25  }
0x22: {  	s28 =	sadd.s32 $0x140, s12;
	s29 =	sadd.s32 $0xA0, s12;
	[dreg:$0x18] =	wrdreg s26  }
.Ltmp0:
0x23: {  	s0 =	sshrl.u32 s20, $0x3;
	[dreg:$0x19] =	wrdreg s28;
	(pc) =	sbr.rel .LBB2_1-.Ltmp0, $4  }
0x24: {  	s11 =	simm.s32 $0x4;
	[dreg:$0x1a] =	wrdreg s29;
	s23 =	sadd.s32 s0, s13  }
0x25: {  	s1 =	simm.s32 $0x0;
	s0 =	sadd.s32 s0, s14;
	[dreg:$0x15] =	wrdreg s23  }
0x26: {  	s26 =	simm.s32 $0x14;
	[dreg:$0x16] =	wrdreg s0;
	s0 =	sadd.s32 s24, s14  }
0x27: {  	s13 =	simm.s32 $0x9;
	s14 =	simm.s32 $0x5;
	[dreg:$0x1c] =	wrdreg s0  }
.LBB2_4:
0x28: {  	s0 =	simm.s32 $0xB  }
0x29: {  	_ =	swait.ge [sflag:s0], $0x3C00  }
0x2a: {  	[sflag:s0] =	ssyncset.done $0x0  }
0x2b: {  	s22 =	simm.s32 $0x10;
	[sflag:s0] =	ssyncadd.s32 $0xFFFFC400  }
0x2c: {  	_ =	swait.ge [sflag:s22], $0x500  }
0x2d: {  	[sflag:s22] =	ssyncset.done $0x0  }
0x2e: {  	s23 =	simm.s32 $0xC;
	[sflag:s22] =	ssyncadd.s32 $0xFFFFFB00  }
0x2f: {  	_ =	swait.ge [sflag:s23], $0x3C00  }
0x30: {  	[sflag:s23] =	ssyncset.done $0x0  }
0x31: {  	s24 =	simm.s32 $0x11;
	[sflag:s23] =	ssyncadd.s32 $0xFFFFC400  }
0x32: {  	_ =	swait.ge [sflag:s24], $0x500  }
0x33: {  	[sflag:s24] =	ssyncset.done $0x0  }
0x34: {  	s25 =	simm.s32 $0xD;
	[sflag:s24] =	ssyncadd.s32 $0xFFFFFB00  }
0x35: {  	_ =	swait.ge [sflag:s25], $0x3C00  }
0x36: {  	[sflag:s25] =	ssyncset.done $0x0  }
0x37: {  	s28 =	simm.s32 $0x12;
	[sflag:s25] =	ssyncadd.s32 $0xFFFFC400  }
0x38: {  	_ =	swait.ge [sflag:s28], $0x500  }
0x39: {  	[sflag:s28] =	ssyncset.done $0x0  }
0x3a: {  	s29 =	simm.s32 $0xE;
	[sflag:s28] =	ssyncadd.s32 $0xFFFFFB00  }
0x3b: {  	_ =	swait.ge [sflag:s29], $0x3C00  }
0x3c: {  	[sflag:s29] =	ssyncset.done $0x0  }
0x3d: {  	s30 =	simm.s32 $0x13;
	[sflag:s29] =	ssyncadd.s32 $0xFFFFC400  }
0x3e: {  	_ =	swait.ge [sflag:s30], $0x500  }
0x3f: {  	[sflag:s30] =	ssyncset.done $0x0  }
0x40: {  	[sflag:s30] =	ssyncadd.s32 $0xFFFFFB00  }
0x41: {  	_ =	swait.ge [sflag:s18], $0x3C00  }
0x42: {  	[sflag:s18] =	ssyncset.done $0x0  }
0x43: {  	[sflag:s18] =	ssyncadd.s32 $0xFFFFC400  }
0x44: {  	_ =	swait.ge [sflag:s26], $0x500  }
0x45: {  	s1 =	rddreg [dreg:$0x1e]  }
0x46: {  	s31 =	rddreg [dreg:$0xe];
	s1 =	sadd.s32 $0x1, s1  }
0x47: {  	p0 =	sne.s32 s1, s31  }
.Ltmp1:
0x48: {  	_ = 	snop;
	(pc) =	sbr.rel @!p0 .LBB2_5-.Ltmp1, $3  }
0x49: {  	_ =	sdelay $0x1  }
0x4a: {  	[sflag:s26] =	ssyncset.done $0x0  }
0x4b: {  	[sflag:s26] =	ssyncadd.s32 $0xFFFFFB00  }
.LBB2_1:
0x4c: {  	[dreg:$0x1e] =	wrdreg s1  }
0x4d: {  	s0 =	rddreg [dreg:$0x4]  }
0x4e: {  	[tilespmem:s3], [sflag:$0x15] =	stream.linear.gather [hbm4b:s0+s3], $0x50, $0x38;
	[tilespmem:$0x14820] =	vst v63  }
0x4f: {  	_ =	swait.ge [sflag:s7], $0x50  }
0x50: {  	[sflag:s7] =	ssyncset.done $0x0  }
0x51: {  	s30 =	simm.s32 $0x190;
	s29 =	rddreg [dreg:$0x5];
	[sflag:s7] =	ssyncadd.s32 $0xFFFFFFB0  }
0x52: {  	[tilespmem:s30], [sflag:$0x15] =	stream.linear.gather [hbm4b:s29+s3], $0x50, $0x38;
	[tilespmem:$0x14820] =	vst v63  }
0x53: {  	_ =	swait.ge [sflag:s7], $0x50  }
0x54: {  	[sflag:s7] =	ssyncset.done $0x0  }
0x55: {  	s31 =	simm.s32 $0x320;
	s12 =	simm.s32 $0x50;
	[sflag:s7] =	ssyncadd.s32 $0xFFFFFFB0  }
0x56: {  	[tilespmem:s31], [sflag:$0x1] =	stream.indirect.gather [hbm4b:s4+s12], $0xC0, s3, s12, $0xb8;
	[tilespmem:$0x14820] =	vst v63  }
0x57: {  	s6 =	simm.s32 $0x12F20  }
0x58: {  	[tilespmem:s6], [sflag:$0x6] =	stream.indirect.gather [hbm4b:s5+s12], $0x10, s30, s12, $0xb8;
	[tilespmem:$0x14820] =	vst v63  }
0x59: {  	s19 =	rddreg [dreg:$0x6]  }
0x5a: {  	[tilespmem:s12], [sflag:$0x15] =	stream.linear.gather [hbm4b:s19+s3], $0x50, $0x38;
	[tilespmem:$0x14820] =	vst v63  }
0x5b: {  	_ =	swait.ge [sflag:s7], $0x50  }
0x5c: {  	[sflag:s7] =	ssyncset.done $0x0  }
0x5d: {  	s22 =	simm.s32 $0x1E0;
	s20 =	rddreg [dreg:$0x7];
	[sflag:s7] =	ssyncadd.s32 $0xFFFFFFB0  }
0x5e: {  	[tilespmem:s22], [sflag:$0x15] =	stream.linear.gather [hbm4b:s20+s3], $0x50, $0x38;
	[tilespmem:$0x14820] =	vst v63  }
0x5f: {  	_ =	swait.ge [sflag:s7], $0x50  }
0x60: {  	[sflag:s7] =	ssyncset.done $0x0  }
0x61: {  	s23 =	simm.s32 $0x3F20;
	[sflag:s7] =	ssyncadd.s32 $0xFFFFFFB0  }
0x62: {  	[tilespmem:s23], [sflag:$0x2] =	stream.indirect.gather [hbm4b:s4+s12], $0xC0, s12, s12, $0xb8;
	[tilespmem:$0x14820] =	vst v63  }
0x63: {  	s24 =	simm.s32 $0x13420  }
0x64: {  	[tilespmem:s24], [sflag:$0x7] =	stream.indirect.gather [hbm4b:s5+s12], $0x10, s22, s12, $0xb8;
	[tilespmem:$0x14820] =	vst v63  }
0x65: {  	s29 =	simm.s32 $0xA0;
	s25 =	rddreg [dreg:$0x8]  }
0x66: {  	[tilespmem:s29], [sflag:$0x15] =	stream.linear.gather [hbm4b:s25+s3], $0x50, $0x38;
	[tilespmem:$0x14820] =	vst v63  }
0x67: {  	_ =	swait.ge [sflag:s7], $0x50  }
0x68: {  	[sflag:s7] =	ssyncset.done $0x0  }
0x69: {  	s6 =	simm.s32 $0x230;
	s30 =	rddreg [dreg:$0x9];
	[sflag:s7] =	ssyncadd.s32 $0xFFFFFFB0  }
0x6a: {  	[tilespmem:s6], [sflag:$0x15] =	stream.linear.gather [hbm4b:s30+s3], $0x50, $0x38;
	[tilespmem:$0x14820] =	vst v63  }
0x6b: {  	_ =	swait.ge [sflag:s7], $0x50  }
0x6c: {  	[sflag:s7] =	ssyncset.done $0x0  }
0x6d: {  	s31 =	simm.s32 $0x7B20;
	[sflag:s7] =	ssyncadd.s32 $0xFFFFFFB0  }
0x6e: {  	[tilespmem:s31], [sflag:$0x3] =	stream.indirect.gather [hbm4b:s4+s12], $0xC0, s29, s12, $0xb8;
	[tilespmem:$0x14820] =	vst v63  }
0x6f: {  	s1 =	simm.s32 $0x13920  }
0x70: {  	[tilespmem:s1], [sflag:$0x8] =	stream.indirect.gather [hbm4b:s5+s12], $0x10, s6, s12, $0xb8;
	[tilespmem:$0x14820] =	vst v63  }
0x71: {  	s19 =	simm.s32 $0xF0;
	s6 =	rddreg [dreg:$0xa]  }
0x72: {  	[tilespmem:s19], [sflag:$0x15] =	stream.linear.gather [hbm4b:s6+s3], $0x50, $0x38;
	[tilespmem:$0x14820] =	vst v63  }
0x73: {  	_ =	swait.ge [sflag:s7], $0x50  }
0x74: {  	[sflag:s7] =	ssyncset.done $0x0  }
0x75: {  	s22 =	simm.s32 $0x280;
	s20 =	rddreg [dreg:$0xb];
	[sflag:s7] =	ssyncadd.s32 $0xFFFFFFB0  }
0x76: {  	[tilespmem:s22], [sflag:$0x15] =	stream.linear.gather [hbm4b:s20+s3], $0x50, $0x38;
	[tilespmem:$0x14820] =	vst v63  }
0x77: {  	_ =	swait.ge [sflag:s7], $0x50  }
0x78: {  	[sflag:s7] =	ssyncset.done $0x0  }
0x79: {  	s23 =	simm.s32 $0xB720;
	[sflag:s7] =	ssyncadd.s32 $0xFFFFFFB0  }
0x7a: {  	[tilespmem:s23], [sflag:$0x4] =	stream.indirect.gather [hbm4b:s4+s12], $0xC0, s19, s12, $0xb8;
	[tilespmem:$0x14820] =	vst v63  }
0x7b: {  	s24 =	simm.s32 $0x13E20  }
0x7c: {  	[tilespmem:s24], [sflag:$0x9] =	stream.indirect.gather [hbm4b:s5+s12], $0x10, s22, s12, $0xb8;
	[tilespmem:$0x14820] =	vst v63  }
0x7d: {  	s29 =	simm.s32 $0x140;
	s25 =	rddreg [dreg:$0xc]  }
0x7e: {  	[tilespmem:s29], [sflag:$0x15] =	stream.linear.gather [hbm4b:s25+s3], $0x50, $0x38;
	[tilespmem:$0x14820] =	vst v63  }
0x7f: {  	_ =	swait.ge [sflag:s7], $0x50  }
0x80: {  	[sflag:s7] =	ssyncset.done $0x0  }
0x81: {  	s31 =	simm.s32 $0x2D0;
	s30 =	rddreg [dreg:$0xd];
	[sflag:s7] =	ssyncadd.s32 $0xFFFFFFB0  }
0x82: {  	[tilespmem:s31], [sflag:$0x15] =	stream.linear.gather [hbm4b:s30+s3], $0x50, $0x38;
	[tilespmem:$0x14820] =	vst v63  }
0x83: {  	_ =	swait.ge [sflag:s7], $0x50  }
0x84: {  	s28 =	rddreg [dreg:$0x1d]  }
0x85: {  	s6 =	rddreg [dreg:$0x12]  }
0x86: {  	s19 =	rddreg [dreg:$0x1a]  }
0x87: {  	[sflag:s7] =	ssyncset.done $0x0;
	s20 =	rddreg [dreg:$0x19]  }
0x88: {  	s22 =	rddreg [dreg:$0x18];
	[sflag:s7] =	ssyncadd.s32 $0xFFFFFFB0  }
0x89: {  	[tilespmem:s9], [sflag:$0x5] =	stream.indirect.gather [hbm4b:s4+s12], $0xC0, s29, s12, $0xb8;
	[tilespmem:$0x14820] =	vst v63  }
0x8a: {  	s25 =	simm.s32 $0x0;
	s23 =	rddreg [dreg:$0x17]  }
0x8b: {  	[tilespmem:s15], [sflag:$0xA] =	stream.indirect.gather [hbm4b:s5+s12], $0x10, s31, s12, $0xb8;
	[tilespmem:$0x14820] =	vst v63  }
0x8c: {  	s24 =	rddreg [dreg:$0xf];
	s9 =	simm.s32 $0xF320;
	s15 =	simm.s32 $0x14320  }
.LBB2_2:
0x8d: {  	s0 =	simm.s32 $0x1  }
0x8e: {  	_ =	swait.ge [sflag:s0], $0x3C00  }
0x8f: {  	[sflag:s0] =	ssyncset.done $0x0  }
0x90: {  	[sflag:s0] =	ssyncadd.s32 $0xFFFFC400  }
0x91: {  	_ =	swait.ge [sflag:s16], $0x500  }
0x92: {  	s30 =	sadd.s32 $0xFFFFE200, s24;
	[sflag:s16] =	ssyncset.done $0x0  }
0x93: {  	s1 =	simm.s32 $0x320;
	p0 =	seq.s32 s25, $0x4B0;
	[sflag:s16] =	ssyncadd.s32 $0xFFFFFB00  }
0x94: {  	[hbm4b:s30+s3] =	stream.linear.scatter [tilespmem:s1], [sflag:$0xB], $0x3C00, $0x38;
	[tilespmem:$0x14820] =	vst v63  }
0x95: {  	s31 =	simm.s32 $0x12F20;
	s29 =	sshrl.u32 @!p0 s28, $0x3;
	s0 =	rddreg [dreg:$0x3]  }
0x96: {  	[hbm4b:s6+s3] =	stream.linear.scatter [tilespmem:s31], [sflag:$0x10], $0x500, $0x38;
	[tilespmem:$0x14820] =	vst v63  }
0x97: {  	s31 =	sadd.s32 @!p0 s0, s29;
	s0 =	simm.s32 @!p0 $0x0  }
0x98: {  	[tilespmem:s0], [sflag:$0x15] =	stream.linear.gather @!p0 [hbm4b:s31+s0], $0x50, $0x38;
	[tilespmem:$0x14820] =	vst v63  }
0x99: {  	s31 =	simm.s32 @!p0 $0x15  }
0x9a: {  	_ =	swait.ge @!p0 [sflag:s31], $0x50  }
0x9b: {  	[sflag:s31] =	ssyncset.done @!p0 $0x0  }
0x9c: {  	[sflag:s31] =	ssyncadd.s32 @!p0 $0xFFFFFFB0  }
0x9d: {  	s1 =	rddreg [dreg:$0x1]  }
0x9e: {  	s30 =	simm.s32 @!p0 $0x190;
	s29 =	sadd.s32 @!p0 s1, s29  }
0x9f: {  	[tilespmem:s30], [sflag:$0x15] =	stream.linear.gather @!p0 [hbm4b:s29+s0], $0x50, $0x38;
	[tilespmem:$0x14820] =	vst v63  }
0xa0: {  	_ =	swait.ge @!p0 [sflag:s31], $0x50  }
0xa1: {  	[sflag:s31] =	ssyncset.done @!p0 $0x0  }
0xa2: {  	s29 =	simm.s32 @!p0 $0xB;
	[sflag:s31] =	ssyncadd.s32 @!p0 $0xFFFFFFB0  }
0xa3: {  	_ =	swait.ge @!p0 [sflag:s29], $0x3C00  }
0xa4: {  	[sflag:s29] =	ssyncset.done @!p0 $0x0  }
0xa5: {  	[sflag:s29] =	ssyncadd.s32 @!p0 $0xFFFFC400;
	s29 =	simm.s32 @!p0 $0x10  }
0xa6: {  	_ =	swait.ge @!p0 [sflag:s29], $0x500  }
0xa7: {  	[sflag:s29] =	ssyncset.done @!p0 $0x0  }
0xa8: {  	s12 =	simm.s32 @!p0 $0x320;
	[sflag:s29] =	ssyncadd.s32 @!p0 $0xFFFFFB00;
	s29 =	simm.s32 @!p0 $0x50  }
0xa9: {  	[tilespmem:s12], [sflag:$0x1] =	stream.indirect.gather @!p0 [hbm4b:s4+s29], $0xC0, s0, s29, $0xb8;
	[tilespmem:$0x14820] =	vst v63  }
0xaa: {  	s12 =	simm.s32 @!p0 $0x12F20  }
0xab: {  	[tilespmem:s12], [sflag:$0x6] =	stream.indirect.gather @!p0 [hbm4b:s5+s29], $0x10, s30, s29, $0xb8;
	[tilespmem:$0x14820] =	vst v63  }
0xac: {  	_ =	swait.ge [sflag:s21], $0x3C00  }
0xad: {  	[sflag:s21] =	ssyncset.done $0x0  }
0xae: {  	[sflag:s21] =	ssyncadd.s32 $0xFFFFC400  }
0xaf: {  	_ =	swait.ge [sflag:s8], $0x500  }
0xb0: {  	[sflag:s8] =	ssyncset.done $0x0  }
0xb1: {  	s1 =	sadd.s32 $0xFFFFE980, s24;
	s30 =	simm.s32 $0x3F20;
	[sflag:s8] =	ssyncadd.s32 $0xFFFFFB00  }
0xb2: {  	[hbm4b:s1+s3] =	stream.linear.scatter [tilespmem:s30], [sflag:$0xC], $0x3C00, $0x38;
	[tilespmem:$0x14820] =	vst v63  }
0xb3: {  	s30 =	simm.s32 $0x13420;
	s1 =	rddreg [dreg:$0x1c]  }
0xb4: {  	[hbm4b:s19+s3] =	stream.linear.scatter [tilespmem:s30], [sflag:$0x11], $0x500, $0x38;
	[tilespmem:$0x14820] =	vst v63  }
0xb5: {  	s12 =	sadd.s32 @!p0 s25, s1  }
0xb6: {  	[tilespmem:s29], [sflag:$0x15] =	stream.linear.gather @!p0 [hbm4b:s12+s0], $0x50, $0x38;
	[tilespmem:$0x14820] =	vst v63  }
0xb7: {  	_ =	swait.ge @!p0 [sflag:s31], $0x50  }
0xb8: {  	[sflag:s31] =	ssyncset.done @!p0 $0x0;
	s1 =	rddreg [dreg:$0x1b]  }
0xb9: {  	s30 =	simm.s32 @!p0 $0x1E0;
	[sflag:s31] =	ssyncadd.s32 @!p0 $0xFFFFFFB0;
	s12 =	sadd.s32 @!p0 s25, s1  }
0xba: {  	[tilespmem:s30], [sflag:$0x15] =	stream.linear.gather @!p0 [hbm4b:s12+s0], $0x50, $0x38;
	[tilespmem:$0x14820] =	vst v63  }
0xbb: {  	_ =	swait.ge @!p0 [sflag:s31], $0x50  }
0xbc: {  	[sflag:s31] =	ssyncset.done @!p0 $0x0  }
0xbd: {  	s12 =	simm.s32 @!p0 $0xC;
	[sflag:s31] =	ssyncadd.s32 @!p0 $0xFFFFFFB0  }
0xbe: {  	_ =	swait.ge @!p0 [sflag:s12], $0x3C00  }
0xbf: {  	[sflag:s12] =	ssyncset.done @!p0 $0x0  }
0xc0: {  	[sflag:s12] =	ssyncadd.s32 @!p0 $0xFFFFC400;
	s12 =	simm.s32 @!p0 $0x11  }
0xc1: {  	_ =	swait.ge @!p0 [sflag:s12], $0x500  }
0xc2: {  	[sflag:s12] =	ssyncset.done @!p0 $0x0  }
0xc3: {  	[sflag:s12] =	ssyncadd.s32 @!p0 $0xFFFFFB00;
	s12 =	simm.s32 @!p0 $0x3F20  }
0xc4: {  	[tilespmem:s12], [sflag:$0x2] =	stream.indirect.gather @!p0 [hbm4b:s4+s29], $0xC0, s29, s29, $0xb8;
	[tilespmem:$0x14820] =	vst v63  }
0xc5: {  	s12 =	simm.s32 @!p0 $0x13420  }
0xc6: {  	[tilespmem:s12], [sflag:$0x7] =	stream.indirect.gather @!p0 [hbm4b:s5+s29], $0x10, s30, s29, $0xb8;
	[tilespmem:$0x14820] =	vst v63  }
0xc7: {  	_ =	swait.ge [sflag:s2], $0x3C00  }
0xc8: {  	[sflag:s2] =	ssyncset.done $0x0  }
0xc9: {  	[sflag:s2] =	ssyncadd.s32 $0xFFFFC400  }
0xca: {  	_ =	swait.ge [sflag:s10], $0x500  }
0xcb: {  	[sflag:s10] =	ssyncset.done $0x0  }
0xcc: {  	s1 =	sadd.s32 $0xFFFFF100, s24;
	s30 =	simm.s32 $0x7B20;
	[sflag:s10] =	ssyncadd.s32 $0xFFFFFB00  }
0xcd: {  	[hbm4b:s1+s3] =	stream.linear.scatter [tilespmem:s30], [sflag:$0xD], $0x3C00, $0x38;
	[tilespmem:$0x14820] =	vst v63  }
0xce: {  	s30 =	simm.s32 $0x13920;
	s1 =	rddreg [dreg:$0x16]  }
0xcf: {  	[hbm4b:s20+s3] =	stream.linear.scatter [tilespmem:s30], [sflag:$0x12], $0x500, $0x38;
	[tilespmem:$0x14820] =	vst v63  }
0xd0: {  	s12 =	sadd.s32 @!p0 s25, s1;
	s30 =	simm.s32 @!p0 $0xA0  }
0xd1: {  	[tilespmem:s30], [sflag:$0x15] =	stream.linear.gather @!p0 [hbm4b:s12+s0], $0x50, $0x38;
	[tilespmem:$0x14820] =	vst v63  }
0xd2: {  	_ =	swait.ge @!p0 [sflag:s31], $0x50  }
0xd3: {  	[sflag:s31] =	ssyncset.done @!p0 $0x0;
	s1 =	rddreg [dreg:$0x15]  }
0xd4: {  	[sflag:s31] =	ssyncadd.s32 @!p0 $0xFFFFFFB0;
	s12 =	sadd.s32 @!p0 s25, s1;
	s1 =	simm.s32 @!p0 $0x230  }
0xd5: {  	[tilespmem:s1], [sflag:$0x15] =	stream.linear.gather @!p0 [hbm4b:s12+s0], $0x50, $0x38;
	[tilespmem:$0x14820] =	vst v63  }
0xd6: {  	_ =	swait.ge @!p0 [sflag:s31], $0x50  }
0xd7: {  	[sflag:s31] =	ssyncset.done @!p0 $0x0  }
0xd8: {  	s12 =	simm.s32 @!p0 $0xD;
	[sflag:s31] =	ssyncadd.s32 @!p0 $0xFFFFFFB0  }
0xd9: {  	_ =	swait.ge @!p0 [sflag:s12], $0x3C00  }
0xda: {  	[sflag:s12] =	ssyncset.done @!p0 $0x0  }
0xdb: {  	[sflag:s12] =	ssyncadd.s32 @!p0 $0xFFFFC400;
	s12 =	simm.s32 @!p0 $0x12  }
0xdc: {  	_ =	swait.ge @!p0 [sflag:s12], $0x500  }
0xdd: {  	[sflag:s12] =	ssyncset.done @!p0 $0x0  }
0xde: {  	[sflag:s12] =	ssyncadd.s32 @!p0 $0xFFFFFB00;
	s12 =	simm.s32 @!p0 $0x7B20  }
0xdf: {  	[tilespmem:s12], [sflag:$0x3] =	stream.indirect.gather @!p0 [hbm4b:s4+s29], $0xC0, s30, s29, $0xb8;
	[tilespmem:$0x14820] =	vst v63  }
0xe0: {  	s12 =	simm.s32 @!p0 $0x13920  }
0xe1: {  	[tilespmem:s12], [sflag:$0x8] =	stream.indirect.gather @!p0 [hbm4b:s5+s29], $0x10, s1, s29, $0xb8;
	[tilespmem:$0x14820] =	vst v63  }
0xe2: {  	_ =	swait.ge [sflag:s11], $0x3C00  }
0xe3: {  	[sflag:s11] =	ssyncset.done $0x0  }
0xe4: {  	[sflag:s11] =	ssyncadd.s32 $0xFFFFC400  }
0xe5: {  	_ =	swait.ge [sflag:s13], $0x500  }
0xe6: {  	[sflag:s13] =	ssyncset.done $0x0  }
0xe7: {  	s30 =	simm.s32 $0xB720;
	s12 =	sadd.s32 $0xFFFFF880, s24;
	[sflag:s13] =	ssyncadd.s32 $0xFFFFFB00  }
0xe8: {  	[hbm4b:s12+s3] =	stream.linear.scatter [tilespmem:s30], [sflag:$0xE], $0x3C00, $0x38;
	[tilespmem:$0x14820] =	vst v63  }
0xe9: {  	s1 =	rddreg [dreg:$0x14];
	s30 =	simm.s32 $0x13E20  }
0xea: {  	[hbm4b:s22+s3] =	stream.linear.scatter [tilespmem:s30], [sflag:$0x13], $0x500, $0x38;
	[tilespmem:$0x14820] =	vst v63  }
0xeb: {  	s1 =	sadd.s32 @!p0 s25, s1;
	s12 =	simm.s32 @!p0 $0xF0  }
0xec: {  	[tilespmem:s12], [sflag:$0x15] =	stream.linear.gather @!p0 [hbm4b:s1+s0], $0x50, $0x38;
	[tilespmem:$0x14820] =	vst v63  }
0xed: {  	_ =	swait.ge @!p0 [sflag:s31], $0x50  }
0xee: {  	[sflag:s31] =	ssyncset.done @!p0 $0x0;
	s1 =	rddreg [dreg:$0x13]  }
0xef: {  	s30 =	simm.s32 @!p0 $0x280;
	[sflag:s31] =	ssyncadd.s32 @!p0 $0xFFFFFFB0;
	s1 =	sadd.s32 @!p0 s25, s1  }
0xf0: {  	[tilespmem:s30], [sflag:$0x15] =	stream.linear.gather @!p0 [hbm4b:s1+s0], $0x50, $0x38;
	[tilespmem:$0x14820] =	vst v63  }
0xf1: {  	_ =	swait.ge @!p0 [sflag:s31], $0x50  }
0xf2: {  	[sflag:s31] =	ssyncset.done @!p0 $0x0  }
0xf3: {  	s0 =	simm.s32 @!p0 $0xE;
	[sflag:s31] =	ssyncadd.s32 @!p0 $0xFFFFFFB0  }
0xf4: {  	_ =	swait.ge @!p0 [sflag:s0], $0x3C00  }
0xf5: {  	[sflag:s0] =	ssyncset.done @!p0 $0x0  }
0xf6: {  	[sflag:s0] =	ssyncadd.s32 @!p0 $0xFFFFC400;
	s0 =	simm.s32 @!p0 $0x13  }
0xf7: {  	_ =	swait.ge @!p0 [sflag:s0], $0x500  }
0xf8: {  	[sflag:s0] =	ssyncset.done @!p0 $0x0  }
0xf9: {  	[sflag:s0] =	ssyncadd.s32 @!p0 $0xFFFFFB00;
	s0 =	simm.s32 @!p0 $0xB720  }
0xfa: {  	[tilespmem:s0], [sflag:$0x4] =	stream.indirect.gather @!p0 [hbm4b:s4+s29], $0xC0, s12, s29, $0xb8;
	[tilespmem:$0x14820] =	vst v63  }
0xfb: {  	s0 =	simm.s32 @!p0 $0x13E20  }
0xfc: {  	[tilespmem:s0], [sflag:$0x9] =	stream.indirect.gather @!p0 [hbm4b:s5+s29], $0x10, s30, s29, $0xb8;
	[tilespmem:$0x14820] =	vst v63  }
0xfd: {  	_ =	swait.ge [sflag:s14], $0x3C00  }
0xfe: {  	[sflag:s14] =	ssyncset.done $0x0  }
0xff: {  	[sflag:s14] =	ssyncadd.s32 $0xFFFFC400  }
0x100: {  	_ =	swait.ge [sflag:s17], $0x500  }
0x101: {  	[sflag:s17] =	ssyncset.done $0x0  }
.Ltmp2:
0x102: {  	[sflag:s17] =	ssyncadd.s32 $0xFFFFFB00;
	(pc) =	sbr.rel @p0 .LBB2_4-.Ltmp2, $4  }
0x103: {  	[hbm4b:s24+s3] =	stream.linear.scatter [tilespmem:s9], [sflag:$0xF], $0x3C00, $0x38;
	[tilespmem:$0x14820] =	vst v63  }
0x104: {  	_ = 	snop  }
0x105: {  	[hbm4b:s23+s3] =	stream.linear.scatter [tilespmem:s15], [sflag:$0x14], $0x500, $0x38;
	[tilespmem:$0x14820] =	vst v63  }
0x106: {  	s9 =	simm.s32 $0xF320;
	s15 =	simm.s32 $0x14320  }
0x107: {  	s0 =	rddreg [dreg:$0x11]  }
0x108: {  	s1 =	simm.s32 $0x140;
	s0 =	sadd.s32 s25, s0  }
0x109: {  	[tilespmem:s1], [sflag:$0x15] =	stream.linear.gather [hbm4b:s0+s3], $0x50, $0x38;
	[tilespmem:$0x14820] =	vst v63  }
0x10a: {  	_ =	swait.ge [sflag:s7], $0x50  }
0x10b: {  	[sflag:s7] =	ssyncset.done $0x0;
	s30 =	rddreg [dreg:$0x10]  }
0x10c: {  	s12 =	simm.s32 $0x2D0;
	[sflag:s7] =	ssyncadd.s32 $0xFFFFFFB0;
	s0 =	sadd.s32 s25, s30  }
0x10d: {  	[tilespmem:s12], [sflag:$0x15] =	stream.linear.gather [hbm4b:s0+s3], $0x50, $0x38;
	[tilespmem:$0x14820] =	vst v63  }
0x10e: {  	_ =	swait.ge [sflag:s7], $0x50  }
0x10f: {  	[sflag:s7] =	ssyncset.done $0x0  }
0x110: {  	[sflag:s7] =	ssyncadd.s32 $0xFFFFFFB0  }
0x111: {  	_ =	swait.ge [sflag:s18], $0x3C00  }
0x112: {  	[sflag:s18] =	ssyncset.done $0x0  }
0x113: {  	[sflag:s18] =	ssyncadd.s32 $0xFFFFC400  }
0x114: {  	s31 =	simm.s32 $0x50;
	s24 =	sadd.s32 $0x2580, s24;
	_ =	swait.ge [sflag:s26], $0x500  }
0x115: {  	s23 =	sadd.s32 $0x320, s23;
	s22 =	sadd.s32 $0x320, s22;
	[sflag:s26] =	ssyncset.done $0x0  }
.Ltmp3:
0x116: {  	s20 =	sadd.s32 $0x320, s20;
	[sflag:s26] =	ssyncadd.s32 $0xFFFFFB00;
	(pc) =	sbr.rel .LBB2_2-.Ltmp3, $4  }
0x117: {  	[tilespmem:s9], [sflag:$0x5] =	stream.indirect.gather [hbm4b:s4+s31], $0xC0, s1, s31, $0xb8;
	[tilespmem:$0x14820] =	vst v63  }
0x118: {  	s19 =	sadd.s32 $0x320, s19;
	s6 =	sadd.s32 $0x320, s6;
	s28 =	sadd.s32 $0x190, s28  }
0x119: {  	[tilespmem:s15], [sflag:$0xA] =	stream.indirect.gather [hbm4b:s5+s31], $0x10, s12, s31, $0xb8;
	[tilespmem:$0x14820] =	vst v63  }
0x11a: {  	s25 =	sadd.s32 $0x32, s25;
	s9 =	simm.s32 $0xF320;
	s15 =	simm.s32 $0x14320  }
.LBB2_5:
0x11b: {  	_ =	sfence.sel $0x180000  }
0x11c: {  	[bflag:$0x0] =	sbarrier.arrive $0xFFFF  }
0x11d: {  	_ =	strace $0x90000047  }
0x11e: {  	s0 =	stileid.u32;
	[bflag:$0x2] =	sbarrier.arrive $0xFFFF  }
0x11f: {  	p0 =	sne.s32 s0, $0x0;
	s0 =	rddreg [dreg:$0x2]  }
0x120: {  	s0 =	sadd.s32 @!p0 $0x100000, s0  }
0x121: {  	[sflag:s0] =	ssyncadd.tile.s32 @!p0 $0x1;
	_ =	shalt  }
.Lfunc_end2:
_tile_overlayer_lowered:
.L_overlay_start_2:
0x122: {  	(tag) =	ssettag $0x2  }
0x123: {  	s0 =	rddreg [dreg:$0x0];
	s2 =	stileid.u32  }
0x124: {  	s1 =	rddreg [dreg:$0x1];
	p0 =	sne.s32 s2, $0x0  }
0x125: {  	s3 =	rddreg [dreg:$0x2];
	[bflag:$0x3] =	sbarrier.arrive $0xFFFF;
	s2 =	simm.s32 @!p0 $0x1C15  }
0x126: {  	[timem:s3], [sflag:s2] =	dma.local @!p0 [hbm:s0], s1  }
0x127: {  	s0 =	simm.s32 @!p0 $0x15  }
0x128: {  	_ =	swait.ge @!p0 [sflag:s0], s1  }
0x129: {  	s1 =	ssub.s32 @!p0 $0x0, s1;
	[sflag:s0] =	ssyncset.done @!p0 $0x0  }
0x12a: {  	[sflag:s0] =	ssyncadd.s32 @!p0 s1  }
0x12b: {  	[bflag:$0x3] =	sbarrier.arrive $0xFFFF  }
0x12c: {  	_ =	shalt  }

</sc_bundles>
